<compile_context>
chip_gen: v7x
topology: tpu7x:2x2x1
jax: 0.10.2.dev20260603
libtpu: 0.0.44.dev20260713+nightly
codegen_flags: <defaults>
</compile_context>

<pallas_src>
import functools

import jax
import jax.numpy as jnp
from jax import lax
from jax.experimental import pallas as pl
from jax.experimental.pallas import tpu as pltpu
from jax.experimental.pallas import tpu_sc as plsc

N = 10000
E = 160000
F = 128
FP = 144
NREP = 4
KE = 128
CROWS = 1280
EPAD = CROWS * KE
RPT = CROWS // 16
NBUF = 2
ZR = 128
ROWS = 624


def _sc_aggregate(src2, dst2, xaug3, zrows):
  mesh = plsc.VectorSubcoreMesh(core_axis_name="c", subcore_axis_name="s")

  @functools.partial(
      pl.kernel,
      mesh=mesh,
      compiler_params=pltpu.CompilerParams(use_tc_tiling_on_sc=False),
      out_type=jax.ShapeDtypeStruct((NREP * N, FP), jnp.float32),
      scratch_types=(
          [pltpu.VMEM((KE,), jnp.int32)] * 4 +
          [pltpu.VMEM((KE,), jnp.int32)] * 4 +
          [pltpu.VMEM((NBUF, KE, FP), jnp.float32),
           pltpu.VMEM_SHARED((N, FP), jnp.float32),
           pltpu.SemaphoreType.DMA((NBUF,)),
           pltpu.SemaphoreType.DMA((4,))]
      ),
  )
  def k(src2_hbm, dst2_hbm, xaug_hbm, z_hbm, out_hbm,
        si0, si1, si2, si3, di0, di1, di2, di3, rows_v, acc, gsem, isem):
    sis = [si0, si1, si2, si3]
    dis = [di0, di1, di2, di3]
    c = lax.axis_index("c")
    s = lax.axis_index("s")
    row_base = s * ROWS
    cbase = s * RPT

    def idxload(j, q):
      pltpu.async_copy(src2_hbm.at[cbase + j], sis[q], isem.at[q])
      pltpu.async_copy(dst2_hbm.at[cbase + j], dis[q], isem.at[q])

    def iwait(q):
      pltpu.make_async_copy(src2_hbm.at[0], sis[q], isem.at[q]).wait()
      pltpu.make_async_copy(dst2_hbm.at[0], dis[q], isem.at[q]).wait()

    def gwait(p):
      pltpu.make_async_copy(
          xaug_hbm.at[0].at[pl.ds(0, KE)], rows_v.at[p], gsem.at[p]).wait()

    def scatter(q, p):
      pltpu.sync_copy(rows_v.at[p], acc.at[dis[q]], add=True)

    for rr in range(NREP // 2):
      r = rr * 2 + c

      def gstart(q, p):
        pltpu.async_copy(
            xaug_hbm.at[r].at[sis[q]], rows_v.at[p], gsem.at[p])

      pltpu.sync_copy(z_hbm.at[pl.ds(0, ROWS)],
                      acc.at[pl.ds(row_base, ROWS)])

      @pl.when(s == 15)
      def _():
        pltpu.sync_copy(z_hbm.at[pl.ds(0, 16)], acc.at[pl.ds(16 * ROWS, 16)])

      plsc.subcore_barrier()

      idxload(0, 0)
      idxload(1, 1)
      iwait(0)
      gstart(0, 0)
      iwait(1)
      gstart(1, 1)

      def blk(i, carry):
        for pp in range(4):
          j = i * 4 + pp
          p = pp % NBUF
          q2 = (pp + 2) % 4
          gwait(p)

          @pl.when(j + 2 < RPT)
          def _():
            idxload(j + 2, q2)

          scatter(pp, p)

          @pl.when(j + 2 < RPT)
          def _():
            iwait(q2)
            gstart(q2, p)
        return carry

      lax.fori_loop(0, RPT // 4, blk, 0)

      plsc.subcore_barrier()

      pltpu.sync_copy(acc.at[pl.ds(row_base, ROWS)],
                      out_hbm.at[pl.ds(r * N + row_base, ROWS)])

      @pl.when(s == 15)
      def _():
        pltpu.sync_copy(acc.at[pl.ds(16 * ROWS, 16)],
                        out_hbm.at[pl.ds(r * N + 16 * ROWS, 16)])

      plsc.subcore_barrier()

  return k(src2, dst2, xaug3, zrows)


def _tc_self(x_ref, ws_ref, b_ref, o_ref):
  ws = ws_ref[...]
  bias = b_ref[0, :]
  for t in range(2):
    o_ref[0, :, t, :] = bias + jnp.dot(
        x_ref[0, :, t, :], ws, preferred_element_type=jnp.float32,
        precision=lax.Precision.HIGHEST)


def _tc_fin(s_ref, agg_ref, wn_ref, o_ref):
  wn = wn_ref[...]
  for t in range(2):
    ag = agg_ref[t, :, 0:F]
    deg = agg_ref[t, :, F:F + 1]
    mean = ag / jnp.maximum(deg, 1.0)
    acc = jnp.dot(mean, wn, preferred_element_type=jnp.float32,
                  precision=lax.Precision.HIGHEST)
    o_ref[0, :, t, :] = jnp.maximum(acc + s_ref[0, :, t, :], 0.0)


def kernel(X, g, W_self, W_neigh, b):
  B, n, T, f = X.shape
  src = g[0]
  dst = g[1]

  t1 = jnp.transpose(X, (0, 2, 1, 3)).reshape(NREP * N, F)
  xaug = jnp.concatenate(
      [t1,
       jnp.ones((NREP * N, 1), jnp.float32),
       jnp.zeros((NREP * N, FP - F - 1), jnp.float32)], axis=1)
  xaug3 = jnp.concatenate(
      [xaug.reshape(NREP, N, FP), jnp.zeros((NREP, ZR, FP), jnp.float32)],
      axis=1)
  zrows = jnp.zeros((ROWS, FP), jnp.float32)

  pad = EPAD - E
  src_p = jnp.concatenate(
      [src, N + (jnp.arange(pad, dtype=jnp.int32) % ZR)])
  dst_p = jnp.concatenate(
      [dst, jnp.arange(pad, dtype=jnp.int32) % N])
  src2 = src_p.reshape(CROWS, KE)
  dst2 = dst_p.reshape(CROWS, KE)

  agg = _sc_aggregate(src2, dst2, xaug3, zrows).reshape(NREP, N, FP)

  RB = 2000
  selfterm = pl.pallas_call(
      _tc_self,
      grid=(B, N // RB),
      in_specs=[
          pl.BlockSpec((1, RB, T, F), lambda bb, nn: (bb, nn, 0, 0)),
          pl.BlockSpec((F, F), lambda bb, nn: (0, 0)),
          pl.BlockSpec((1, F), lambda bb, nn: (0, 0)),
      ],
      out_specs=pl.BlockSpec((1, RB, T, F), lambda bb, nn: (bb, nn, 0, 0)),
      out_shape=jax.ShapeDtypeStruct((B, N, T, F), jnp.float32),
  )(X, W_self.T, b.reshape(1, F))

  out = pl.pallas_call(
      _tc_fin,
      grid=(B, N // RB),
      in_specs=[
          pl.BlockSpec((1, RB, T, F), lambda bb, nn: (bb, nn, 0, 0)),
          pl.BlockSpec((T, RB, FP), lambda bb, nn: (bb, nn, 0)),
          pl.BlockSpec((F, F), lambda bb, nn: (0, 0)),
      ],
      out_specs=pl.BlockSpec((1, RB, T, F), lambda bb, nn: (bb, nn, 0, 0)),
      out_shape=jax.ShapeDtypeStruct((B, N, T, F), jnp.float32),
  )(selfterm, agg, W_neigh.T)
  return out

# --- scband reference (transcript-rebuilt; emitter-appended) ---
"""Pipeline reference for scband-gcnblock-16363825397958 (READ-ONLY COPY).

The authoritative reference and input builder live on the scoring server;
editing this copy changes nothing except your own understanding.
"""

import jax, jax.numpy as jnp
import numpy as np

N = 10000
E = 160000
B = 2
T = 2
F_IN = 128
F_OUT = 128


def setup_inputs(seed: int = 0) -> dict:
    key = jax.random.key(seed)
    k1, k2, k3, k4, k5 = jax.random.split(key, 5)
    X = jax.random.normal(k1, (B, N, T, F_IN), dtype=jnp.float32)
    # edge_index: [2, E] with values in [0, N)
    g = jax.random.randint(k2, (2, E), 0, N, dtype=jnp.int32)
    # GraphSAGE (mean aggregator) parameters: lin_r (self) and lin_l (neighbor) + bias
    scale = 1.0 / np.sqrt(F_IN)
    W_self = jax.random.normal(k3, (F_OUT, F_IN), dtype=jnp.float32) * scale
    W_neigh = jax.random.normal(k4, (F_OUT, F_IN), dtype=jnp.float32) * scale
    b = jax.random.normal(k5, (F_OUT,), dtype=jnp.float32) * 0.01
    return {"X": X, "g": g, "W_self": W_self, "W_neigh": W_neigh, "b": b}


def _sage_conv(x, src, dst, W_self, W_neigh, b):
    # x: [N, F_IN]; mean aggregation of neighbor messages by destination node
    msgs = x[src]  # gather: [E, F_IN]
    agg = jax.ops.segment_sum(msgs, dst, num_segments=N)
    deg = jax.ops.segment_sum(jnp.ones((E,), dtype=jnp.float32), dst, num_segments=N)
    mean = agg / jnp.clip(deg, 1.0)[:, None]
    return mean @ W_neigh.T + x @ W_self.T + b


def reference(X, g, W_self, W_neigh, b):
    # X: [B, N, T, F_IN] -> t1: [B*T, N, F_IN]
    t1 = jnp.transpose(X, (0, 2, 1, 3)).reshape(-1, N, F_IN)
    src = g[0]
    dst = g[1]
    conv = jax.vmap(lambda x: _sage_conv(x, src, dst, W_self, W_neigh, b))
    t2 = jax.nn.relu(conv(t1))  # [B*T, N, F_OUT]
    out = t2.reshape(X.shape[0], X.shape[2], N, F_OUT)
    out = jnp.transpose(out, (0, 2, 1, 3))  # [B, N, T, F_OUT]
    return out

if __name__ == "__main__":
    import jax
    _d = setup_inputs()
    print(jax.jit(kernel)(*tuple(_d.values())))

</pallas_src>

<mosaic_0001>
#map = affine_map<(d0, d1) -> (0, 0)>
#map1 = affine_map<(d0, d1) -> (0, 0, 0)>
module attributes {stable_mosaic.version = 14 : i64} {
  func.func @k(%arg0: i32, %arg1: i32, %arg2: memref<1280x128xi32, #tpu.memory_space<hbm>>, %arg3: memref<1280x128xi32, #tpu.memory_space<hbm>>, %arg4: memref<4x10128x144xf32, #tpu.memory_space<hbm>>, %arg5: memref<624x144xf32, #tpu.memory_space<hbm>>, %arg6: memref<40000x144xf32, #tpu.memory_space<hbm>>, %arg7: memref<128xi32, #tpu.memory_space<vmem>>, %arg8: memref<128xi32, #tpu.memory_space<vmem>>, %arg9: memref<128xi32, #tpu.memory_space<vmem>>, %arg10: memref<128xi32, #tpu.memory_space<vmem>>, %arg11: memref<128xi32, #tpu.memory_space<vmem>>, %arg12: memref<128xi32, #tpu.memory_space<vmem>>, %arg13: memref<128xi32, #tpu.memory_space<vmem>>, %arg14: memref<128xi32, #tpu.memory_space<vmem>>, %arg15: memref<2x128x144xf32, #tpu.memory_space<vmem>>, %arg16: memref<10000x144xf32, #tpu.memory_space<vmem_shared>>, %arg17: memref<2x!tpu.dma_semaphore, #tpu.memory_space<semaphore_mem>>, %arg18: memref<4x!tpu.dma_semaphore, #tpu.memory_space<semaphore_mem>>) attributes {dimension_semantics = [#tpu.dimension_semantics<core_parallel>, #tpu.dimension_semantics<subcore_parallel>], iteration_bounds = array<i64: 2, 16>, scalar_prefetch = 0 : i64, scratch_operands = 12 : i64, tpu.core_type = #tpu.core_type<sc_vector_subcore>, window_params = [{transform_indices = #map}, {transform_indices = #map}, {transform_indices = #map1}, {transform_indices = #map}, {transform_indices = #map}]} {
    %mul3A = arith.constant 624 : i32
    %mul3A_0 = arith.muli %arg1, %mul3A : i32
    %mul3A_1 = arith.constant 80 : i32
    %mul3A_2 = arith.muli %arg1, %mul3A_1 : i32
    %add3A = arith.constant 0 : i32
    %add3A_3 = arith.addi %add3A, %arg0 : i32
    "tpu.region"() ({
      %run_scoped3A = tpu.sem_alloc : memref<!tpu.dma_semaphore, #tpu.memory_space<semaphore_mem>>
      %dma_start3A_271 = arith.constant 0 : i32
      %dma_start3A_272 = tpu.memref_slice %arg16[%mul3A_0, %dma_start3A_271] : memref<10000x144xf32, #tpu.memory_space<vmem_shared>> -> memref<624x144xf32, #tpu.memory_space<vmem_shared>>
      %dma_start3A_273 = arith.constant 0 : i32
      %dma_start3A_274 = arith.constant 0 : i32
      %dma_start3A_275 = tpu.memref_slice %arg5[%dma_start3A_273, %dma_start3A_274] : memref<624x144xf32, #tpu.memory_space<hbm>> -> memref<624x144xf32, #tpu.memory_space<hbm>>
      tpu.enqueue_dma source(%dma_start3A_275 : memref<624x144xf32, #tpu.memory_space<hbm>>) target(%dma_start3A_272 : memref<624x144xf32, #tpu.memory_space<vmem_shared>>) target_semaphore(%run_scoped3A : memref<!tpu.dma_semaphore, #tpu.memory_space<semaphore_mem>>)
      %dma_wait3A_276 = arith.constant 0 : i32
      %dma_wait3A_277 = tpu.memref_slice %arg16[%mul3A_0, %dma_wait3A_276] : memref<10000x144xf32, #tpu.memory_space<vmem_shared>> -> memref<624x144xf32, #tpu.memory_space<vmem_shared>>
      %dma_wait3A_278 = arith.constant 0 : i32
      %dma_wait3A_279 = arith.constant 0 : i32
      %dma_wait3A_280 = tpu.memref_slice %arg5[%dma_wait3A_278, %dma_wait3A_279] : memref<624x144xf32, #tpu.memory_space<hbm>> -> memref<624x144xf32, #tpu.memory_space<hbm>>
      tpu.wait_dma2 semaphore(%run_scoped3A : memref<!tpu.dma_semaphore, #tpu.memory_space<semaphore_mem>>) src(%dma_wait3A_280 : memref<624x144xf32, #tpu.memory_space<hbm>>) dst(%dma_wait3A_277 : memref<624x144xf32, #tpu.memory_space<vmem_shared>>)
      tpu.yield
    }) : () -> ()
    %eq3A = arith.constant 15 : i32
    %eq3A_4 = arith.cmpi eq, %arg1, %eq3A : i32
    %convert_element_type3A = arith.extui %eq3A_4 : i1 to i32
    %cond3A = arith.constant 0 : i32
    %cond3A_5 = arith.cmpi ne, %convert_element_type3A, %cond3A : i32
    scf.if %cond3A_5 {
      "tpu.region"() ({
        %run_scoped3A = tpu.sem_alloc : memref<!tpu.dma_semaphore, #tpu.memory_space<semaphore_mem>>
        %dma_start3A_271 = arith.constant 9984 : i32
        %dma_start3A_272 = arith.constant 0 : i32
        %dma_start3A_273 = tpu.memref_slice %arg16[%dma_start3A_271, %dma_start3A_272] : memref<10000x144xf32, #tpu.memory_space<vmem_shared>> -> memref<16x144xf32, #tpu.memory_space<vmem_shared>>
        %dma_start3A_274 = arith.constant 0 : i32
        %dma_start3A_275 = arith.constant 0 : i32
        %dma_start3A_276 = tpu.memref_slice %arg5[%dma_start3A_274, %dma_start3A_275] : memref<624x144xf32, #tpu.memory_space<hbm>> -> memref<16x144xf32, #tpu.memory_space<hbm>>
        tpu.enqueue_dma source(%dma_start3A_276 : memref<16x144xf32, #tpu.memory_space<hbm>>) target(%dma_start3A_273 : memref<16x144xf32, #tpu.memory_space<vmem_shared>>) target_semaphore(%run_scoped3A : memref<!tpu.dma_semaphore, #tpu.memory_space<semaphore_mem>>)
        %dma_wait3A_277 = arith.constant 9984 : i32
        %dma_wait3A_278 = arith.constant 0 : i32
        %dma_wait3A_279 = tpu.memref_slice %arg16[%dma_wait3A_277, %dma_wait3A_278] : memref<10000x144xf32, #tpu.memory_space<vmem_shared>> -> memref<16x144xf32, #tpu.memory_space<vmem_shared>>
        %dma_wait3A_280 = arith.constant 0 : i32
        %dma_wait3A_281 = arith.constant 0 : i32
        %dma_wait3A_282 = tpu.memref_slice %arg5[%dma_wait3A_280, %dma_wait3A_281] : memref<624x144xf32, #tpu.memory_space<hbm>> -> memref<16x144xf32, #tpu.memory_space<hbm>>
        tpu.wait_dma2 semaphore(%run_scoped3A : memref<!tpu.dma_semaphore, #tpu.memory_space<semaphore_mem>>) src(%dma_wait3A_282 : memref<16x144xf32, #tpu.memory_space<hbm>>) dst(%dma_wait3A_279 : memref<16x144xf32, #tpu.memory_space<vmem_shared>>)
        tpu.yield
      }) : () -> ()
    } else {
    }
    %barrier3A = arith.constant 0 : index
    tpu.barrier barrier_id(%barrier3A)
    %add3A_6 = arith.constant 0 : i32
    %add3A_7 = arith.addi %mul3A_2, %add3A_6 : i32
    %dma_start3A = arith.constant 0 : i32
    %dma_start3A_8 = arith.constant 0 : i32
    %dma_start3A_9 = tpu.memref_slice %arg2[%add3A_7, %dma_start3A_8] : memref<1280x128xi32, #tpu.memory_space<hbm>> -> memref<1x128xi32, #tpu.memory_space<hbm>>
    %dma_start3A_10 = tpu.memref_squeeze %dma_start3A_9 : memref<1x128xi32, #tpu.memory_space<hbm>> -> memref<128xi32, #tpu.memory_space<hbm>>
    %dma_start3A_11 = tpu.memref_slice %arg18[%dma_start3A] : memref<4x!tpu.dma_semaphore, #tpu.memory_space<semaphore_mem>> -> memref<1x!tpu.dma_semaphore, #tpu.memory_space<semaphore_mem>>
    %dma_start3A_12 = tpu.memref_squeeze %dma_start3A_11 : memref<1x!tpu.dma_semaphore, #tpu.memory_space<semaphore_mem>> -> memref<!tpu.dma_semaphore, #tpu.memory_space<semaphore_mem>>
    %dma_start3A_13 = arith.constant 0 : i32
    %dma_start3A_14 = tpu.memref_slice %arg2[%add3A_7, %dma_start3A_13] : memref<1280x128xi32, #tpu.memory_space<hbm>> -> memref<1x128xi32, #tpu.memory_space<hbm>>
    %dma_start3A_15 = tpu.memref_squeeze %dma_start3A_14 : memref<1x128xi32, #tpu.memory_space<hbm>> -> memref<128xi32, #tpu.memory_space<hbm>>
    tpu.enqueue_dma source(%dma_start3A_15 : memref<128xi32, #tpu.memory_space<hbm>>) target(%arg7 : memref<128xi32, #tpu.memory_space<vmem>>) target_semaphore(%dma_start3A_12 : memref<!tpu.dma_semaphore, #tpu.memory_space<semaphore_mem>>)
    %add3A_16 = arith.constant 0 : i32
    %add3A_17 = arith.addi %mul3A_2, %add3A_16 : i32
    %dma_start3A_18 = arith.constant 0 : i32
    %dma_start3A_19 = arith.constant 0 : i32
    %dma_start3A_20 = tpu.memref_slice %arg3[%add3A_17, %dma_start3A_19] : memref<1280x128xi32, #tpu.memory_space<hbm>> -> memref<1x128xi32, #tpu.memory_space<hbm>>
    %dma_start3A_21 = tpu.memref_squeeze %dma_start3A_20 : memref<1x128xi32, #tpu.memory_space<hbm>> -> memref<128xi32, #tpu.memory_space<hbm>>
    %dma_start3A_22 = tpu.memref_slice %arg18[%dma_start3A_18] : memref<4x!tpu.dma_semaphore, #tpu.memory_space<semaphore_mem>> -> memref<1x!tpu.dma_semaphore, #tpu.memory_space<semaphore_mem>>
    %dma_start3A_23 = tpu.memref_squeeze %dma_start3A_22 : memref<1x!tpu.dma_semaphore, #tpu.memory_space<semaphore_mem>> -> memref<!tpu.dma_semaphore, #tpu.memory_space<semaphore_mem>>
    %dma_start3A_24 = arith.constant 0 : i32
    %dma_start3A_25 = tpu.memref_slice %arg3[%add3A_17, %dma_start3A_24] : memref<1280x128xi32, #tpu.memory_space<hbm>> -> memref<1x128xi32, #tpu.memory_space<hbm>>
    %dma_start3A_26 = tpu.memref_squeeze %dma_start3A_25 : memref<1x128xi32, #tpu.memory_space<hbm>> -> memref<128xi32, #tpu.memory_space<hbm>>
    tpu.enqueue_dma source(%dma_start3A_26 : memref<128xi32, #tpu.memory_space<hbm>>) target(%arg11 : memref<128xi32, #tpu.memory_space<vmem>>) target_semaphore(%dma_start3A_23 : memref<!tpu.dma_semaphore, #tpu.memory_space<semaphore_mem>>)
    %add3A_27 = arith.constant 1 : i32
    %add3A_28 = arith.addi %mul3A_2, %add3A_27 : i32
    %dma_start3A_29 = arith.constant 1 : i32
    %dma_start3A_30 = arith.constant 0 : i32
    %dma_start3A_31 = tpu.memref_slice %arg2[%add3A_28, %dma_start3A_30] : memref<1280x128xi32, #tpu.memory_space<hbm>> -> memref<1x128xi32, #tpu.memory_space<hbm>>
    %dma_start3A_32 = tpu.memref_squeeze %dma_start3A_31 : memref<1x128xi32, #tpu.memory_space<hbm>> -> memref<128xi32, #tpu.memory_space<hbm>>
    %dma_start3A_33 = tpu.memref_slice %arg18[%dma_start3A_29] : memref<4x!tpu.dma_semaphore, #tpu.memory_space<semaphore_mem>> -> memref<1x!tpu.dma_semaphore, #tpu.memory_space<semaphore_mem>>
    %dma_start3A_34 = tpu.memref_squeeze %dma_start3A_33 : memref<1x!tpu.dma_semaphore, #tpu.memory_space<semaphore_mem>> -> memref<!tpu.dma_semaphore, #tpu.memory_space<semaphore_mem>>
    %dma_start3A_35 = arith.constant 0 : i32
    %dma_start3A_36 = tpu.memref_slice %arg2[%add3A_28, %dma_start3A_35] : memref<1280x128xi32, #tpu.memory_space<hbm>> -> memref<1x128xi32, #tpu.memory_space<hbm>>
    %dma_start3A_37 = tpu.memref_squeeze %dma_start3A_36 : memref<1x128xi32, #tpu.memory_space<hbm>> -> memref<128xi32, #tpu.memory_space<hbm>>
    tpu.enqueue_dma source(%dma_start3A_37 : memref<128xi32, #tpu.memory_space<hbm>>) target(%arg8 : memref<128xi32, #tpu.memory_space<vmem>>) target_semaphore(%dma_start3A_34 : memref<!tpu.dma_semaphore, #tpu.memory_space<semaphore_mem>>)
    %add3A_38 = arith.constant 1 : i32
    %add3A_39 = arith.addi %mul3A_2, %add3A_38 : i32
    %dma_start3A_40 = arith.constant 1 : i32
    %dma_start3A_41 = arith.constant 0 : i32
    %dma_start3A_42 = tpu.memref_slice %arg3[%add3A_39, %dma_start3A_41] : memref<1280x128xi32, #tpu.memory_space<hbm>> -> memref<1x128xi32, #tpu.memory_space<hbm>>
    %dma_start3A_43 = tpu.memref_squeeze %dma_start3A_42 : memref<1x128xi32, #tpu.memory_space<hbm>> -> memref<128xi32, #tpu.memory_space<hbm>>
    %dma_start3A_44 = tpu.memref_slice %arg18[%dma_start3A_40] : memref<4x!tpu.dma_semaphore, #tpu.memory_space<semaphore_mem>> -> memref<1x!tpu.dma_semaphore, #tpu.memory_space<semaphore_mem>>
    %dma_start3A_45 = tpu.memref_squeeze %dma_start3A_44 : memref<1x!tpu.dma_semaphore, #tpu.memory_space<semaphore_mem>> -> memref<!tpu.dma_semaphore, #tpu.memory_space<semaphore_mem>>
    %dma_start3A_46 = arith.constant 0 : i32
    %dma_start3A_47 = tpu.memref_slice %arg3[%add3A_39, %dma_start3A_46] : memref<1280x128xi32, #tpu.memory_space<hbm>> -> memref<1x128xi32, #tpu.memory_space<hbm>>
    %dma_start3A_48 = tpu.memref_squeeze %dma_start3A_47 : memref<1x128xi32, #tpu.memory_space<hbm>> -> memref<128xi32, #tpu.memory_space<hbm>>
    tpu.enqueue_dma source(%dma_start3A_48 : memref<128xi32, #tpu.memory_space<hbm>>) target(%arg12 : memref<128xi32, #tpu.memory_space<vmem>>) target_semaphore(%dma_start3A_45 : memref<!tpu.dma_semaphore, #tpu.memory_space<semaphore_mem>>)
    %dma_wait3A = arith.constant 0 : i32
    %dma_wait3A_49 = arith.constant 0 : i32
    %dma_wait3A_50 = arith.constant 0 : i32
    %dma_wait3A_51 = tpu.memref_slice %arg2[%dma_wait3A, %dma_wait3A_50] : memref<1280x128xi32, #tpu.memory_space<hbm>> -> memref<1x128xi32, #tpu.memory_space<hbm>>
    %dma_wait3A_52 = tpu.memref_squeeze %dma_wait3A_51 : memref<1x128xi32, #tpu.memory_space<hbm>> -> memref<128xi32, #tpu.memory_space<hbm>>
    %dma_wait3A_53 = tpu.memref_slice %arg18[%dma_wait3A_49] : memref<4x!tpu.dma_semaphore, #tpu.memory_space<semaphore_mem>> -> memref<1x!tpu.dma_semaphore, #tpu.memory_space<semaphore_mem>>
    %dma_wait3A_54 = tpu.memref_squeeze %dma_wait3A_53 : memref<1x!tpu.dma_semaphore, #tpu.memory_space<semaphore_mem>> -> memref<!tpu.dma_semaphore, #tpu.memory_space<semaphore_mem>>
    %dma_wait3A_55 = arith.constant 0 : i32
    %dma_wait3A_56 = tpu.memref_slice %arg2[%dma_wait3A, %dma_wait3A_55] : memref<1280x128xi32, #tpu.memory_space<hbm>> -> memref<1x128xi32, #tpu.memory_space<hbm>>
    %dma_wait3A_57 = tpu.memref_squeeze %dma_wait3A_56 : memref<1x128xi32, #tpu.memory_space<hbm>> -> memref<128xi32, #tpu.memory_space<hbm>>
    tpu.wait_dma2 semaphore(%dma_wait3A_54 : memref<!tpu.dma_semaphore, #tpu.memory_space<semaphore_mem>>) src(%dma_wait3A_57 : memref<128xi32, #tpu.memory_space<hbm>>) dst(%arg7 : memref<128xi32, #tpu.memory_space<vmem>>)
    %dma_wait3A_58 = arith.constant 0 : i32
    %dma_wait3A_59 = arith.constant 0 : i32
    %dma_wait3A_60 = arith.constant 0 : i32
    %dma_wait3A_61 = tpu.memref_slice %arg3[%dma_wait3A_58, %dma_wait3A_60] : memref<1280x128xi32, #tpu.memory_space<hbm>> -> memref<1x128xi32, #tpu.memory_space<hbm>>
    %dma_wait3A_62 = tpu.memref_squeeze %dma_wait3A_61 : memref<1x128xi32, #tpu.memory_space<hbm>> -> memref<128xi32, #tpu.memory_space<hbm>>
    %dma_wait3A_63 = tpu.memref_slice %arg18[%dma_wait3A_59] : memref<4x!tpu.dma_semaphore, #tpu.memory_space<semaphore_mem>> -> memref<1x!tpu.dma_semaphore, #tpu.memory_space<semaphore_mem>>
    %dma_wait3A_64 = tpu.memref_squeeze %dma_wait3A_63 : memref<1x!tpu.dma_semaphore, #tpu.memory_space<semaphore_mem>> -> memref<!tpu.dma_semaphore, #tpu.memory_space<semaphore_mem>>
    %dma_wait3A_65 = arith.constant 0 : i32
    %dma_wait3A_66 = tpu.memref_slice %arg3[%dma_wait3A_58, %dma_wait3A_65] : memref<1280x128xi32, #tpu.memory_space<hbm>> -> memref<1x128xi32, #tpu.memory_space<hbm>>
    %dma_wait3A_67 = tpu.memref_squeeze %dma_wait3A_66 : memref<1x128xi32, #tpu.memory_space<hbm>> -> memref<128xi32, #tpu.memory_space<hbm>>
    tpu.wait_dma2 semaphore(%dma_wait3A_64 : memref<!tpu.dma_semaphore, #tpu.memory_space<semaphore_mem>>) src(%dma_wait3A_67 : memref<128xi32, #tpu.memory_space<hbm>>) dst(%arg11 : memref<128xi32, #tpu.memory_space<vmem>>)
    %dma_start3A_68 = arith.constant 0 : i32
    %dma_start3A_69 = arith.constant 0 : i32
    %dma_start3A_70 = arith.constant 0 : i32
    %dma_start3A_71 = arith.constant 0 : i32
    %dma_start3A_72 = tpu.memref_slice %arg15[%dma_start3A_68, %dma_start3A_70, %dma_start3A_71] : memref<2x128x144xf32, #tpu.memory_space<vmem>> -> memref<1x128x144xf32, #tpu.memory_space<vmem>>
    %dma_start3A_73 = tpu.memref_squeeze %dma_start3A_72 : memref<1x128x144xf32, #tpu.memory_space<vmem>> -> memref<128x144xf32, #tpu.memory_space<vmem>>
    %dma_start3A_74 = arith.constant 0 : i32
    %dma_start3A_75 = arith.constant 0 : i32
    %dma_start3A_76 = tpu.memref_slice %arg4[%add3A_3, %dma_start3A_74, %dma_start3A_75] : memref<4x10128x144xf32, #tpu.memory_space<hbm>> -> memref<1x10128x144xf32, #tpu.memory_space<hbm>>
    %dma_start3A_77 = tpu.memref_squeeze %dma_start3A_76 : memref<1x10128x144xf32, #tpu.memory_space<hbm>> -> memref<10128x144xf32, #tpu.memory_space<hbm>>
    %dma_start3A_78 = arith.constant 0 : i32
    %dma_start3A_79 = arith.constant 0 : i32
    %dma_start3A_80 = tpu.memref_slice %dma_start3A_77[%dma_start3A_78, %dma_start3A_79] : memref<10128x144xf32, #tpu.memory_space<hbm>> -> memref<10128x144xf32, #tpu.memory_space<hbm>>
    %dma_start3A_81 = tpu.memref_slice %arg17[%dma_start3A_69] : memref<2x!tpu.dma_semaphore, #tpu.memory_space<semaphore_mem>> -> memref<1x!tpu.dma_semaphore, #tpu.memory_space<semaphore_mem>>
    %dma_start3A_82 = tpu.memref_squeeze %dma_start3A_81 : memref<1x!tpu.dma_semaphore, #tpu.memory_space<semaphore_mem>> -> memref<!tpu.dma_semaphore, #tpu.memory_space<semaphore_mem>>
    tpu.enqueue_indirect_dma source(%dma_start3A_80 : memref<10128x144xf32, #tpu.memory_space<hbm>>) target(%dma_start3A_73 : memref<128x144xf32, #tpu.memory_space<vmem>>) offsets(%arg7 : memref<128xi32, #tpu.memory_space<vmem>>) semaphore(%dma_start3A_82 : memref<!tpu.dma_semaphore, #tpu.memory_space<semaphore_mem>>)
    %dma_wait3A_83 = arith.constant 0 : i32
    %dma_wait3A_84 = arith.constant 1 : i32
    %dma_wait3A_85 = arith.constant 0 : i32
    %dma_wait3A_86 = tpu.memref_slice %arg2[%dma_wait3A_83, %dma_wait3A_85] : memref<1280x128xi32, #tpu.memory_space<hbm>> -> memref<1x128xi32, #tpu.memory_space<hbm>>
    %dma_wait3A_87 = tpu.memref_squeeze %dma_wait3A_86 : memref<1x128xi32, #tpu.memory_space<hbm>> -> memref<128xi32, #tpu.memory_space<hbm>>
    %dma_wait3A_88 = tpu.memref_slice %arg18[%dma_wait3A_84] : memref<4x!tpu.dma_semaphore, #tpu.memory_space<semaphore_mem>> -> memref<1x!tpu.dma_semaphore, #tpu.memory_space<semaphore_mem>>
    %dma_wait3A_89 = tpu.memref_squeeze %dma_wait3A_88 : memref<1x!tpu.dma_semaphore, #tpu.memory_space<semaphore_mem>> -> memref<!tpu.dma_semaphore, #tpu.memory_space<semaphore_mem>>
    %dma_wait3A_90 = arith.constant 0 : i32
    %dma_wait3A_91 = tpu.memref_slice %arg2[%dma_wait3A_83, %dma_wait3A_90] : memref<1280x128xi32, #tpu.memory_space<hbm>> -> memref<1x128xi32, #tpu.memory_space<hbm>>
    %dma_wait3A_92 = tpu.memref_squeeze %dma_wait3A_91 : memref<1x128xi32, #tpu.memory_space<hbm>> -> memref<128xi32, #tpu.memory_space<hbm>>
    tpu.wait_dma2 semaphore(%dma_wait3A_89 : memref<!tpu.dma_semaphore, #tpu.memory_space<semaphore_mem>>) src(%dma_wait3A_92 : memref<128xi32, #tpu.memory_space<hbm>>) dst(%arg8 : memref<128xi32, #tpu.memory_space<vmem>>)
    %dma_wait3A_93 = arith.constant 0 : i32
    %dma_wait3A_94 = arith.constant 1 : i32
    %dma_wait3A_95 = arith.constant 0 : i32
    %dma_wait3A_96 = tpu.memref_slice %arg3[%dma_wait3A_93, %dma_wait3A_95] : memref<1280x128xi32, #tpu.memory_space<hbm>> -> memref<1x128xi32, #tpu.memory_space<hbm>>
    %dma_wait3A_97 = tpu.memref_squeeze %dma_wait3A_96 : memref<1x128xi32, #tpu.memory_space<hbm>> -> memref<128xi32, #tpu.memory_space<hbm>>
    %dma_wait3A_98 = tpu.memref_slice %arg18[%dma_wait3A_94] : memref<4x!tpu.dma_semaphore, #tpu.memory_space<semaphore_mem>> -> memref<1x!tpu.dma_semaphore, #tpu.memory_space<semaphore_mem>>
    %dma_wait3A_99 = tpu.memref_squeeze %dma_wait3A_98 : memref<1x!tpu.dma_semaphore, #tpu.memory_space<semaphore_mem>> -> memref<!tpu.dma_semaphore, #tpu.memory_space<semaphore_mem>>
    %dma_wait3A_100 = arith.constant 0 : i32
    %dma_wait3A_101 = tpu.memref_slice %arg3[%dma_wait3A_93, %dma_wait3A_100] : memref<1280x128xi32, #tpu.memory_space<hbm>> -> memref<1x128xi32, #tpu.memory_space<hbm>>
    %dma_wait3A_102 = tpu.memref_squeeze %dma_wait3A_101 : memref<1x128xi32, #tpu.memory_space<hbm>> -> memref<128xi32, #tpu.memory_space<hbm>>
    tpu.wait_dma2 semaphore(%dma_wait3A_99 : memref<!tpu.dma_semaphore, #tpu.memory_space<semaphore_mem>>) src(%dma_wait3A_102 : memref<128xi32, #tpu.memory_space<hbm>>) dst(%arg12 : memref<128xi32, #tpu.memory_space<vmem>>)
    %dma_start3A_103 = arith.constant 1 : i32
    %dma_start3A_104 = arith.constant 1 : i32
    %dma_start3A_105 = arith.constant 0 : i32
    %dma_start3A_106 = arith.constant 0 : i32
    %dma_start3A_107 = tpu.memref_slice %arg15[%dma_start3A_103, %dma_start3A_105, %dma_start3A_106] : memref<2x128x144xf32, #tpu.memory_space<vmem>> -> memref<1x128x144xf32, #tpu.memory_space<vmem>>
    %dma_start3A_108 = tpu.memref_squeeze %dma_start3A_107 : memref<1x128x144xf32, #tpu.memory_space<vmem>> -> memref<128x144xf32, #tpu.memory_space<vmem>>
    %dma_start3A_109 = arith.constant 0 : i32
    %dma_start3A_110 = arith.constant 0 : i32
    %dma_start3A_111 = tpu.memref_slice %arg4[%add3A_3, %dma_start3A_109, %dma_start3A_110] : memref<4x10128x144xf32, #tpu.memory_space<hbm>> -> memref<1x10128x144xf32, #tpu.memory_space<hbm>>
    %dma_start3A_112 = tpu.memref_squeeze %dma_start3A_111 : memref<1x10128x144xf32, #tpu.memory_space<hbm>> -> memref<10128x144xf32, #tpu.memory_space<hbm>>
    %dma_start3A_113 = arith.constant 0 : i32
    %dma_start3A_114 = arith.constant 0 : i32
    %dma_start3A_115 = tpu.memref_slice %dma_start3A_112[%dma_start3A_113, %dma_start3A_114] : memref<10128x144xf32, #tpu.memory_space<hbm>> -> memref<10128x144xf32, #tpu.memory_space<hbm>>
    %dma_start3A_116 = tpu.memref_slice %arg17[%dma_start3A_104] : memref<2x!tpu.dma_semaphore, #tpu.memory_space<semaphore_mem>> -> memref<1x!tpu.dma_semaphore, #tpu.memory_space<semaphore_mem>>
    %dma_start3A_117 = tpu.memref_squeeze %dma_start3A_116 : memref<1x!tpu.dma_semaphore, #tpu.memory_space<semaphore_mem>> -> memref<!tpu.dma_semaphore, #tpu.memory_space<semaphore_mem>>
    tpu.enqueue_indirect_dma source(%dma_start3A_115 : memref<10128x144xf32, #tpu.memory_space<hbm>>) target(%dma_start3A_108 : memref<128x144xf32, #tpu.memory_space<vmem>>) offsets(%arg8 : memref<128xi32, #tpu.memory_space<vmem>>) semaphore(%dma_start3A_117 : memref<!tpu.dma_semaphore, #tpu.memory_space<semaphore_mem>>)
    %scan3A = arith.constant 0 : i32
    %scan3A_118 = arith.constant 0 : i32
    %scan3A_119 = arith.constant 20 : i32
    %scan3A_120 = arith.addi %scan3A_118, %scan3A_119 : i32
    %scan3A_121 = arith.constant 1 : i32
    scf.for %scan3A_271 = %scan3A_118 to %scan3A_120 step %scan3A_121  : i32 {
      %mul3A_272 = arith.constant 4 : i32
      %mul3A_273 = arith.muli %scan3A_271, %mul3A_272 : i32
      %add3A_274 = arith.constant 0 : i32
      %add3A_275 = arith.addi %mul3A_273, %add3A_274 : i32
      %dma_wait3A_276 = arith.constant 0 : i32
      %dma_wait3A_277 = arith.constant 0 : i32
      %dma_wait3A_278 = arith.constant 0 : i32
      %dma_wait3A_279 = arith.constant 0 : i32
      %dma_wait3A_280 = arith.constant 0 : i32
      %dma_wait3A_281 = tpu.memref_slice %arg15[%dma_wait3A_277, %dma_wait3A_279, %dma_wait3A_280] : memref<2x128x144xf32, #tpu.memory_space<vmem>> -> memref<1x128x144xf32, #tpu.memory_space<vmem>>
      %dma_wait3A_282 = tpu.memref_squeeze %dma_wait3A_281 : memref<1x128x144xf32, #tpu.memory_space<vmem>> -> memref<128x144xf32, #tpu.memory_space<vmem>>
      %dma_wait3A_283 = arith.constant 0 : i32
      %dma_wait3A_284 = arith.constant 0 : i32
      %dma_wait3A_285 = tpu.memref_slice %arg4[%dma_wait3A_276, %dma_wait3A_283, %dma_wait3A_284] : memref<4x10128x144xf32, #tpu.memory_space<hbm>> -> memref<1x10128x144xf32, #tpu.memory_space<hbm>>
      %dma_wait3A_286 = tpu.memref_squeeze %dma_wait3A_285 : memref<1x10128x144xf32, #tpu.memory_space<hbm>> -> memref<10128x144xf32, #tpu.memory_space<hbm>>
      %dma_wait3A_287 = arith.constant 0 : i32
      %dma_wait3A_288 = arith.constant 0 : i32
      %dma_wait3A_289 = tpu.memref_slice %dma_wait3A_286[%dma_wait3A_287, %dma_wait3A_288] : memref<10128x144xf32, #tpu.memory_space<hbm>> -> memref<128x144xf32, #tpu.memory_space<hbm>>
      %dma_wait3A_290 = tpu.memref_slice %arg17[%dma_wait3A_278] : memref<2x!tpu.dma_semaphore, #tpu.memory_space<semaphore_mem>> -> memref<1x!tpu.dma_semaphore, #tpu.memory_space<semaphore_mem>>
      %dma_wait3A_291 = tpu.memref_squeeze %dma_wait3A_290 : memref<1x!tpu.dma_semaphore, #tpu.memory_space<semaphore_mem>> -> memref<!tpu.dma_semaphore, #tpu.memory_space<semaphore_mem>>
      %dma_wait3A_292 = arith.constant 0 : i32
      %dma_wait3A_293 = arith.constant 0 : i32
      %dma_wait3A_294 = tpu.memref_slice %arg15[%dma_wait3A_277, %dma_wait3A_292, %dma_wait3A_293] : memref<2x128x144xf32, #tpu.memory_space<vmem>> -> memref<1x128x144xf32, #tpu.memory_space<vmem>>
      %dma_wait3A_295 = tpu.memref_squeeze %dma_wait3A_294 : memref<1x128x144xf32, #tpu.memory_space<vmem>> -> memref<128x144xf32, #tpu.memory_space<vmem>>
      %dma_wait3A_296 = arith.constant 0 : i32
      %dma_wait3A_297 = arith.constant 0 : i32
      %dma_wait3A_298 = tpu.memref_slice %arg4[%dma_wait3A_276, %dma_wait3A_296, %dma_wait3A_297] : memref<4x10128x144xf32, #tpu.memory_space<hbm>> -> memref<1x10128x144xf32, #tpu.memory_space<hbm>>
      %dma_wait3A_299 = tpu.memref_squeeze %dma_wait3A_298 : memref<1x10128x144xf32, #tpu.memory_space<hbm>> -> memref<10128x144xf32, #tpu.memory_space<hbm>>
      %dma_wait3A_300 = arith.constant 0 : i32
      %dma_wait3A_301 = arith.constant 0 : i32
      %dma_wait3A_302 = tpu.memref_slice %dma_wait3A_299[%dma_wait3A_300, %dma_wait3A_301] : memref<10128x144xf32, #tpu.memory_space<hbm>> -> memref<128x144xf32, #tpu.memory_space<hbm>>
      tpu.wait_dma2 semaphore(%dma_wait3A_291 : memref<!tpu.dma_semaphore, #tpu.memory_space<semaphore_mem>>) src(%dma_wait3A_302 : memref<128x144xf32, #tpu.memory_space<hbm>>) dst(%dma_wait3A_295 : memref<128x144xf32, #tpu.memory_space<vmem>>)
      %add3A_303 = arith.constant 2 : i32
      %add3A_304 = arith.addi %add3A_275, %add3A_303 : i32
      %lt3A = arith.constant 80 : i32
      %lt3A_305 = arith.cmpi slt, %add3A_304, %lt3A : i32
      %convert_element_type3A_306 = arith.extui %lt3A_305 : i1 to i32
      %cond3A_307 = arith.constant 0 : i32
      %cond3A_308 = arith.cmpi ne, %convert_element_type3A_306, %cond3A_307 : i32
      scf.if %cond3A_308 {
        %add3A_454 = arith.constant 2 : i32
        %add3A_455 = arith.addi %add3A_275, %add3A_454 : i32
        %add3A_456 = arith.addi %mul3A_2, %add3A_455 : i32
        %dma_start3A_457 = arith.constant 2 : i32
        %dma_start3A_458 = arith.constant 0 : i32
        %dma_start3A_459 = tpu.memref_slice %arg2[%add3A_456, %dma_start3A_458] : memref<1280x128xi32, #tpu.memory_space<hbm>> -> memref<1x128xi32, #tpu.memory_space<hbm>>
        %dma_start3A_460 = tpu.memref_squeeze %dma_start3A_459 : memref<1x128xi32, #tpu.memory_space<hbm>> -> memref<128xi32, #tpu.memory_space<hbm>>
        %dma_start3A_461 = tpu.memref_slice %arg18[%dma_start3A_457] : memref<4x!tpu.dma_semaphore, #tpu.memory_space<semaphore_mem>> -> memref<1x!tpu.dma_semaphore, #tpu.memory_space<semaphore_mem>>
        %dma_start3A_462 = tpu.memref_squeeze %dma_start3A_461 : memref<1x!tpu.dma_semaphore, #tpu.memory_space<semaphore_mem>> -> memref<!tpu.dma_semaphore, #tpu.memory_space<semaphore_mem>>
        %dma_start3A_463 = arith.constant 0 : i32
        %dma_start3A_464 = tpu.memref_slice %arg2[%add3A_456, %dma_start3A_463] : memref<1280x128xi32, #tpu.memory_space<hbm>> -> memref<1x128xi32, #tpu.memory_space<hbm>>
        %dma_start3A_465 = tpu.memref_squeeze %dma_start3A_464 : memref<1x128xi32, #tpu.memory_space<hbm>> -> memref<128xi32, #tpu.memory_space<hbm>>
        tpu.enqueue_dma source(%dma_start3A_465 : memref<128xi32, #tpu.memory_space<hbm>>) target(%arg9 : memref<128xi32, #tpu.memory_space<vmem>>) target_semaphore(%dma_start3A_462 : memref<!tpu.dma_semaphore, #tpu.memory_space<semaphore_mem>>)
        %add3A_466 = arith.addi %mul3A_2, %add3A_455 : i32
        %dma_start3A_467 = arith.constant 2 : i32
        %dma_start3A_468 = arith.constant 0 : i32
        %dma_start3A_469 = tpu.memref_slice %arg3[%add3A_466, %dma_start3A_468] : memref<1280x128xi32, #tpu.memory_space<hbm>> -> memref<1x128xi32, #tpu.memory_space<hbm>>
        %dma_start3A_470 = tpu.memref_squeeze %dma_start3A_469 : memref<1x128xi32, #tpu.memory_space<hbm>> -> memref<128xi32, #tpu.memory_space<hbm>>
        %dma_start3A_471 = tpu.memref_slice %arg18[%dma_start3A_467] : memref<4x!tpu.dma_semaphore, #tpu.memory_space<semaphore_mem>> -> memref<1x!tpu.dma_semaphore, #tpu.memory_space<semaphore_mem>>
        %dma_start3A_472 = tpu.memref_squeeze %dma_start3A_471 : memref<1x!tpu.dma_semaphore, #tpu.memory_space<semaphore_mem>> -> memref<!tpu.dma_semaphore, #tpu.memory_space<semaphore_mem>>
        %dma_start3A_473 = arith.constant 0 : i32
        %dma_start3A_474 = tpu.memref_slice %arg3[%add3A_466, %dma_start3A_473] : memref<1280x128xi32, #tpu.memory_space<hbm>> -> memref<1x128xi32, #tpu.memory_space<hbm>>
        %dma_start3A_475 = tpu.memref_squeeze %dma_start3A_474 : memref<1x128xi32, #tpu.memory_space<hbm>> -> memref<128xi32, #tpu.memory_space<hbm>>
        tpu.enqueue_dma source(%dma_start3A_475 : memref<128xi32, #tpu.memory_space<hbm>>) target(%arg13 : memref<128xi32, #tpu.memory_space<vmem>>) target_semaphore(%dma_start3A_472 : memref<!tpu.dma_semaphore, #tpu.memory_space<semaphore_mem>>)
      } else {
      }
      %run_scoped3A = arith.constant 0 : i32
      "tpu.region"() ({
        %run_scoped3A_454 = tpu.sem_alloc : memref<!tpu.dma_semaphore, #tpu.memory_space<semaphore_mem>>
        %dma_start3A_455 = arith.constant 0 : i32
        %dma_start3A_456 = arith.constant 0 : i32
        %dma_start3A_457 = tpu.memref_slice %arg15[%run_scoped3A, %dma_start3A_455, %dma_start3A_456] : memref<2x128x144xf32, #tpu.memory_space<vmem>> -> memref<1x128x144xf32, #tpu.memory_space<vmem>>
        %dma_start3A_458 = tpu.memref_squeeze %dma_start3A_457 : memref<1x128x144xf32, #tpu.memory_space<vmem>> -> memref<128x144xf32, #tpu.memory_space<vmem>>
        %dma_start3A_459 = arith.constant 0 : i32
        %dma_start3A_460 = arith.constant 0 : i32
        %dma_start3A_461 = tpu.memref_slice %arg16[%dma_start3A_459, %dma_start3A_460] : memref<10000x144xf32, #tpu.memory_space<vmem_shared>> -> memref<10000x144xf32, #tpu.memory_space<vmem_shared>>
        tpu.enqueue_indirect_dma source(%dma_start3A_458 : memref<128x144xf32, #tpu.memory_space<vmem>>) target(%dma_start3A_461 : memref<10000x144xf32, #tpu.memory_space<vmem_shared>>) offsets(%arg11 : memref<128xi32, #tpu.memory_space<vmem>>) semaphore(%run_scoped3A_454 : memref<!tpu.dma_semaphore, #tpu.memory_space<semaphore_mem>>) {add = true}
        %dma_wait3A_462 = arith.constant 0 : i32
        %dma_wait3A_463 = arith.constant 0 : i32
        %dma_wait3A_464 = tpu.memref_slice %arg15[%run_scoped3A, %dma_wait3A_462, %dma_wait3A_463] : memref<2x128x144xf32, #tpu.memory_space<vmem>> -> memref<1x128x144xf32, #tpu.memory_space<vmem>>
        %dma_wait3A_465 = tpu.memref_squeeze %dma_wait3A_464 : memref<1x128x144xf32, #tpu.memory_space<vmem>> -> memref<128x144xf32, #tpu.memory_space<vmem>>
        %dma_wait3A_466 = arith.constant 0 : i32
        %dma_wait3A_467 = arith.constant 0 : i32
        %dma_wait3A_468 = tpu.memref_slice %arg16[%dma_wait3A_466, %dma_wait3A_467] : memref<10000x144xf32, #tpu.memory_space<vmem_shared>> -> memref<10000x144xf32, #tpu.memory_space<vmem_shared>>
        tpu.wait_indirect_dma semaphore(%run_scoped3A_454 : memref<!tpu.dma_semaphore, #tpu.memory_space<semaphore_mem>>) src(%dma_wait3A_465 : memref<128x144xf32, #tpu.memory_space<vmem>>) dst(%dma_wait3A_468 : memref<10000x144xf32, #tpu.memory_space<vmem_shared>>)
        tpu.yield
      }) : () -> ()
      %add3A_309 = arith.constant 2 : i32
      %add3A_310 = arith.addi %add3A_275, %add3A_309 : i32
      %lt3A_311 = arith.constant 80 : i32
      %lt3A_312 = arith.cmpi slt, %add3A_310, %lt3A_311 : i32
      %convert_element_type3A_313 = arith.extui %lt3A_312 : i1 to i32
      %cond3A_314 = arith.constant 0 : i32
      %cond3A_315 = arith.cmpi ne, %convert_element_type3A_313, %cond3A_314 : i32
      scf.if %cond3A_315 {
        %dma_wait3A_454 = arith.constant 0 : i32
        %dma_wait3A_455 = arith.constant 2 : i32
        %dma_wait3A_456 = arith.constant 0 : i32
        %dma_wait3A_457 = tpu.memref_slice %arg2[%dma_wait3A_454, %dma_wait3A_456] : memref<1280x128xi32, #tpu.memory_space<hbm>> -> memref<1x128xi32, #tpu.memory_space<hbm>>
        %dma_wait3A_458 = tpu.memref_squeeze %dma_wait3A_457 : memref<1x128xi32, #tpu.memory_space<hbm>> -> memref<128xi32, #tpu.memory_space<hbm>>
        %dma_wait3A_459 = tpu.memref_slice %arg18[%dma_wait3A_455] : memref<4x!tpu.dma_semaphore, #tpu.memory_space<semaphore_mem>> -> memref<1x!tpu.dma_semaphore, #tpu.memory_space<semaphore_mem>>
        %dma_wait3A_460 = tpu.memref_squeeze %dma_wait3A_459 : memref<1x!tpu.dma_semaphore, #tpu.memory_space<semaphore_mem>> -> memref<!tpu.dma_semaphore, #tpu.memory_space<semaphore_mem>>
        %dma_wait3A_461 = arith.constant 0 : i32
        %dma_wait3A_462 = tpu.memref_slice %arg2[%dma_wait3A_454, %dma_wait3A_461] : memref<1280x128xi32, #tpu.memory_space<hbm>> -> memref<1x128xi32, #tpu.memory_space<hbm>>
        %dma_wait3A_463 = tpu.memref_squeeze %dma_wait3A_462 : memref<1x128xi32, #tpu.memory_space<hbm>> -> memref<128xi32, #tpu.memory_space<hbm>>
        tpu.wait_dma2 semaphore(%dma_wait3A_460 : memref<!tpu.dma_semaphore, #tpu.memory_space<semaphore_mem>>) src(%dma_wait3A_463 : memref<128xi32, #tpu.memory_space<hbm>>) dst(%arg9 : memref<128xi32, #tpu.memory_space<vmem>>)
        %dma_wait3A_464 = arith.constant 0 : i32
        %dma_wait3A_465 = arith.constant 2 : i32
        %dma_wait3A_466 = arith.constant 0 : i32
        %dma_wait3A_467 = tpu.memref_slice %arg3[%dma_wait3A_464, %dma_wait3A_466] : memref<1280x128xi32, #tpu.memory_space<hbm>> -> memref<1x128xi32, #tpu.memory_space<hbm>>
        %dma_wait3A_468 = tpu.memref_squeeze %dma_wait3A_467 : memref<1x128xi32, #tpu.memory_space<hbm>> -> memref<128xi32, #tpu.memory_space<hbm>>
        %dma_wait3A_469 = tpu.memref_slice %arg18[%dma_wait3A_465] : memref<4x!tpu.dma_semaphore, #tpu.memory_space<semaphore_mem>> -> memref<1x!tpu.dma_semaphore, #tpu.memory_space<semaphore_mem>>
        %dma_wait3A_470 = tpu.memref_squeeze %dma_wait3A_469 : memref<1x!tpu.dma_semaphore, #tpu.memory_space<semaphore_mem>> -> memref<!tpu.dma_semaphore, #tpu.memory_space<semaphore_mem>>
        %dma_wait3A_471 = arith.constant 0 : i32
        %dma_wait3A_472 = tpu.memref_slice %arg3[%dma_wait3A_464, %dma_wait3A_471] : memref<1280x128xi32, #tpu.memory_space<hbm>> -> memref<1x128xi32, #tpu.memory_space<hbm>>
        %dma_wait3A_473 = tpu.memref_squeeze %dma_wait3A_472 : memref<1x128xi32, #tpu.memory_space<hbm>> -> memref<128xi32, #tpu.memory_space<hbm>>
        tpu.wait_dma2 semaphore(%dma_wait3A_470 : memref<!tpu.dma_semaphore, #tpu.memory_space<semaphore_mem>>) src(%dma_wait3A_473 : memref<128xi32, #tpu.memory_space<hbm>>) dst(%arg13 : memref<128xi32, #tpu.memory_space<vmem>>)
        %dma_start3A_474 = arith.constant 0 : i32
        %dma_start3A_475 = arith.constant 0 : i32
        %dma_start3A_476 = arith.constant 0 : i32
        %dma_start3A_477 = arith.constant 0 : i32
        %dma_start3A_478 = tpu.memref_slice %arg15[%dma_start3A_474, %dma_start3A_476, %dma_start3A_477] : memref<2x128x144xf32, #tpu.memory_space<vmem>> -> memref<1x128x144xf32, #tpu.memory_space<vmem>>
        %dma_start3A_479 = tpu.memref_squeeze %dma_start3A_478 : memref<1x128x144xf32, #tpu.memory_space<vmem>> -> memref<128x144xf32, #tpu.memory_space<vmem>>
        %dma_start3A_480 = arith.constant 0 : i32
        %dma_start3A_481 = arith.constant 0 : i32
        %dma_start3A_482 = tpu.memref_slice %arg4[%add3A_3, %dma_start3A_480, %dma_start3A_481] : memref<4x10128x144xf32, #tpu.memory_space<hbm>> -> memref<1x10128x144xf32, #tpu.memory_space<hbm>>
        %dma_start3A_483 = tpu.memref_squeeze %dma_start3A_482 : memref<1x10128x144xf32, #tpu.memory_space<hbm>> -> memref<10128x144xf32, #tpu.memory_space<hbm>>
        %dma_start3A_484 = arith.constant 0 : i32
        %dma_start3A_485 = arith.constant 0 : i32
        %dma_start3A_486 = tpu.memref_slice %dma_start3A_483[%dma_start3A_484, %dma_start3A_485] : memref<10128x144xf32, #tpu.memory_space<hbm>> -> memref<10128x144xf32, #tpu.memory_space<hbm>>
        %dma_start3A_487 = tpu.memref_slice %arg17[%dma_start3A_475] : memref<2x!tpu.dma_semaphore, #tpu.memory_space<semaphore_mem>> -> memref<1x!tpu.dma_semaphore, #tpu.memory_space<semaphore_mem>>
        %dma_start3A_488 = tpu.memref_squeeze %dma_start3A_487 : memref<1x!tpu.dma_semaphore, #tpu.memory_space<semaphore_mem>> -> memref<!tpu.dma_semaphore, #tpu.memory_space<semaphore_mem>>
        tpu.enqueue_indirect_dma source(%dma_start3A_486 : memref<10128x144xf32, #tpu.memory_space<hbm>>) target(%dma_start3A_479 : memref<128x144xf32, #tpu.memory_space<vmem>>) offsets(%arg9 : memref<128xi32, #tpu.memory_space<vmem>>) semaphore(%dma_start3A_488 : memref<!tpu.dma_semaphore, #tpu.memory_space<semaphore_mem>>)
      } else {
      }
      %mul3A_316 = arith.constant 4 : i32
      %mul3A_317 = arith.muli %scan3A_271, %mul3A_316 : i32
      %add3A_318 = arith.constant 1 : i32
      %add3A_319 = arith.addi %mul3A_317, %add3A_318 : i32
      %dma_wait3A_320 = arith.constant 0 : i32
      %dma_wait3A_321 = arith.constant 1 : i32
      %dma_wait3A_322 = arith.constant 1 : i32
      %dma_wait3A_323 = arith.constant 0 : i32
      %dma_wait3A_324 = arith.constant 0 : i32
      %dma_wait3A_325 = tpu.memref_slice %arg15[%dma_wait3A_321, %dma_wait3A_323, %dma_wait3A_324] : memref<2x128x144xf32, #tpu.memory_space<vmem>> -> memref<1x128x144xf32, #tpu.memory_space<vmem>>
      %dma_wait3A_326 = tpu.memref_squeeze %dma_wait3A_325 : memref<1x128x144xf32, #tpu.memory_space<vmem>> -> memref<128x144xf32, #tpu.memory_space<vmem>>
      %dma_wait3A_327 = arith.constant 0 : i32
      %dma_wait3A_328 = arith.constant 0 : i32
      %dma_wait3A_329 = tpu.memref_slice %arg4[%dma_wait3A_320, %dma_wait3A_327, %dma_wait3A_328] : memref<4x10128x144xf32, #tpu.memory_space<hbm>> -> memref<1x10128x144xf32, #tpu.memory_space<hbm>>
      %dma_wait3A_330 = tpu.memref_squeeze %dma_wait3A_329 : memref<1x10128x144xf32, #tpu.memory_space<hbm>> -> memref<10128x144xf32, #tpu.memory_space<hbm>>
      %dma_wait3A_331 = arith.constant 0 : i32
      %dma_wait3A_332 = arith.constant 0 : i32
      %dma_wait3A_333 = tpu.memref_slice %dma_wait3A_330[%dma_wait3A_331, %dma_wait3A_332] : memref<10128x144xf32, #tpu.memory_space<hbm>> -> memref<128x144xf32, #tpu.memory_space<hbm>>
      %dma_wait3A_334 = tpu.memref_slice %arg17[%dma_wait3A_322] : memref<2x!tpu.dma_semaphore, #tpu.memory_space<semaphore_mem>> -> memref<1x!tpu.dma_semaphore, #tpu.memory_space<semaphore_mem>>
      %dma_wait3A_335 = tpu.memref_squeeze %dma_wait3A_334 : memref<1x!tpu.dma_semaphore, #tpu.memory_space<semaphore_mem>> -> memref<!tpu.dma_semaphore, #tpu.memory_space<semaphore_mem>>
      %dma_wait3A_336 = arith.constant 0 : i32
      %dma_wait3A_337 = arith.constant 0 : i32
      %dma_wait3A_338 = tpu.memref_slice %arg15[%dma_wait3A_321, %dma_wait3A_336, %dma_wait3A_337] : memref<2x128x144xf32, #tpu.memory_space<vmem>> -> memref<1x128x144xf32, #tpu.memory_space<vmem>>
      %dma_wait3A_339 = tpu.memref_squeeze %dma_wait3A_338 : memref<1x128x144xf32, #tpu.memory_space<vmem>> -> memref<128x144xf32, #tpu.memory_space<vmem>>
      %dma_wait3A_340 = arith.constant 0 : i32
      %dma_wait3A_341 = arith.constant 0 : i32
      %dma_wait3A_342 = tpu.memref_slice %arg4[%dma_wait3A_320, %dma_wait3A_340, %dma_wait3A_341] : memref<4x10128x144xf32, #tpu.memory_space<hbm>> -> memref<1x10128x144xf32, #tpu.memory_space<hbm>>
      %dma_wait3A_343 = tpu.memref_squeeze %dma_wait3A_342 : memref<1x10128x144xf32, #tpu.memory_space<hbm>> -> memref<10128x144xf32, #tpu.memory_space<hbm>>
      %dma_wait3A_344 = arith.constant 0 : i32
      %dma_wait3A_345 = arith.constant 0 : i32
      %dma_wait3A_346 = tpu.memref_slice %dma_wait3A_343[%dma_wait3A_344, %dma_wait3A_345] : memref<10128x144xf32, #tpu.memory_space<hbm>> -> memref<128x144xf32, #tpu.memory_space<hbm>>
      tpu.wait_dma2 semaphore(%dma_wait3A_335 : memref<!tpu.dma_semaphore, #tpu.memory_space<semaphore_mem>>) src(%dma_wait3A_346 : memref<128x144xf32, #tpu.memory_space<hbm>>) dst(%dma_wait3A_339 : memref<128x144xf32, #tpu.memory_space<vmem>>)
      %add3A_347 = arith.constant 2 : i32
      %add3A_348 = arith.addi %add3A_319, %add3A_347 : i32
      %lt3A_349 = arith.constant 80 : i32
      %lt3A_350 = arith.cmpi slt, %add3A_348, %lt3A_349 : i32
      %convert_element_type3A_351 = arith.extui %lt3A_350 : i1 to i32
      %cond3A_352 = arith.constant 0 : i32
      %cond3A_353 = arith.cmpi ne, %convert_element_type3A_351, %cond3A_352 : i32
      scf.if %cond3A_353 {
        %add3A_454 = arith.constant 2 : i32
        %add3A_455 = arith.addi %add3A_319, %add3A_454 : i32
        %add3A_456 = arith.addi %mul3A_2, %add3A_455 : i32
        %dma_start3A_457 = arith.constant 3 : i32
        %dma_start3A_458 = arith.constant 0 : i32
        %dma_start3A_459 = tpu.memref_slice %arg2[%add3A_456, %dma_start3A_458] : memref<1280x128xi32, #tpu.memory_space<hbm>> -> memref<1x128xi32, #tpu.memory_space<hbm>>
        %dma_start3A_460 = tpu.memref_squeeze %dma_start3A_459 : memref<1x128xi32, #tpu.memory_space<hbm>> -> memref<128xi32, #tpu.memory_space<hbm>>
        %dma_start3A_461 = tpu.memref_slice %arg18[%dma_start3A_457] : memref<4x!tpu.dma_semaphore, #tpu.memory_space<semaphore_mem>> -> memref<1x!tpu.dma_semaphore, #tpu.memory_space<semaphore_mem>>
        %dma_start3A_462 = tpu.memref_squeeze %dma_start3A_461 : memref<1x!tpu.dma_semaphore, #tpu.memory_space<semaphore_mem>> -> memref<!tpu.dma_semaphore, #tpu.memory_space<semaphore_mem>>
        %dma_start3A_463 = arith.constant 0 : i32
        %dma_start3A_464 = tpu.memref_slice %arg2[%add3A_456, %dma_start3A_463] : memref<1280x128xi32, #tpu.memory_space<hbm>> -> memref<1x128xi32, #tpu.memory_space<hbm>>
        %dma_start3A_465 = tpu.memref_squeeze %dma_start3A_464 : memref<1x128xi32, #tpu.memory_space<hbm>> -> memref<128xi32, #tpu.memory_space<hbm>>
        tpu.enqueue_dma source(%dma_start3A_465 : memref<128xi32, #tpu.memory_space<hbm>>) target(%arg10 : memref<128xi32, #tpu.memory_space<vmem>>) target_semaphore(%dma_start3A_462 : memref<!tpu.dma_semaphore, #tpu.memory_space<semaphore_mem>>)
        %add3A_466 = arith.addi %mul3A_2, %add3A_455 : i32
        %dma_start3A_467 = arith.constant 3 : i32
        %dma_start3A_468 = arith.constant 0 : i32
        %dma_start3A_469 = tpu.memref_slice %arg3[%add3A_466, %dma_start3A_468] : memref<1280x128xi32, #tpu.memory_space<hbm>> -> memref<1x128xi32, #tpu.memory_space<hbm>>
        %dma_start3A_470 = tpu.memref_squeeze %dma_start3A_469 : memref<1x128xi32, #tpu.memory_space<hbm>> -> memref<128xi32, #tpu.memory_space<hbm>>
        %dma_start3A_471 = tpu.memref_slice %arg18[%dma_start3A_467] : memref<4x!tpu.dma_semaphore, #tpu.memory_space<semaphore_mem>> -> memref<1x!tpu.dma_semaphore, #tpu.memory_space<semaphore_mem>>
        %dma_start3A_472 = tpu.memref_squeeze %dma_start3A_471 : memref<1x!tpu.dma_semaphore, #tpu.memory_space<semaphore_mem>> -> memref<!tpu.dma_semaphore, #tpu.memory_space<semaphore_mem>>
        %dma_start3A_473 = arith.constant 0 : i32
        %dma_start3A_474 = tpu.memref_slice %arg3[%add3A_466, %dma_start3A_473] : memref<1280x128xi32, #tpu.memory_space<hbm>> -> memref<1x128xi32, #tpu.memory_space<hbm>>
        %dma_start3A_475 = tpu.memref_squeeze %dma_start3A_474 : memref<1x128xi32, #tpu.memory_space<hbm>> -> memref<128xi32, #tpu.memory_space<hbm>>
        tpu.enqueue_dma source(%dma_start3A_475 : memref<128xi32, #tpu.memory_space<hbm>>) target(%arg14 : memref<128xi32, #tpu.memory_space<vmem>>) target_semaphore(%dma_start3A_472 : memref<!tpu.dma_semaphore, #tpu.memory_space<semaphore_mem>>)
      } else {
      }
      %run_scoped3A_354 = arith.constant 1 : i32
      "tpu.region"() ({
        %run_scoped3A_454 = tpu.sem_alloc : memref<!tpu.dma_semaphore, #tpu.memory_space<semaphore_mem>>
        %dma_start3A_455 = arith.constant 0 : i32
        %dma_start3A_456 = arith.constant 0 : i32
        %dma_start3A_457 = tpu.memref_slice %arg15[%run_scoped3A_354, %dma_start3A_455, %dma_start3A_456] : memref<2x128x144xf32, #tpu.memory_space<vmem>> -> memref<1x128x144xf32, #tpu.memory_space<vmem>>
        %dma_start3A_458 = tpu.memref_squeeze %dma_start3A_457 : memref<1x128x144xf32, #tpu.memory_space<vmem>> -> memref<128x144xf32, #tpu.memory_space<vmem>>
        %dma_start3A_459 = arith.constant 0 : i32
        %dma_start3A_460 = arith.constant 0 : i32
        %dma_start3A_461 = tpu.memref_slice %arg16[%dma_start3A_459, %dma_start3A_460] : memref<10000x144xf32, #tpu.memory_space<vmem_shared>> -> memref<10000x144xf32, #tpu.memory_space<vmem_shared>>
        tpu.enqueue_indirect_dma source(%dma_start3A_458 : memref<128x144xf32, #tpu.memory_space<vmem>>) target(%dma_start3A_461 : memref<10000x144xf32, #tpu.memory_space<vmem_shared>>) offsets(%arg12 : memref<128xi32, #tpu.memory_space<vmem>>) semaphore(%run_scoped3A_454 : memref<!tpu.dma_semaphore, #tpu.memory_space<semaphore_mem>>) {add = true}
        %dma_wait3A_462 = arith.constant 0 : i32
        %dma_wait3A_463 = arith.constant 0 : i32
        %dma_wait3A_464 = tpu.memref_slice %arg15[%run_scoped3A_354, %dma_wait3A_462, %dma_wait3A_463] : memref<2x128x144xf32, #tpu.memory_space<vmem>> -> memref<1x128x144xf32, #tpu.memory_space<vmem>>
        %dma_wait3A_465 = tpu.memref_squeeze %dma_wait3A_464 : memref<1x128x144xf32, #tpu.memory_space<vmem>> -> memref<128x144xf32, #tpu.memory_space<vmem>>
        %dma_wait3A_466 = arith.constant 0 : i32
        %dma_wait3A_467 = arith.constant 0 : i32
        %dma_wait3A_468 = tpu.memref_slice %arg16[%dma_wait3A_466, %dma_wait3A_467] : memref<10000x144xf32, #tpu.memory_space<vmem_shared>> -> memref<10000x144xf32, #tpu.memory_space<vmem_shared>>
        tpu.wait_indirect_dma semaphore(%run_scoped3A_454 : memref<!tpu.dma_semaphore, #tpu.memory_space<semaphore_mem>>) src(%dma_wait3A_465 : memref<128x144xf32, #tpu.memory_space<vmem>>) dst(%dma_wait3A_468 : memref<10000x144xf32, #tpu.memory_space<vmem_shared>>)
        tpu.yield
      }) : () -> ()
      %add3A_355 = arith.constant 2 : i32
      %add3A_356 = arith.addi %add3A_319, %add3A_355 : i32
      %lt3A_357 = arith.constant 80 : i32
      %lt3A_358 = arith.cmpi slt, %add3A_356, %lt3A_357 : i32
      %convert_element_type3A_359 = arith.extui %lt3A_358 : i1 to i32
      %cond3A_360 = arith.constant 0 : i32
      %cond3A_361 = arith.cmpi ne, %convert_element_type3A_359, %cond3A_360 : i32
      scf.if %cond3A_361 {
        %dma_wait3A_454 = arith.constant 0 : i32
        %dma_wait3A_455 = arith.constant 3 : i32
        %dma_wait3A_456 = arith.constant 0 : i32
        %dma_wait3A_457 = tpu.memref_slice %arg2[%dma_wait3A_454, %dma_wait3A_456] : memref<1280x128xi32, #tpu.memory_space<hbm>> -> memref<1x128xi32, #tpu.memory_space<hbm>>
        %dma_wait3A_458 = tpu.memref_squeeze %dma_wait3A_457 : memref<1x128xi32, #tpu.memory_space<hbm>> -> memref<128xi32, #tpu.memory_space<hbm>>
        %dma_wait3A_459 = tpu.memref_slice %arg18[%dma_wait3A_455] : memref<4x!tpu.dma_semaphore, #tpu.memory_space<semaphore_mem>> -> memref<1x!tpu.dma_semaphore, #tpu.memory_space<semaphore_mem>>
        %dma_wait3A_460 = tpu.memref_squeeze %dma_wait3A_459 : memref<1x!tpu.dma_semaphore, #tpu.memory_space<semaphore_mem>> -> memref<!tpu.dma_semaphore, #tpu.memory_space<semaphore_mem>>
        %dma_wait3A_461 = arith.constant 0 : i32
        %dma_wait3A_462 = tpu.memref_slice %arg2[%dma_wait3A_454, %dma_wait3A_461] : memref<1280x128xi32, #tpu.memory_space<hbm>> -> memref<1x128xi32, #tpu.memory_space<hbm>>
        %dma_wait3A_463 = tpu.memref_squeeze %dma_wait3A_462 : memref<1x128xi32, #tpu.memory_space<hbm>> -> memref<128xi32, #tpu.memory_space<hbm>>
        tpu.wait_dma2 semaphore(%dma_wait3A_460 : memref<!tpu.dma_semaphore, #tpu.memory_space<semaphore_mem>>) src(%dma_wait3A_463 : memref<128xi32, #tpu.memory_space<hbm>>) dst(%arg10 : memref<128xi32, #tpu.memory_space<vmem>>)
        %dma_wait3A_464 = arith.constant 0 : i32
        %dma_wait3A_465 = arith.constant 3 : i32
        %dma_wait3A_466 = arith.constant 0 : i32
        %dma_wait3A_467 = tpu.memref_slice %arg3[%dma_wait3A_464, %dma_wait3A_466] : memref<1280x128xi32, #tpu.memory_space<hbm>> -> memref<1x128xi32, #tpu.memory_space<hbm>>
        %dma_wait3A_468 = tpu.memref_squeeze %dma_wait3A_467 : memref<1x128xi32, #tpu.memory_space<hbm>> -> memref<128xi32, #tpu.memory_space<hbm>>
        %dma_wait3A_469 = tpu.memref_slice %arg18[%dma_wait3A_465] : memref<4x!tpu.dma_semaphore, #tpu.memory_space<semaphore_mem>> -> memref<1x!tpu.dma_semaphore, #tpu.memory_space<semaphore_mem>>
        %dma_wait3A_470 = tpu.memref_squeeze %dma_wait3A_469 : memref<1x!tpu.dma_semaphore, #tpu.memory_space<semaphore_mem>> -> memref<!tpu.dma_semaphore, #tpu.memory_space<semaphore_mem>>
        %dma_wait3A_471 = arith.constant 0 : i32
        %dma_wait3A_472 = tpu.memref_slice %arg3[%dma_wait3A_464, %dma_wait3A_471] : memref<1280x128xi32, #tpu.memory_space<hbm>> -> memref<1x128xi32, #tpu.memory_space<hbm>>
        %dma_wait3A_473 = tpu.memref_squeeze %dma_wait3A_472 : memref<1x128xi32, #tpu.memory_space<hbm>> -> memref<128xi32, #tpu.memory_space<hbm>>
        tpu.wait_dma2 semaphore(%dma_wait3A_470 : memref<!tpu.dma_semaphore, #tpu.memory_space<semaphore_mem>>) src(%dma_wait3A_473 : memref<128xi32, #tpu.memory_space<hbm>>) dst(%arg14 : memref<128xi32, #tpu.memory_space<vmem>>)
        %dma_start3A_474 = arith.constant 1 : i32
        %dma_start3A_475 = arith.constant 1 : i32
        %dma_start3A_476 = arith.constant 0 : i32
        %dma_start3A_477 = arith.constant 0 : i32
        %dma_start3A_478 = tpu.memref_slice %arg15[%dma_start3A_474, %dma_start3A_476, %dma_start3A_477] : memref<2x128x144xf32, #tpu.memory_space<vmem>> -> memref<1x128x144xf32, #tpu.memory_space<vmem>>
        %dma_start3A_479 = tpu.memref_squeeze %dma_start3A_478 : memref<1x128x144xf32, #tpu.memory_space<vmem>> -> memref<128x144xf32, #tpu.memory_space<vmem>>
        %dma_start3A_480 = arith.constant 0 : i32
        %dma_start3A_481 = arith.constant 0 : i32
        %dma_start3A_482 = tpu.memref_slice %arg4[%add3A_3, %dma_start3A_480, %dma_start3A_481] : memref<4x10128x144xf32, #tpu.memory_space<hbm>> -> memref<1x10128x144xf32, #tpu.memory_space<hbm>>
        %dma_start3A_483 = tpu.memref_squeeze %dma_start3A_482 : memref<1x10128x144xf32, #tpu.memory_space<hbm>> -> memref<10128x144xf32, #tpu.memory_space<hbm>>
        %dma_start3A_484 = arith.constant 0 : i32
        %dma_start3A_485 = arith.constant 0 : i32
        %dma_start3A_486 = tpu.memref_slice %dma_start3A_483[%dma_start3A_484, %dma_start3A_485] : memref<10128x144xf32, #tpu.memory_space<hbm>> -> memref<10128x144xf32, #tpu.memory_space<hbm>>
        %dma_start3A_487 = tpu.memref_slice %arg17[%dma_start3A_475] : memref<2x!tpu.dma_semaphore, #tpu.memory_space<semaphore_mem>> -> memref<1x!tpu.dma_semaphore, #tpu.memory_space<semaphore_mem>>
        %dma_start3A_488 = tpu.memref_squeeze %dma_start3A_487 : memref<1x!tpu.dma_semaphore, #tpu.memory_space<semaphore_mem>> -> memref<!tpu.dma_semaphore, #tpu.memory_space<semaphore_mem>>
        tpu.enqueue_indirect_dma source(%dma_start3A_486 : memref<10128x144xf32, #tpu.memory_space<hbm>>) target(%dma_start3A_479 : memref<128x144xf32, #tpu.memory_space<vmem>>) offsets(%arg10 : memref<128xi32, #tpu.memory_space<vmem>>) semaphore(%dma_start3A_488 : memref<!tpu.dma_semaphore, #tpu.memory_space<semaphore_mem>>)
      } else {
      }
      %mul3A_362 = arith.constant 4 : i32
      %mul3A_363 = arith.muli %scan3A_271, %mul3A_362 : i32
      %add3A_364 = arith.constant 2 : i32
      %add3A_365 = arith.addi %mul3A_363, %add3A_364 : i32
      %dma_wait3A_366 = arith.constant 0 : i32
      %dma_wait3A_367 = arith.constant 0 : i32
      %dma_wait3A_368 = arith.constant 0 : i32
      %dma_wait3A_369 = arith.constant 0 : i32
      %dma_wait3A_370 = arith.constant 0 : i32
      %dma_wait3A_371 = tpu.memref_slice %arg15[%dma_wait3A_367, %dma_wait3A_369, %dma_wait3A_370] : memref<2x128x144xf32, #tpu.memory_space<vmem>> -> memref<1x128x144xf32, #tpu.memory_space<vmem>>
      %dma_wait3A_372 = tpu.memref_squeeze %dma_wait3A_371 : memref<1x128x144xf32, #tpu.memory_space<vmem>> -> memref<128x144xf32, #tpu.memory_space<vmem>>
      %dma_wait3A_373 = arith.constant 0 : i32
      %dma_wait3A_374 = arith.constant 0 : i32
      %dma_wait3A_375 = tpu.memref_slice %arg4[%dma_wait3A_366, %dma_wait3A_373, %dma_wait3A_374] : memref<4x10128x144xf32, #tpu.memory_space<hbm>> -> memref<1x10128x144xf32, #tpu.memory_space<hbm>>
      %dma_wait3A_376 = tpu.memref_squeeze %dma_wait3A_375 : memref<1x10128x144xf32, #tpu.memory_space<hbm>> -> memref<10128x144xf32, #tpu.memory_space<hbm>>
      %dma_wait3A_377 = arith.constant 0 : i32
      %dma_wait3A_378 = arith.constant 0 : i32
      %dma_wait3A_379 = tpu.memref_slice %dma_wait3A_376[%dma_wait3A_377, %dma_wait3A_378] : memref<10128x144xf32, #tpu.memory_space<hbm>> -> memref<128x144xf32, #tpu.memory_space<hbm>>
      %dma_wait3A_380 = tpu.memref_slice %arg17[%dma_wait3A_368] : memref<2x!tpu.dma_semaphore, #tpu.memory_space<semaphore_mem>> -> memref<1x!tpu.dma_semaphore, #tpu.memory_space<semaphore_mem>>
      %dma_wait3A_381 = tpu.memref_squeeze %dma_wait3A_380 : memref<1x!tpu.dma_semaphore, #tpu.memory_space<semaphore_mem>> -> memref<!tpu.dma_semaphore, #tpu.memory_space<semaphore_mem>>
      %dma_wait3A_382 = arith.constant 0 : i32
      %dma_wait3A_383 = arith.constant 0 : i32
      %dma_wait3A_384 = tpu.memref_slice %arg15[%dma_wait3A_367, %dma_wait3A_382, %dma_wait3A_383] : memref<2x128x144xf32, #tpu.memory_space<vmem>> -> memref<1x128x144xf32, #tpu.memory_space<vmem>>
      %dma_wait3A_385 = tpu.memref_squeeze %dma_wait3A_384 : memref<1x128x144xf32, #tpu.memory_space<vmem>> -> memref<128x144xf32, #tpu.memory_space<vmem>>
      %dma_wait3A_386 = arith.constant 0 : i32
      %dma_wait3A_387 = arith.constant 0 : i32
      %dma_wait3A_388 = tpu.memref_slice %arg4[%dma_wait3A_366, %dma_wait3A_386, %dma_wait3A_387] : memref<4x10128x144xf32, #tpu.memory_space<hbm>> -> memref<1x10128x144xf32, #tpu.memory_space<hbm>>
      %dma_wait3A_389 = tpu.memref_squeeze %dma_wait3A_388 : memref<1x10128x144xf32, #tpu.memory_space<hbm>> -> memref<10128x144xf32, #tpu.memory_space<hbm>>
      %dma_wait3A_390 = arith.constant 0 : i32
      %dma_wait3A_391 = arith.constant 0 : i32
      %dma_wait3A_392 = tpu.memref_slice %dma_wait3A_389[%dma_wait3A_390, %dma_wait3A_391] : memref<10128x144xf32, #tpu.memory_space<hbm>> -> memref<128x144xf32, #tpu.memory_space<hbm>>
      tpu.wait_dma2 semaphore(%dma_wait3A_381 : memref<!tpu.dma_semaphore, #tpu.memory_space<semaphore_mem>>) src(%dma_wait3A_392 : memref<128x144xf32, #tpu.memory_space<hbm>>) dst(%dma_wait3A_385 : memref<128x144xf32, #tpu.memory_space<vmem>>)
      %add3A_393 = arith.constant 2 : i32
      %add3A_394 = arith.addi %add3A_365, %add3A_393 : i32
      %lt3A_395 = arith.constant 80 : i32
      %lt3A_396 = arith.cmpi slt, %add3A_394, %lt3A_395 : i32
      %convert_element_type3A_397 = arith.extui %lt3A_396 : i1 to i32
      %cond3A_398 = arith.constant 0 : i32
      %cond3A_399 = arith.cmpi ne, %convert_element_type3A_397, %cond3A_398 : i32
      scf.if %cond3A_399 {
        %add3A_454 = arith.constant 2 : i32
        %add3A_455 = arith.addi %add3A_365, %add3A_454 : i32
        %add3A_456 = arith.addi %mul3A_2, %add3A_455 : i32
        %dma_start3A_457 = arith.constant 0 : i32
        %dma_start3A_458 = arith.constant 0 : i32
        %dma_start3A_459 = tpu.memref_slice %arg2[%add3A_456, %dma_start3A_458] : memref<1280x128xi32, #tpu.memory_space<hbm>> -> memref<1x128xi32, #tpu.memory_space<hbm>>
        %dma_start3A_460 = tpu.memref_squeeze %dma_start3A_459 : memref<1x128xi32, #tpu.memory_space<hbm>> -> memref<128xi32, #tpu.memory_space<hbm>>
        %dma_start3A_461 = tpu.memref_slice %arg18[%dma_start3A_457] : memref<4x!tpu.dma_semaphore, #tpu.memory_space<semaphore_mem>> -> memref<1x!tpu.dma_semaphore, #tpu.memory_space<semaphore_mem>>
        %dma_start3A_462 = tpu.memref_squeeze %dma_start3A_461 : memref<1x!tpu.dma_semaphore, #tpu.memory_space<semaphore_mem>> -> memref<!tpu.dma_semaphore, #tpu.memory_space<semaphore_mem>>
        %dma_start3A_463 = arith.constant 0 : i32
        %dma_start3A_464 = tpu.memref_slice %arg2[%add3A_456, %dma_start3A_463] : memref<1280x128xi32, #tpu.memory_space<hbm>> -> memref<1x128xi32, #tpu.memory_space<hbm>>
        %dma_start3A_465 = tpu.memref_squeeze %dma_start3A_464 : memref<1x128xi32, #tpu.memory_space<hbm>> -> memref<128xi32, #tpu.memory_space<hbm>>
        tpu.enqueue_dma source(%dma_start3A_465 : memref<128xi32, #tpu.memory_space<hbm>>) target(%arg7 : memref<128xi32, #tpu.memory_space<vmem>>) target_semaphore(%dma_start3A_462 : memref<!tpu.dma_semaphore, #tpu.memory_space<semaphore_mem>>)
        %add3A_466 = arith.addi %mul3A_2, %add3A_455 : i32
        %dma_start3A_467 = arith.constant 0 : i32
        %dma_start3A_468 = arith.constant 0 : i32
        %dma_start3A_469 = tpu.memref_slice %arg3[%add3A_466, %dma_start3A_468] : memref<1280x128xi32, #tpu.memory_space<hbm>> -> memref<1x128xi32, #tpu.memory_space<hbm>>
        %dma_start3A_470 = tpu.memref_squeeze %dma_start3A_469 : memref<1x128xi32, #tpu.memory_space<hbm>> -> memref<128xi32, #tpu.memory_space<hbm>>
        %dma_start3A_471 = tpu.memref_slice %arg18[%dma_start3A_467] : memref<4x!tpu.dma_semaphore, #tpu.memory_space<semaphore_mem>> -> memref<1x!tpu.dma_semaphore, #tpu.memory_space<semaphore_mem>>
        %dma_start3A_472 = tpu.memref_squeeze %dma_start3A_471 : memref<1x!tpu.dma_semaphore, #tpu.memory_space<semaphore_mem>> -> memref<!tpu.dma_semaphore, #tpu.memory_space<semaphore_mem>>
        %dma_start3A_473 = arith.constant 0 : i32
        %dma_start3A_474 = tpu.memref_slice %arg3[%add3A_466, %dma_start3A_473] : memref<1280x128xi32, #tpu.memory_space<hbm>> -> memref<1x128xi32, #tpu.memory_space<hbm>>
        %dma_start3A_475 = tpu.memref_squeeze %dma_start3A_474 : memref<1x128xi32, #tpu.memory_space<hbm>> -> memref<128xi32, #tpu.memory_space<hbm>>
        tpu.enqueue_dma source(%dma_start3A_475 : memref<128xi32, #tpu.memory_space<hbm>>) target(%arg11 : memref<128xi32, #tpu.memory_space<vmem>>) target_semaphore(%dma_start3A_472 : memref<!tpu.dma_semaphore, #tpu.memory_space<semaphore_mem>>)
      } else {
      }
      %run_scoped3A_400 = arith.constant 0 : i32
      "tpu.region"() ({
        %run_scoped3A_454 = tpu.sem_alloc : memref<!tpu.dma_semaphore, #tpu.memory_space<semaphore_mem>>
        %dma_start3A_455 = arith.constant 0 : i32
        %dma_start3A_456 = arith.constant 0 : i32
        %dma_start3A_457 = tpu.memref_slice %arg15[%run_scoped3A_400, %dma_start3A_455, %dma_start3A_456] : memref<2x128x144xf32, #tpu.memory_space<vmem>> -> memref<1x128x144xf32, #tpu.memory_space<vmem>>
        %dma_start3A_458 = tpu.memref_squeeze %dma_start3A_457 : memref<1x128x144xf32, #tpu.memory_space<vmem>> -> memref<128x144xf32, #tpu.memory_space<vmem>>
        %dma_start3A_459 = arith.constant 0 : i32
        %dma_start3A_460 = arith.constant 0 : i32
        %dma_start3A_461 = tpu.memref_slice %arg16[%dma_start3A_459, %dma_start3A_460] : memref<10000x144xf32, #tpu.memory_space<vmem_shared>> -> memref<10000x144xf32, #tpu.memory_space<vmem_shared>>
        tpu.enqueue_indirect_dma source(%dma_start3A_458 : memref<128x144xf32, #tpu.memory_space<vmem>>) target(%dma_start3A_461 : memref<10000x144xf32, #tpu.memory_space<vmem_shared>>) offsets(%arg13 : memref<128xi32, #tpu.memory_space<vmem>>) semaphore(%run_scoped3A_454 : memref<!tpu.dma_semaphore, #tpu.memory_space<semaphore_mem>>) {add = true}
        %dma_wait3A_462 = arith.constant 0 : i32
        %dma_wait3A_463 = arith.constant 0 : i32
        %dma_wait3A_464 = tpu.memref_slice %arg15[%run_scoped3A_400, %dma_wait3A_462, %dma_wait3A_463] : memref<2x128x144xf32, #tpu.memory_space<vmem>> -> memref<1x128x144xf32, #tpu.memory_space<vmem>>
        %dma_wait3A_465 = tpu.memref_squeeze %dma_wait3A_464 : memref<1x128x144xf32, #tpu.memory_space<vmem>> -> memref<128x144xf32, #tpu.memory_space<vmem>>
        %dma_wait3A_466 = arith.constant 0 : i32
        %dma_wait3A_467 = arith.constant 0 : i32
        %dma_wait3A_468 = tpu.memref_slice %arg16[%dma_wait3A_466, %dma_wait3A_467] : memref<10000x144xf32, #tpu.memory_space<vmem_shared>> -> memref<10000x144xf32, #tpu.memory_space<vmem_shared>>
        tpu.wait_indirect_dma semaphore(%run_scoped3A_454 : memref<!tpu.dma_semaphore, #tpu.memory_space<semaphore_mem>>) src(%dma_wait3A_465 : memref<128x144xf32, #tpu.memory_space<vmem>>) dst(%dma_wait3A_468 : memref<10000x144xf32, #tpu.memory_space<vmem_shared>>)
        tpu.yield
      }) : () -> ()
      %add3A_401 = arith.constant 2 : i32
      %add3A_402 = arith.addi %add3A_365, %add3A_401 : i32
      %lt3A_403 = arith.constant 80 : i32
      %lt3A_404 = arith.cmpi slt, %add3A_402, %lt3A_403 : i32
      %convert_element_type3A_405 = arith.extui %lt3A_404 : i1 to i32
      %cond3A_406 = arith.constant 0 : i32
      %cond3A_407 = arith.cmpi ne, %convert_element_type3A_405, %cond3A_406 : i32
      scf.if %cond3A_407 {
        %dma_wait3A_454 = arith.constant 0 : i32
        %dma_wait3A_455 = arith.constant 0 : i32
        %dma_wait3A_456 = arith.constant 0 : i32
        %dma_wait3A_457 = tpu.memref_slice %arg2[%dma_wait3A_454, %dma_wait3A_456] : memref<1280x128xi32, #tpu.memory_space<hbm>> -> memref<1x128xi32, #tpu.memory_space<hbm>>
        %dma_wait3A_458 = tpu.memref_squeeze %dma_wait3A_457 : memref<1x128xi32, #tpu.memory_space<hbm>> -> memref<128xi32, #tpu.memory_space<hbm>>
        %dma_wait3A_459 = tpu.memref_slice %arg18[%dma_wait3A_455] : memref<4x!tpu.dma_semaphore, #tpu.memory_space<semaphore_mem>> -> memref<1x!tpu.dma_semaphore, #tpu.memory_space<semaphore_mem>>
        %dma_wait3A_460 = tpu.memref_squeeze %dma_wait3A_459 : memref<1x!tpu.dma_semaphore, #tpu.memory_space<semaphore_mem>> -> memref<!tpu.dma_semaphore, #tpu.memory_space<semaphore_mem>>
        %dma_wait3A_461 = arith.constant 0 : i32
        %dma_wait3A_462 = tpu.memref_slice %arg2[%dma_wait3A_454, %dma_wait3A_461] : memref<1280x128xi32, #tpu.memory_space<hbm>> -> memref<1x128xi32, #tpu.memory_space<hbm>>
        %dma_wait3A_463 = tpu.memref_squeeze %dma_wait3A_462 : memref<1x128xi32, #tpu.memory_space<hbm>> -> memref<128xi32, #tpu.memory_space<hbm>>
        tpu.wait_dma2 semaphore(%dma_wait3A_460 : memref<!tpu.dma_semaphore, #tpu.memory_space<semaphore_mem>>) src(%dma_wait3A_463 : memref<128xi32, #tpu.memory_space<hbm>>) dst(%arg7 : memref<128xi32, #tpu.memory_space<vmem>>)
        %dma_wait3A_464 = arith.constant 0 : i32
        %dma_wait3A_465 = arith.constant 0 : i32
        %dma_wait3A_466 = arith.constant 0 : i32
        %dma_wait3A_467 = tpu.memref_slice %arg3[%dma_wait3A_464, %dma_wait3A_466] : memref<1280x128xi32, #tpu.memory_space<hbm>> -> memref<1x128xi32, #tpu.memory_space<hbm>>
        %dma_wait3A_468 = tpu.memref_squeeze %dma_wait3A_467 : memref<1x128xi32, #tpu.memory_space<hbm>> -> memref<128xi32, #tpu.memory_space<hbm>>
        %dma_wait3A_469 = tpu.memref_slice %arg18[%dma_wait3A_465] : memref<4x!tpu.dma_semaphore, #tpu.memory_space<semaphore_mem>> -> memref<1x!tpu.dma_semaphore, #tpu.memory_space<semaphore_mem>>
        %dma_wait3A_470 = tpu.memref_squeeze %dma_wait3A_469 : memref<1x!tpu.dma_semaphore, #tpu.memory_space<semaphore_mem>> -> memref<!tpu.dma_semaphore, #tpu.memory_space<semaphore_mem>>
        %dma_wait3A_471 = arith.constant 0 : i32
        %dma_wait3A_472 = tpu.memref_slice %arg3[%dma_wait3A_464, %dma_wait3A_471] : memref<1280x128xi32, #tpu.memory_space<hbm>> -> memref<1x128xi32, #tpu.memory_space<hbm>>
        %dma_wait3A_473 = tpu.memref_squeeze %dma_wait3A_472 : memref<1x128xi32, #tpu.memory_space<hbm>> -> memref<128xi32, #tpu.memory_space<hbm>>
        tpu.wait_dma2 semaphore(%dma_wait3A_470 : memref<!tpu.dma_semaphore, #tpu.memory_space<semaphore_mem>>) src(%dma_wait3A_473 : memref<128xi32, #tpu.memory_space<hbm>>) dst(%arg11 : memref<128xi32, #tpu.memory_space<vmem>>)
        %dma_start3A_474 = arith.constant 0 : i32
        %dma_start3A_475 = arith.constant 0 : i32
        %dma_start3A_476 = arith.constant 0 : i32
        %dma_start3A_477 = arith.constant 0 : i32
        %dma_start3A_478 = tpu.memref_slice %arg15[%dma_start3A_474, %dma_start3A_476, %dma_start3A_477] : memref<2x128x144xf32, #tpu.memory_space<vmem>> -> memref<1x128x144xf32, #tpu.memory_space<vmem>>
        %dma_start3A_479 = tpu.memref_squeeze %dma_start3A_478 : memref<1x128x144xf32, #tpu.memory_space<vmem>> -> memref<128x144xf32, #tpu.memory_space<vmem>>
        %dma_start3A_480 = arith.constant 0 : i32
        %dma_start3A_481 = arith.constant 0 : i32
        %dma_start3A_482 = tpu.memref_slice %arg4[%add3A_3, %dma_start3A_480, %dma_start3A_481] : memref<4x10128x144xf32, #tpu.memory_space<hbm>> -> memref<1x10128x144xf32, #tpu.memory_space<hbm>>
        %dma_start3A_483 = tpu.memref_squeeze %dma_start3A_482 : memref<1x10128x144xf32, #tpu.memory_space<hbm>> -> memref<10128x144xf32, #tpu.memory_space<hbm>>
        %dma_start3A_484 = arith.constant 0 : i32
        %dma_start3A_485 = arith.constant 0 : i32
        %dma_start3A_486 = tpu.memref_slice %dma_start3A_483[%dma_start3A_484, %dma_start3A_485] : memref<10128x144xf32, #tpu.memory_space<hbm>> -> memref<10128x144xf32, #tpu.memory_space<hbm>>
        %dma_start3A_487 = tpu.memref_slice %arg17[%dma_start3A_475] : memref<2x!tpu.dma_semaphore, #tpu.memory_space<semaphore_mem>> -> memref<1x!tpu.dma_semaphore, #tpu.memory_space<semaphore_mem>>
        %dma_start3A_488 = tpu.memref_squeeze %dma_start3A_487 : memref<1x!tpu.dma_semaphore, #tpu.memory_space<semaphore_mem>> -> memref<!tpu.dma_semaphore, #tpu.memory_space<semaphore_mem>>
        tpu.enqueue_indirect_dma source(%dma_start3A_486 : memref<10128x144xf32, #tpu.memory_space<hbm>>) target(%dma_start3A_479 : memref<128x144xf32, #tpu.memory_space<vmem>>) offsets(%arg7 : memref<128xi32, #tpu.memory_space<vmem>>) semaphore(%dma_start3A_488 : memref<!tpu.dma_semaphore, #tpu.memory_space<semaphore_mem>>)
      } else {
      }
      %mul3A_408 = arith.constant 4 : i32
      %mul3A_409 = arith.muli %scan3A_271, %mul3A_408 : i32
      %add3A_410 = arith.constant 3 : i32
      %add3A_411 = arith.addi %mul3A_409, %add3A_410 : i32
      %dma_wait3A_412 = arith.constant 0 : i32
      %dma_wait3A_413 = arith.constant 1 : i32
      %dma_wait3A_414 = arith.constant 1 : i32
      %dma_wait3A_415 = arith.constant 0 : i32
      %dma_wait3A_416 = arith.constant 0 : i32
      %dma_wait3A_417 = tpu.memref_slice %arg15[%dma_wait3A_413, %dma_wait3A_415, %dma_wait3A_416] : memref<2x128x144xf32, #tpu.memory_space<vmem>> -> memref<1x128x144xf32, #tpu.memory_space<vmem>>
      %dma_wait3A_418 = tpu.memref_squeeze %dma_wait3A_417 : memref<1x128x144xf32, #tpu.memory_space<vmem>> -> memref<128x144xf32, #tpu.memory_space<vmem>>
      %dma_wait3A_419 = arith.constant 0 : i32
      %dma_wait3A_420 = arith.constant 0 : i32
      %dma_wait3A_421 = tpu.memref_slice %arg4[%dma_wait3A_412, %dma_wait3A_419, %dma_wait3A_420] : memref<4x10128x144xf32, #tpu.memory_space<hbm>> -> memref<1x10128x144xf32, #tpu.memory_space<hbm>>
      %dma_wait3A_422 = tpu.memref_squeeze %dma_wait3A_421 : memref<1x10128x144xf32, #tpu.memory_space<hbm>> -> memref<10128x144xf32, #tpu.memory_space<hbm>>
      %dma_wait3A_423 = arith.constant 0 : i32
      %dma_wait3A_424 = arith.constant 0 : i32
      %dma_wait3A_425 = tpu.memref_slice %dma_wait3A_422[%dma_wait3A_423, %dma_wait3A_424] : memref<10128x144xf32, #tpu.memory_space<hbm>> -> memref<128x144xf32, #tpu.memory_space<hbm>>
      %dma_wait3A_426 = tpu.memref_slice %arg17[%dma_wait3A_414] : memref<2x!tpu.dma_semaphore, #tpu.memory_space<semaphore_mem>> -> memref<1x!tpu.dma_semaphore, #tpu.memory_space<semaphore_mem>>
      %dma_wait3A_427 = tpu.memref_squeeze %dma_wait3A_426 : memref<1x!tpu.dma_semaphore, #tpu.memory_space<semaphore_mem>> -> memref<!tpu.dma_semaphore, #tpu.memory_space<semaphore_mem>>
      %dma_wait3A_428 = arith.constant 0 : i32
      %dma_wait3A_429 = arith.constant 0 : i32
      %dma_wait3A_430 = tpu.memref_slice %arg15[%dma_wait3A_413, %dma_wait3A_428, %dma_wait3A_429] : memref<2x128x144xf32, #tpu.memory_space<vmem>> -> memref<1x128x144xf32, #tpu.memory_space<vmem>>
      %dma_wait3A_431 = tpu.memref_squeeze %dma_wait3A_430 : memref<1x128x144xf32, #tpu.memory_space<vmem>> -> memref<128x144xf32, #tpu.memory_space<vmem>>
      %dma_wait3A_432 = arith.constant 0 : i32
      %dma_wait3A_433 = arith.constant 0 : i32
      %dma_wait3A_434 = tpu.memref_slice %arg4[%dma_wait3A_412, %dma_wait3A_432, %dma_wait3A_433] : memref<4x10128x144xf32, #tpu.memory_space<hbm>> -> memref<1x10128x144xf32, #tpu.memory_space<hbm>>
      %dma_wait3A_435 = tpu.memref_squeeze %dma_wait3A_434 : memref<1x10128x144xf32, #tpu.memory_space<hbm>> -> memref<10128x144xf32, #tpu.memory_space<hbm>>
      %dma_wait3A_436 = arith.constant 0 : i32
      %dma_wait3A_437 = arith.constant 0 : i32
      %dma_wait3A_438 = tpu.memref_slice %dma_wait3A_435[%dma_wait3A_436, %dma_wait3A_437] : memref<10128x144xf32, #tpu.memory_space<hbm>> -> memref<128x144xf32, #tpu.memory_space<hbm>>
      tpu.wait_dma2 semaphore(%dma_wait3A_427 : memref<!tpu.dma_semaphore, #tpu.memory_space<semaphore_mem>>) src(%dma_wait3A_438 : memref<128x144xf32, #tpu.memory_space<hbm>>) dst(%dma_wait3A_431 : memref<128x144xf32, #tpu.memory_space<vmem>>)
      %add3A_439 = arith.constant 2 : i32
      %add3A_440 = arith.addi %add3A_411, %add3A_439 : i32
      %lt3A_441 = arith.constant 80 : i32
      %lt3A_442 = arith.cmpi slt, %add3A_440, %lt3A_441 : i32
      %convert_element_type3A_443 = arith.extui %lt3A_442 : i1 to i32
      %cond3A_444 = arith.constant 0 : i32
      %cond3A_445 = arith.cmpi ne, %convert_element_type3A_443, %cond3A_444 : i32
      scf.if %cond3A_445 {
        %add3A_454 = arith.constant 2 : i32
        %add3A_455 = arith.addi %add3A_411, %add3A_454 : i32
        %add3A_456 = arith.addi %mul3A_2, %add3A_455 : i32
        %dma_start3A_457 = arith.constant 1 : i32
        %dma_start3A_458 = arith.constant 0 : i32
        %dma_start3A_459 = tpu.memref_slice %arg2[%add3A_456, %dma_start3A_458] : memref<1280x128xi32, #tpu.memory_space<hbm>> -> memref<1x128xi32, #tpu.memory_space<hbm>>
        %dma_start3A_460 = tpu.memref_squeeze %dma_start3A_459 : memref<1x128xi32, #tpu.memory_space<hbm>> -> memref<128xi32, #tpu.memory_space<hbm>>
        %dma_start3A_461 = tpu.memref_slice %arg18[%dma_start3A_457] : memref<4x!tpu.dma_semaphore, #tpu.memory_space<semaphore_mem>> -> memref<1x!tpu.dma_semaphore, #tpu.memory_space<semaphore_mem>>
        %dma_start3A_462 = tpu.memref_squeeze %dma_start3A_461 : memref<1x!tpu.dma_semaphore, #tpu.memory_space<semaphore_mem>> -> memref<!tpu.dma_semaphore, #tpu.memory_space<semaphore_mem>>
        %dma_start3A_463 = arith.constant 0 : i32
        %dma_start3A_464 = tpu.memref_slice %arg2[%add3A_456, %dma_start3A_463] : memref<1280x128xi32, #tpu.memory_space<hbm>> -> memref<1x128xi32, #tpu.memory_space<hbm>>
        %dma_start3A_465 = tpu.memref_squeeze %dma_start3A_464 : memref<1x128xi32, #tpu.memory_space<hbm>> -> memref<128xi32, #tpu.memory_space<hbm>>
        tpu.enqueue_dma source(%dma_start3A_465 : memref<128xi32, #tpu.memory_space<hbm>>) target(%arg8 : memref<128xi32, #tpu.memory_space<vmem>>) target_semaphore(%dma_start3A_462 : memref<!tpu.dma_semaphore, #tpu.memory_space<semaphore_mem>>)
        %add3A_466 = arith.addi %mul3A_2, %add3A_455 : i32
        %dma_start3A_467 = arith.constant 1 : i32
        %dma_start3A_468 = arith.constant 0 : i32
        %dma_start3A_469 = tpu.memref_slice %arg3[%add3A_466, %dma_start3A_468] : memref<1280x128xi32, #tpu.memory_space<hbm>> -> memref<1x128xi32, #tpu.memory_space<hbm>>
        %dma_start3A_470 = tpu.memref_squeeze %dma_start3A_469 : memref<1x128xi32, #tpu.memory_space<hbm>> -> memref<128xi32, #tpu.memory_space<hbm>>
        %dma_start3A_471 = tpu.memref_slice %arg18[%dma_start3A_467] : memref<4x!tpu.dma_semaphore, #tpu.memory_space<semaphore_mem>> -> memref<1x!tpu.dma_semaphore, #tpu.memory_space<semaphore_mem>>
        %dma_start3A_472 = tpu.memref_squeeze %dma_start3A_471 : memref<1x!tpu.dma_semaphore, #tpu.memory_space<semaphore_mem>> -> memref<!tpu.dma_semaphore, #tpu.memory_space<semaphore_mem>>
        %dma_start3A_473 = arith.constant 0 : i32
        %dma_start3A_474 = tpu.memref_slice %arg3[%add3A_466, %dma_start3A_473] : memref<1280x128xi32, #tpu.memory_space<hbm>> -> memref<1x128xi32, #tpu.memory_space<hbm>>
        %dma_start3A_475 = tpu.memref_squeeze %dma_start3A_474 : memref<1x128xi32, #tpu.memory_space<hbm>> -> memref<128xi32, #tpu.memory_space<hbm>>
        tpu.enqueue_dma source(%dma_start3A_475 : memref<128xi32, #tpu.memory_space<hbm>>) target(%arg12 : memref<128xi32, #tpu.memory_space<vmem>>) target_semaphore(%dma_start3A_472 : memref<!tpu.dma_semaphore, #tpu.memory_space<semaphore_mem>>)
      } else {
      }
      %run_scoped3A_446 = arith.constant 1 : i32
      "tpu.region"() ({
        %run_scoped3A_454 = tpu.sem_alloc : memref<!tpu.dma_semaphore, #tpu.memory_space<semaphore_mem>>
        %dma_start3A_455 = arith.constant 0 : i32
        %dma_start3A_456 = arith.constant 0 : i32
        %dma_start3A_457 = tpu.memref_slice %arg15[%run_scoped3A_446, %dma_start3A_455, %dma_start3A_456] : memref<2x128x144xf32, #tpu.memory_space<vmem>> -> memref<1x128x144xf32, #tpu.memory_space<vmem>>
        %dma_start3A_458 = tpu.memref_squeeze %dma_start3A_457 : memref<1x128x144xf32, #tpu.memory_space<vmem>> -> memref<128x144xf32, #tpu.memory_space<vmem>>
        %dma_start3A_459 = arith.constant 0 : i32
        %dma_start3A_460 = arith.constant 0 : i32
        %dma_start3A_461 = tpu.memref_slice %arg16[%dma_start3A_459, %dma_start3A_460] : memref<10000x144xf32, #tpu.memory_space<vmem_shared>> -> memref<10000x144xf32, #tpu.memory_space<vmem_shared>>
        tpu.enqueue_indirect_dma source(%dma_start3A_458 : memref<128x144xf32, #tpu.memory_space<vmem>>) target(%dma_start3A_461 : memref<10000x144xf32, #tpu.memory_space<vmem_shared>>) offsets(%arg14 : memref<128xi32, #tpu.memory_space<vmem>>) semaphore(%run_scoped3A_454 : memref<!tpu.dma_semaphore, #tpu.memory_space<semaphore_mem>>) {add = true}
        %dma_wait3A_462 = arith.constant 0 : i32
        %dma_wait3A_463 = arith.constant 0 : i32
        %dma_wait3A_464 = tpu.memref_slice %arg15[%run_scoped3A_446, %dma_wait3A_462, %dma_wait3A_463] : memref<2x128x144xf32, #tpu.memory_space<vmem>> -> memref<1x128x144xf32, #tpu.memory_space<vmem>>
        %dma_wait3A_465 = tpu.memref_squeeze %dma_wait3A_464 : memref<1x128x144xf32, #tpu.memory_space<vmem>> -> memref<128x144xf32, #tpu.memory_space<vmem>>
        %dma_wait3A_466 = arith.constant 0 : i32
        %dma_wait3A_467 = arith.constant 0 : i32
        %dma_wait3A_468 = tpu.memref_slice %arg16[%dma_wait3A_466, %dma_wait3A_467] : memref<10000x144xf32, #tpu.memory_space<vmem_shared>> -> memref<10000x144xf32, #tpu.memory_space<vmem_shared>>
        tpu.wait_indirect_dma semaphore(%run_scoped3A_454 : memref<!tpu.dma_semaphore, #tpu.memory_space<semaphore_mem>>) src(%dma_wait3A_465 : memref<128x144xf32, #tpu.memory_space<vmem>>) dst(%dma_wait3A_468 : memref<10000x144xf32, #tpu.memory_space<vmem_shared>>)
        tpu.yield
      }) : () -> ()
      %add3A_447 = arith.constant 2 : i32
      %add3A_448 = arith.addi %add3A_411, %add3A_447 : i32
      %lt3A_449 = arith.constant 80 : i32
      %lt3A_450 = arith.cmpi slt, %add3A_448, %lt3A_449 : i32
      %convert_element_type3A_451 = arith.extui %lt3A_450 : i1 to i32
      %cond3A_452 = arith.constant 0 : i32
      %cond3A_453 = arith.cmpi ne, %convert_element_type3A_451, %cond3A_452 : i32
      scf.if %cond3A_453 {
        %dma_wait3A_454 = arith.constant 0 : i32
        %dma_wait3A_455 = arith.constant 1 : i32
        %dma_wait3A_456 = arith.constant 0 : i32
        %dma_wait3A_457 = tpu.memref_slice %arg2[%dma_wait3A_454, %dma_wait3A_456] : memref<1280x128xi32, #tpu.memory_space<hbm>> -> memref<1x128xi32, #tpu.memory_space<hbm>>
        %dma_wait3A_458 = tpu.memref_squeeze %dma_wait3A_457 : memref<1x128xi32, #tpu.memory_space<hbm>> -> memref<128xi32, #tpu.memory_space<hbm>>
        %dma_wait3A_459 = tpu.memref_slice %arg18[%dma_wait3A_455] : memref<4x!tpu.dma_semaphore, #tpu.memory_space<semaphore_mem>> -> memref<1x!tpu.dma_semaphore, #tpu.memory_space<semaphore_mem>>
        %dma_wait3A_460 = tpu.memref_squeeze %dma_wait3A_459 : memref<1x!tpu.dma_semaphore, #tpu.memory_space<semaphore_mem>> -> memref<!tpu.dma_semaphore, #tpu.memory_space<semaphore_mem>>
        %dma_wait3A_461 = arith.constant 0 : i32
        %dma_wait3A_462 = tpu.memref_slice %arg2[%dma_wait3A_454, %dma_wait3A_461] : memref<1280x128xi32, #tpu.memory_space<hbm>> -> memref<1x128xi32, #tpu.memory_space<hbm>>
        %dma_wait3A_463 = tpu.memref_squeeze %dma_wait3A_462 : memref<1x128xi32, #tpu.memory_space<hbm>> -> memref<128xi32, #tpu.memory_space<hbm>>
        tpu.wait_dma2 semaphore(%dma_wait3A_460 : memref<!tpu.dma_semaphore, #tpu.memory_space<semaphore_mem>>) src(%dma_wait3A_463 : memref<128xi32, #tpu.memory_space<hbm>>) dst(%arg8 : memref<128xi32, #tpu.memory_space<vmem>>)
        %dma_wait3A_464 = arith.constant 0 : i32
        %dma_wait3A_465 = arith.constant 1 : i32
        %dma_wait3A_466 = arith.constant 0 : i32
        %dma_wait3A_467 = tpu.memref_slice %arg3[%dma_wait3A_464, %dma_wait3A_466] : memref<1280x128xi32, #tpu.memory_space<hbm>> -> memref<1x128xi32, #tpu.memory_space<hbm>>
        %dma_wait3A_468 = tpu.memref_squeeze %dma_wait3A_467 : memref<1x128xi32, #tpu.memory_space<hbm>> -> memref<128xi32, #tpu.memory_space<hbm>>
        %dma_wait3A_469 = tpu.memref_slice %arg18[%dma_wait3A_465] : memref<4x!tpu.dma_semaphore, #tpu.memory_space<semaphore_mem>> -> memref<1x!tpu.dma_semaphore, #tpu.memory_space<semaphore_mem>>
        %dma_wait3A_470 = tpu.memref_squeeze %dma_wait3A_469 : memref<1x!tpu.dma_semaphore, #tpu.memory_space<semaphore_mem>> -> memref<!tpu.dma_semaphore, #tpu.memory_space<semaphore_mem>>
        %dma_wait3A_471 = arith.constant 0 : i32
        %dma_wait3A_472 = tpu.memref_slice %arg3[%dma_wait3A_464, %dma_wait3A_471] : memref<1280x128xi32, #tpu.memory_space<hbm>> -> memref<1x128xi32, #tpu.memory_space<hbm>>
        %dma_wait3A_473 = tpu.memref_squeeze %dma_wait3A_472 : memref<1x128xi32, #tpu.memory_space<hbm>> -> memref<128xi32, #tpu.memory_space<hbm>>
        tpu.wait_dma2 semaphore(%dma_wait3A_470 : memref<!tpu.dma_semaphore, #tpu.memory_space<semaphore_mem>>) src(%dma_wait3A_473 : memref<128xi32, #tpu.memory_space<hbm>>) dst(%arg12 : memref<128xi32, #tpu.memory_space<vmem>>)
        %dma_start3A_474 = arith.constant 1 : i32
        %dma_start3A_475 = arith.constant 1 : i32
        %dma_start3A_476 = arith.constant 0 : i32
        %dma_start3A_477 = arith.constant 0 : i32
        %dma_start3A_478 = tpu.memref_slice %arg15[%dma_start3A_474, %dma_start3A_476, %dma_start3A_477] : memref<2x128x144xf32, #tpu.memory_space<vmem>> -> memref<1x128x144xf32, #tpu.memory_space<vmem>>
        %dma_start3A_479 = tpu.memref_squeeze %dma_start3A_478 : memref<1x128x144xf32, #tpu.memory_space<vmem>> -> memref<128x144xf32, #tpu.memory_space<vmem>>
        %dma_start3A_480 = arith.constant 0 : i32
        %dma_start3A_481 = arith.constant 0 : i32
        %dma_start3A_482 = tpu.memref_slice %arg4[%add3A_3, %dma_start3A_480, %dma_start3A_481] : memref<4x10128x144xf32, #tpu.memory_space<hbm>> -> memref<1x10128x144xf32, #tpu.memory_space<hbm>>
        %dma_start3A_483 = tpu.memref_squeeze %dma_start3A_482 : memref<1x10128x144xf32, #tpu.memory_space<hbm>> -> memref<10128x144xf32, #tpu.memory_space<hbm>>
        %dma_start3A_484 = arith.constant 0 : i32
        %dma_start3A_485 = arith.constant 0 : i32
        %dma_start3A_486 = tpu.memref_slice %dma_start3A_483[%dma_start3A_484, %dma_start3A_485] : memref<10128x144xf32, #tpu.memory_space<hbm>> -> memref<10128x144xf32, #tpu.memory_space<hbm>>
        %dma_start3A_487 = tpu.memref_slice %arg17[%dma_start3A_475] : memref<2x!tpu.dma_semaphore, #tpu.memory_space<semaphore_mem>> -> memref<1x!tpu.dma_semaphore, #tpu.memory_space<semaphore_mem>>
        %dma_start3A_488 = tpu.memref_squeeze %dma_start3A_487 : memref<1x!tpu.dma_semaphore, #tpu.memory_space<semaphore_mem>> -> memref<!tpu.dma_semaphore, #tpu.memory_space<semaphore_mem>>
        tpu.enqueue_indirect_dma source(%dma_start3A_486 : memref<10128x144xf32, #tpu.memory_space<hbm>>) target(%dma_start3A_479 : memref<128x144xf32, #tpu.memory_space<vmem>>) offsets(%arg8 : memref<128xi32, #tpu.memory_space<vmem>>) semaphore(%dma_start3A_488 : memref<!tpu.dma_semaphore, #tpu.memory_space<semaphore_mem>>)
      } else {
      }
    }
    %scan3A_122 = arith.constant 20 : i32
    %barrier3A_123 = arith.constant 0 : index
    tpu.barrier barrier_id(%barrier3A_123)
    %mul3A_124 = arith.constant 10000 : i32
    %mul3A_125 = arith.muli %add3A_3, %mul3A_124 : i32
    %add3A_126 = arith.addi %mul3A_125, %mul3A_0 : i32
    "tpu.region"() ({
      %run_scoped3A = tpu.sem_alloc : memref<!tpu.dma_semaphore, #tpu.memory_space<semaphore_mem>>
      %dma_start3A_271 = arith.constant 0 : i32
      %dma_start3A_272 = tpu.memref_slice %arg6[%add3A_126, %dma_start3A_271] : memref<40000x144xf32, #tpu.memory_space<hbm>> -> memref<624x144xf32, #tpu.memory_space<hbm>>
      %dma_start3A_273 = arith.constant 0 : i32
      %dma_start3A_274 = tpu.memref_slice %arg16[%mul3A_0, %dma_start3A_273] : memref<10000x144xf32, #tpu.memory_space<vmem_shared>> -> memref<624x144xf32, #tpu.memory_space<vmem_shared>>
      tpu.enqueue_dma source(%dma_start3A_274 : memref<624x144xf32, #tpu.memory_space<vmem_shared>>) target(%dma_start3A_272 : memref<624x144xf32, #tpu.memory_space<hbm>>) target_semaphore(%run_scoped3A : memref<!tpu.dma_semaphore, #tpu.memory_space<semaphore_mem>>)
      %dma_wait3A_275 = arith.constant 0 : i32
      %dma_wait3A_276 = tpu.memref_slice %arg6[%add3A_126, %dma_wait3A_275] : memref<40000x144xf32, #tpu.memory_space<hbm>> -> memref<624x144xf32, #tpu.memory_space<hbm>>
      %dma_wait3A_277 = arith.constant 0 : i32
      %dma_wait3A_278 = tpu.memref_slice %arg16[%mul3A_0, %dma_wait3A_277] : memref<10000x144xf32, #tpu.memory_space<vmem_shared>> -> memref<624x144xf32, #tpu.memory_space<vmem_shared>>
      tpu.wait_dma2 semaphore(%run_scoped3A : memref<!tpu.dma_semaphore, #tpu.memory_space<semaphore_mem>>) src(%dma_wait3A_278 : memref<624x144xf32, #tpu.memory_space<vmem_shared>>) dst(%dma_wait3A_276 : memref<624x144xf32, #tpu.memory_space<hbm>>)
      tpu.yield
    }) : () -> ()
    %eq3A_127 = arith.constant 15 : i32
    %eq3A_128 = arith.cmpi eq, %arg1, %eq3A_127 : i32
    %convert_element_type3A_129 = arith.extui %eq3A_128 : i1 to i32
    %cond3A_130 = arith.constant 0 : i32
    %cond3A_131 = arith.cmpi ne, %convert_element_type3A_129, %cond3A_130 : i32
    scf.if %cond3A_131 {
      %mul3A_271 = arith.constant 10000 : i32
      %mul3A_272 = arith.muli %add3A_3, %mul3A_271 : i32
      %add3A_273 = arith.constant 9984 : i32
      %add3A_274 = arith.addi %mul3A_272, %add3A_273 : i32
      "tpu.region"() ({
        %run_scoped3A = tpu.sem_alloc : memref<!tpu.dma_semaphore, #tpu.memory_space<semaphore_mem>>
        %dma_start3A_275 = arith.constant 0 : i32
        %dma_start3A_276 = tpu.memref_slice %arg6[%add3A_274, %dma_start3A_275] : memref<40000x144xf32, #tpu.memory_space<hbm>> -> memref<16x144xf32, #tpu.memory_space<hbm>>
        %dma_start3A_277 = arith.constant 9984 : i32
        %dma_start3A_278 = arith.constant 0 : i32
        %dma_start3A_279 = tpu.memref_slice %arg16[%dma_start3A_277, %dma_start3A_278] : memref<10000x144xf32, #tpu.memory_space<vmem_shared>> -> memref<16x144xf32, #tpu.memory_space<vmem_shared>>
        tpu.enqueue_dma source(%dma_start3A_279 : memref<16x144xf32, #tpu.memory_space<vmem_shared>>) target(%dma_start3A_276 : memref<16x144xf32, #tpu.memory_space<hbm>>) target_semaphore(%run_scoped3A : memref<!tpu.dma_semaphore, #tpu.memory_space<semaphore_mem>>)
        %dma_wait3A_280 = arith.constant 0 : i32
        %dma_wait3A_281 = tpu.memref_slice %arg6[%add3A_274, %dma_wait3A_280] : memref<40000x144xf32, #tpu.memory_space<hbm>> -> memref<16x144xf32, #tpu.memory_space<hbm>>
        %dma_wait3A_282 = arith.constant 9984 : i32
        %dma_wait3A_283 = arith.constant 0 : i32
        %dma_wait3A_284 = tpu.memref_slice %arg16[%dma_wait3A_282, %dma_wait3A_283] : memref<10000x144xf32, #tpu.memory_space<vmem_shared>> -> memref<16x144xf32, #tpu.memory_space<vmem_shared>>
        tpu.wait_dma2 semaphore(%run_scoped3A : memref<!tpu.dma_semaphore, #tpu.memory_space<semaphore_mem>>) src(%dma_wait3A_284 : memref<16x144xf32, #tpu.memory_space<vmem_shared>>) dst(%dma_wait3A_281 : memref<16x144xf32, #tpu.memory_space<hbm>>)
        tpu.yield
      }) : () -> ()
    } else {
    }
    %barrier3A_132 = arith.constant 0 : index
    tpu.barrier barrier_id(%barrier3A_132)
    %add3A_133 = arith.constant 2 : i32
    %add3A_134 = arith.addi %add3A_133, %arg0 : i32
    "tpu.region"() ({
      %run_scoped3A = tpu.sem_alloc : memref<!tpu.dma_semaphore, #tpu.memory_space<semaphore_mem>>
      %dma_start3A_271 = arith.constant 0 : i32
      %dma_start3A_272 = tpu.memref_slice %arg16[%mul3A_0, %dma_start3A_271] : memref<10000x144xf32, #tpu.memory_space<vmem_shared>> -> memref<624x144xf32, #tpu.memory_space<vmem_shared>>
      %dma_start3A_273 = arith.constant 0 : i32
      %dma_start3A_274 = arith.constant 0 : i32
      %dma_start3A_275 = tpu.memref_slice %arg5[%dma_start3A_273, %dma_start3A_274] : memref<624x144xf32, #tpu.memory_space<hbm>> -> memref<624x144xf32, #tpu.memory_space<hbm>>
      tpu.enqueue_dma source(%dma_start3A_275 : memref<624x144xf32, #tpu.memory_space<hbm>>) target(%dma_start3A_272 : memref<624x144xf32, #tpu.memory_space<vmem_shared>>) target_semaphore(%run_scoped3A : memref<!tpu.dma_semaphore, #tpu.memory_space<semaphore_mem>>)
      %dma_wait3A_276 = arith.constant 0 : i32
      %dma_wait3A_277 = tpu.memref_slice %arg16[%mul3A_0, %dma_wait3A_276] : memref<10000x144xf32, #tpu.memory_space<vmem_shared>> -> memref<624x144xf32, #tpu.memory_space<vmem_shared>>
      %dma_wait3A_278 = arith.constant 0 : i32
      %dma_wait3A_279 = arith.constant 0 : i32
      %dma_wait3A_280 = tpu.memref_slice %arg5[%dma_wait3A_278, %dma_wait3A_279] : memref<624x144xf32, #tpu.memory_space<hbm>> -> memref<624x144xf32, #tpu.memory_space<hbm>>
      tpu.wait_dma2 semaphore(%run_scoped3A : memref<!tpu.dma_semaphore, #tpu.memory_space<semaphore_mem>>) src(%dma_wait3A_280 : memref<624x144xf32, #tpu.memory_space<hbm>>) dst(%dma_wait3A_277 : memref<624x144xf32, #tpu.memory_space<vmem_shared>>)
      tpu.yield
    }) : () -> ()
    %eq3A_135 = arith.constant 15 : i32
    %eq3A_136 = arith.cmpi eq, %arg1, %eq3A_135 : i32
    %convert_element_type3A_137 = arith.extui %eq3A_136 : i1 to i32
    %cond3A_138 = arith.constant 0 : i32
    %cond3A_139 = arith.cmpi ne, %convert_element_type3A_137, %cond3A_138 : i32
    scf.if %cond3A_139 {
      "tpu.region"() ({
        %run_scoped3A = tpu.sem_alloc : memref<!tpu.dma_semaphore, #tpu.memory_space<semaphore_mem>>
        %dma_start3A_271 = arith.constant 9984 : i32
        %dma_start3A_272 = arith.constant 0 : i32
        %dma_start3A_273 = tpu.memref_slice %arg16[%dma_start3A_271, %dma_start3A_272] : memref<10000x144xf32, #tpu.memory_space<vmem_shared>> -> memref<16x144xf32, #tpu.memory_space<vmem_shared>>
        %dma_start3A_274 = arith.constant 0 : i32
        %dma_start3A_275 = arith.constant 0 : i32
        %dma_start3A_276 = tpu.memref_slice %arg5[%dma_start3A_274, %dma_start3A_275] : memref<624x144xf32, #tpu.memory_space<hbm>> -> memref<16x144xf32, #tpu.memory_space<hbm>>
        tpu.enqueue_dma source(%dma_start3A_276 : memref<16x144xf32, #tpu.memory_space<hbm>>) target(%dma_start3A_273 : memref<16x144xf32, #tpu.memory_space<vmem_shared>>) target_semaphore(%run_scoped3A : memref<!tpu.dma_semaphore, #tpu.memory_space<semaphore_mem>>)
        %dma_wait3A_277 = arith.constant 9984 : i32
        %dma_wait3A_278 = arith.constant 0 : i32
        %dma_wait3A_279 = tpu.memref_slice %arg16[%dma_wait3A_277, %dma_wait3A_278] : memref<10000x144xf32, #tpu.memory_space<vmem_shared>> -> memref<16x144xf32, #tpu.memory_space<vmem_shared>>
        %dma_wait3A_280 = arith.constant 0 : i32
        %dma_wait3A_281 = arith.constant 0 : i32
        %dma_wait3A_282 = tpu.memref_slice %arg5[%dma_wait3A_280, %dma_wait3A_281] : memref<624x144xf32, #tpu.memory_space<hbm>> -> memref<16x144xf32, #tpu.memory_space<hbm>>
        tpu.wait_dma2 semaphore(%run_scoped3A : memref<!tpu.dma_semaphore, #tpu.memory_space<semaphore_mem>>) src(%dma_wait3A_282 : memref<16x144xf32, #tpu.memory_space<hbm>>) dst(%dma_wait3A_279 : memref<16x144xf32, #tpu.memory_space<vmem_shared>>)
        tpu.yield
      }) : () -> ()
    } else {
    }
    %barrier3A_140 = arith.constant 0 : index
    tpu.barrier barrier_id(%barrier3A_140)
    %add3A_141 = arith.constant 0 : i32
    %add3A_142 = arith.addi %mul3A_2, %add3A_141 : i32
    %dma_start3A_143 = arith.constant 0 : i32
    %dma_start3A_144 = arith.constant 0 : i32
    %dma_start3A_145 = tpu.memref_slice %arg2[%add3A_142, %dma_start3A_144] : memref<1280x128xi32, #tpu.memory_space<hbm>> -> memref<1x128xi32, #tpu.memory_space<hbm>>
    %dma_start3A_146 = tpu.memref_squeeze %dma_start3A_145 : memref<1x128xi32, #tpu.memory_space<hbm>> -> memref<128xi32, #tpu.memory_space<hbm>>
    %dma_start3A_147 = tpu.memref_slice %arg18[%dma_start3A_143] : memref<4x!tpu.dma_semaphore, #tpu.memory_space<semaphore_mem>> -> memref<1x!tpu.dma_semaphore, #tpu.memory_space<semaphore_mem>>
    %dma_start3A_148 = tpu.memref_squeeze %dma_start3A_147 : memref<1x!tpu.dma_semaphore, #tpu.memory_space<semaphore_mem>> -> memref<!tpu.dma_semaphore, #tpu.memory_space<semaphore_mem>>
    %dma_start3A_149 = arith.constant 0 : i32
    %dma_start3A_150 = tpu.memref_slice %arg2[%add3A_142, %dma_start3A_149] : memref<1280x128xi32, #tpu.memory_space<hbm>> -> memref<1x128xi32, #tpu.memory_space<hbm>>
    %dma_start3A_151 = tpu.memref_squeeze %dma_start3A_150 : memref<1x128xi32, #tpu.memory_space<hbm>> -> memref<128xi32, #tpu.memory_space<hbm>>
    tpu.enqueue_dma source(%dma_start3A_151 : memref<128xi32, #tpu.memory_space<hbm>>) target(%arg7 : memref<128xi32, #tpu.memory_space<vmem>>) target_semaphore(%dma_start3A_148 : memref<!tpu.dma_semaphore, #tpu.memory_space<semaphore_mem>>)
    %add3A_152 = arith.constant 0 : i32
    %add3A_153 = arith.addi %mul3A_2, %add3A_152 : i32
    %dma_start3A_154 = arith.constant 0 : i32
    %dma_start3A_155 = arith.constant 0 : i32
    %dma_start3A_156 = tpu.memref_slice %arg3[%add3A_153, %dma_start3A_155] : memref<1280x128xi32, #tpu.memory_space<hbm>> -> memref<1x128xi32, #tpu.memory_space<hbm>>
    %dma_start3A_157 = tpu.memref_squeeze %dma_start3A_156 : memref<1x128xi32, #tpu.memory_space<hbm>> -> memref<128xi32, #tpu.memory_space<hbm>>
    %dma_start3A_158 = tpu.memref_slice %arg18[%dma_start3A_154] : memref<4x!tpu.dma_semaphore, #tpu.memory_space<semaphore_mem>> -> memref<1x!tpu.dma_semaphore, #tpu.memory_space<semaphore_mem>>
    %dma_start3A_159 = tpu.memref_squeeze %dma_start3A_158 : memref<1x!tpu.dma_semaphore, #tpu.memory_space<semaphore_mem>> -> memref<!tpu.dma_semaphore, #tpu.memory_space<semaphore_mem>>
    %dma_start3A_160 = arith.constant 0 : i32
    %dma_start3A_161 = tpu.memref_slice %arg3[%add3A_153, %dma_start3A_160] : memref<1280x128xi32, #tpu.memory_space<hbm>> -> memref<1x128xi32, #tpu.memory_space<hbm>>
    %dma_start3A_162 = tpu.memref_squeeze %dma_start3A_161 : memref<1x128xi32, #tpu.memory_space<hbm>> -> memref<128xi32, #tpu.memory_space<hbm>>
    tpu.enqueue_dma source(%dma_start3A_162 : memref<128xi32, #tpu.memory_space<hbm>>) target(%arg11 : memref<128xi32, #tpu.memory_space<vmem>>) target_semaphore(%dma_start3A_159 : memref<!tpu.dma_semaphore, #tpu.memory_space<semaphore_mem>>)
    %add3A_163 = arith.constant 1 : i32
    %add3A_164 = arith.addi %mul3A_2, %add3A_163 : i32
    %dma_start3A_165 = arith.constant 1 : i32
    %dma_start3A_166 = arith.constant 0 : i32
    %dma_start3A_167 = tpu.memref_slice %arg2[%add3A_164, %dma_start3A_166] : memref<1280x128xi32, #tpu.memory_space<hbm>> -> memref<1x128xi32, #tpu.memory_space<hbm>>
    %dma_start3A_168 = tpu.memref_squeeze %dma_start3A_167 : memref<1x128xi32, #tpu.memory_space<hbm>> -> memref<128xi32, #tpu.memory_space<hbm>>
    %dma_start3A_169 = tpu.memref_slice %arg18[%dma_start3A_165] : memref<4x!tpu.dma_semaphore, #tpu.memory_space<semaphore_mem>> -> memref<1x!tpu.dma_semaphore, #tpu.memory_space<semaphore_mem>>
    %dma_start3A_170 = tpu.memref_squeeze %dma_start3A_169 : memref<1x!tpu.dma_semaphore, #tpu.memory_space<semaphore_mem>> -> memref<!tpu.dma_semaphore, #tpu.memory_space<semaphore_mem>>
    %dma_start3A_171 = arith.constant 0 : i32
    %dma_start3A_172 = tpu.memref_slice %arg2[%add3A_164, %dma_start3A_171] : memref<1280x128xi32, #tpu.memory_space<hbm>> -> memref<1x128xi32, #tpu.memory_space<hbm>>
    %dma_start3A_173 = tpu.memref_squeeze %dma_start3A_172 : memref<1x128xi32, #tpu.memory_space<hbm>> -> memref<128xi32, #tpu.memory_space<hbm>>
    tpu.enqueue_dma source(%dma_start3A_173 : memref<128xi32, #tpu.memory_space<hbm>>) target(%arg8 : memref<128xi32, #tpu.memory_space<vmem>>) target_semaphore(%dma_start3A_170 : memref<!tpu.dma_semaphore, #tpu.memory_space<semaphore_mem>>)
    %add3A_174 = arith.constant 1 : i32
    %add3A_175 = arith.addi %mul3A_2, %add3A_174 : i32
    %dma_start3A_176 = arith.constant 1 : i32
    %dma_start3A_177 = arith.constant 0 : i32
    %dma_start3A_178 = tpu.memref_slice %arg3[%add3A_175, %dma_start3A_177] : memref<1280x128xi32, #tpu.memory_space<hbm>> -> memref<1x128xi32, #tpu.memory_space<hbm>>
    %dma_start3A_179 = tpu.memref_squeeze %dma_start3A_178 : memref<1x128xi32, #tpu.memory_space<hbm>> -> memref<128xi32, #tpu.memory_space<hbm>>
    %dma_start3A_180 = tpu.memref_slice %arg18[%dma_start3A_176] : memref<4x!tpu.dma_semaphore, #tpu.memory_space<semaphore_mem>> -> memref<1x!tpu.dma_semaphore, #tpu.memory_space<semaphore_mem>>
    %dma_start3A_181 = tpu.memref_squeeze %dma_start3A_180 : memref<1x!tpu.dma_semaphore, #tpu.memory_space<semaphore_mem>> -> memref<!tpu.dma_semaphore, #tpu.memory_space<semaphore_mem>>
    %dma_start3A_182 = arith.constant 0 : i32
    %dma_start3A_183 = tpu.memref_slice %arg3[%add3A_175, %dma_start3A_182] : memref<1280x128xi32, #tpu.memory_space<hbm>> -> memref<1x128xi32, #tpu.memory_space<hbm>>
    %dma_start3A_184 = tpu.memref_squeeze %dma_start3A_183 : memref<1x128xi32, #tpu.memory_space<hbm>> -> memref<128xi32, #tpu.memory_space<hbm>>
    tpu.enqueue_dma source(%dma_start3A_184 : memref<128xi32, #tpu.memory_space<hbm>>) target(%arg12 : memref<128xi32, #tpu.memory_space<vmem>>) target_semaphore(%dma_start3A_181 : memref<!tpu.dma_semaphore, #tpu.memory_space<semaphore_mem>>)
    %dma_wait3A_185 = arith.constant 0 : i32
    %dma_wait3A_186 = arith.constant 0 : i32
    %dma_wait3A_187 = arith.constant 0 : i32
    %dma_wait3A_188 = tpu.memref_slice %arg2[%dma_wait3A_185, %dma_wait3A_187] : memref<1280x128xi32, #tpu.memory_space<hbm>> -> memref<1x128xi32, #tpu.memory_space<hbm>>
    %dma_wait3A_189 = tpu.memref_squeeze %dma_wait3A_188 : memref<1x128xi32, #tpu.memory_space<hbm>> -> memref<128xi32, #tpu.memory_space<hbm>>
    %dma_wait3A_190 = tpu.memref_slice %arg18[%dma_wait3A_186] : memref<4x!tpu.dma_semaphore, #tpu.memory_space<semaphore_mem>> -> memref<1x!tpu.dma_semaphore, #tpu.memory_space<semaphore_mem>>
    %dma_wait3A_191 = tpu.memref_squeeze %dma_wait3A_190 : memref<1x!tpu.dma_semaphore, #tpu.memory_space<semaphore_mem>> -> memref<!tpu.dma_semaphore, #tpu.memory_space<semaphore_mem>>
    %dma_wait3A_192 = arith.constant 0 : i32
    %dma_wait3A_193 = tpu.memref_slice %arg2[%dma_wait3A_185, %dma_wait3A_192] : memref<1280x128xi32, #tpu.memory_space<hbm>> -> memref<1x128xi32, #tpu.memory_space<hbm>>
    %dma_wait3A_194 = tpu.memref_squeeze %dma_wait3A_193 : memref<1x128xi32, #tpu.memory_space<hbm>> -> memref<128xi32, #tpu.memory_space<hbm>>
    tpu.wait_dma2 semaphore(%dma_wait3A_191 : memref<!tpu.dma_semaphore, #tpu.memory_space<semaphore_mem>>) src(%dma_wait3A_194 : memref<128xi32, #tpu.memory_space<hbm>>) dst(%arg7 : memref<128xi32, #tpu.memory_space<vmem>>)
    %dma_wait3A_195 = arith.constant 0 : i32
    %dma_wait3A_196 = arith.constant 0 : i32
    %dma_wait3A_197 = arith.constant 0 : i32
    %dma_wait3A_198 = tpu.memref_slice %arg3[%dma_wait3A_195, %dma_wait3A_197] : memref<1280x128xi32, #tpu.memory_space<hbm>> -> memref<1x128xi32, #tpu.memory_space<hbm>>
    %dma_wait3A_199 = tpu.memref_squeeze %dma_wait3A_198 : memref<1x128xi32, #tpu.memory_space<hbm>> -> memref<128xi32, #tpu.memory_space<hbm>>
    %dma_wait3A_200 = tpu.memref_slice %arg18[%dma_wait3A_196] : memref<4x!tpu.dma_semaphore, #tpu.memory_space<semaphore_mem>> -> memref<1x!tpu.dma_semaphore, #tpu.memory_space<semaphore_mem>>
    %dma_wait3A_201 = tpu.memref_squeeze %dma_wait3A_200 : memref<1x!tpu.dma_semaphore, #tpu.memory_space<semaphore_mem>> -> memref<!tpu.dma_semaphore, #tpu.memory_space<semaphore_mem>>
    %dma_wait3A_202 = arith.constant 0 : i32
    %dma_wait3A_203 = tpu.memref_slice %arg3[%dma_wait3A_195, %dma_wait3A_202] : memref<1280x128xi32, #tpu.memory_space<hbm>> -> memref<1x128xi32, #tpu.memory_space<hbm>>
    %dma_wait3A_204 = tpu.memref_squeeze %dma_wait3A_203 : memref<1x128xi32, #tpu.memory_space<hbm>> -> memref<128xi32, #tpu.memory_space<hbm>>
    tpu.wait_dma2 semaphore(%dma_wait3A_201 : memref<!tpu.dma_semaphore, #tpu.memory_space<semaphore_mem>>) src(%dma_wait3A_204 : memref<128xi32, #tpu.memory_space<hbm>>) dst(%arg11 : memref<128xi32, #tpu.memory_space<vmem>>)
    %dma_start3A_205 = arith.constant 0 : i32
    %dma_start3A_206 = arith.constant 0 : i32
    %dma_start3A_207 = arith.constant 0 : i32
    %dma_start3A_208 = arith.constant 0 : i32
    %dma_start3A_209 = tpu.memref_slice %arg15[%dma_start3A_205, %dma_start3A_207, %dma_start3A_208] : memref<2x128x144xf32, #tpu.memory_space<vmem>> -> memref<1x128x144xf32, #tpu.memory_space<vmem>>
    %dma_start3A_210 = tpu.memref_squeeze %dma_start3A_209 : memref<1x128x144xf32, #tpu.memory_space<vmem>> -> memref<128x144xf32, #tpu.memory_space<vmem>>
    %dma_start3A_211 = arith.constant 0 : i32
    %dma_start3A_212 = arith.constant 0 : i32
    %dma_start3A_213 = tpu.memref_slice %arg4[%add3A_134, %dma_start3A_211, %dma_start3A_212] : memref<4x10128x144xf32, #tpu.memory_space<hbm>> -> memref<1x10128x144xf32, #tpu.memory_space<hbm>>
    %dma_start3A_214 = tpu.memref_squeeze %dma_start3A_213 : memref<1x10128x144xf32, #tpu.memory_space<hbm>> -> memref<10128x144xf32, #tpu.memory_space<hbm>>
    %dma_start3A_215 = arith.constant 0 : i32
    %dma_start3A_216 = arith.constant 0 : i32
    %dma_start3A_217 = tpu.memref_slice %dma_start3A_214[%dma_start3A_215, %dma_start3A_216] : memref<10128x144xf32, #tpu.memory_space<hbm>> -> memref<10128x144xf32, #tpu.memory_space<hbm>>
    %dma_start3A_218 = tpu.memref_slice %arg17[%dma_start3A_206] : memref<2x!tpu.dma_semaphore, #tpu.memory_space<semaphore_mem>> -> memref<1x!tpu.dma_semaphore, #tpu.memory_space<semaphore_mem>>
    %dma_start3A_219 = tpu.memref_squeeze %dma_start3A_218 : memref<1x!tpu.dma_semaphore, #tpu.memory_space<semaphore_mem>> -> memref<!tpu.dma_semaphore, #tpu.memory_space<semaphore_mem>>
    tpu.enqueue_indirect_dma source(%dma_start3A_217 : memref<10128x144xf32, #tpu.memory_space<hbm>>) target(%dma_start3A_210 : memref<128x144xf32, #tpu.memory_space<vmem>>) offsets(%arg7 : memref<128xi32, #tpu.memory_space<vmem>>) semaphore(%dma_start3A_219 : memref<!tpu.dma_semaphore, #tpu.memory_space<semaphore_mem>>)
    %dma_wait3A_220 = arith.constant 0 : i32
    %dma_wait3A_221 = arith.constant 1 : i32
    %dma_wait3A_222 = arith.constant 0 : i32
    %dma_wait3A_223 = tpu.memref_slice %arg2[%dma_wait3A_220, %dma_wait3A_222] : memref<1280x128xi32, #tpu.memory_space<hbm>> -> memref<1x128xi32, #tpu.memory_space<hbm>>
    %dma_wait3A_224 = tpu.memref_squeeze %dma_wait3A_223 : memref<1x128xi32, #tpu.memory_space<hbm>> -> memref<128xi32, #tpu.memory_space<hbm>>
    %dma_wait3A_225 = tpu.memref_slice %arg18[%dma_wait3A_221] : memref<4x!tpu.dma_semaphore, #tpu.memory_space<semaphore_mem>> -> memref<1x!tpu.dma_semaphore, #tpu.memory_space<semaphore_mem>>
    %dma_wait3A_226 = tpu.memref_squeeze %dma_wait3A_225 : memref<1x!tpu.dma_semaphore, #tpu.memory_space<semaphore_mem>> -> memref<!tpu.dma_semaphore, #tpu.memory_space<semaphore_mem>>
    %dma_wait3A_227 = arith.constant 0 : i32
    %dma_wait3A_228 = tpu.memref_slice %arg2[%dma_wait3A_220, %dma_wait3A_227] : memref<1280x128xi32, #tpu.memory_space<hbm>> -> memref<1x128xi32, #tpu.memory_space<hbm>>
    %dma_wait3A_229 = tpu.memref_squeeze %dma_wait3A_228 : memref<1x128xi32, #tpu.memory_space<hbm>> -> memref<128xi32, #tpu.memory_space<hbm>>
    tpu.wait_dma2 semaphore(%dma_wait3A_226 : memref<!tpu.dma_semaphore, #tpu.memory_space<semaphore_mem>>) src(%dma_wait3A_229 : memref<128xi32, #tpu.memory_space<hbm>>) dst(%arg8 : memref<128xi32, #tpu.memory_space<vmem>>)
    %dma_wait3A_230 = arith.constant 0 : i32
    %dma_wait3A_231 = arith.constant 1 : i32
    %dma_wait3A_232 = arith.constant 0 : i32
    %dma_wait3A_233 = tpu.memref_slice %arg3[%dma_wait3A_230, %dma_wait3A_232] : memref<1280x128xi32, #tpu.memory_space<hbm>> -> memref<1x128xi32, #tpu.memory_space<hbm>>
    %dma_wait3A_234 = tpu.memref_squeeze %dma_wait3A_233 : memref<1x128xi32, #tpu.memory_space<hbm>> -> memref<128xi32, #tpu.memory_space<hbm>>
    %dma_wait3A_235 = tpu.memref_slice %arg18[%dma_wait3A_231] : memref<4x!tpu.dma_semaphore, #tpu.memory_space<semaphore_mem>> -> memref<1x!tpu.dma_semaphore, #tpu.memory_space<semaphore_mem>>
    %dma_wait3A_236 = tpu.memref_squeeze %dma_wait3A_235 : memref<1x!tpu.dma_semaphore, #tpu.memory_space<semaphore_mem>> -> memref<!tpu.dma_semaphore, #tpu.memory_space<semaphore_mem>>
    %dma_wait3A_237 = arith.constant 0 : i32
    %dma_wait3A_238 = tpu.memref_slice %arg3[%dma_wait3A_230, %dma_wait3A_237] : memref<1280x128xi32, #tpu.memory_space<hbm>> -> memref<1x128xi32, #tpu.memory_space<hbm>>
    %dma_wait3A_239 = tpu.memref_squeeze %dma_wait3A_238 : memref<1x128xi32, #tpu.memory_space<hbm>> -> memref<128xi32, #tpu.memory_space<hbm>>
    tpu.wait_dma2 semaphore(%dma_wait3A_236 : memref<!tpu.dma_semaphore, #tpu.memory_space<semaphore_mem>>) src(%dma_wait3A_239 : memref<128xi32, #tpu.memory_space<hbm>>) dst(%arg12 : memref<128xi32, #tpu.memory_space<vmem>>)
    %dma_start3A_240 = arith.constant 1 : i32
    %dma_start3A_241 = arith.constant 1 : i32
    %dma_start3A_242 = arith.constant 0 : i32
    %dma_start3A_243 = arith.constant 0 : i32
    %dma_start3A_244 = tpu.memref_slice %arg15[%dma_start3A_240, %dma_start3A_242, %dma_start3A_243] : memref<2x128x144xf32, #tpu.memory_space<vmem>> -> memref<1x128x144xf32, #tpu.memory_space<vmem>>
    %dma_start3A_245 = tpu.memref_squeeze %dma_start3A_244 : memref<1x128x144xf32, #tpu.memory_space<vmem>> -> memref<128x144xf32, #tpu.memory_space<vmem>>
    %dma_start3A_246 = arith.constant 0 : i32
    %dma_start3A_247 = arith.constant 0 : i32
    %dma_start3A_248 = tpu.memref_slice %arg4[%add3A_134, %dma_start3A_246, %dma_start3A_247] : memref<4x10128x144xf32, #tpu.memory_space<hbm>> -> memref<1x10128x144xf32, #tpu.memory_space<hbm>>
    %dma_start3A_249 = tpu.memref_squeeze %dma_start3A_248 : memref<1x10128x144xf32, #tpu.memory_space<hbm>> -> memref<10128x144xf32, #tpu.memory_space<hbm>>
    %dma_start3A_250 = arith.constant 0 : i32
    %dma_start3A_251 = arith.constant 0 : i32
    %dma_start3A_252 = tpu.memref_slice %dma_start3A_249[%dma_start3A_250, %dma_start3A_251] : memref<10128x144xf32, #tpu.memory_space<hbm>> -> memref<10128x144xf32, #tpu.memory_space<hbm>>
    %dma_start3A_253 = tpu.memref_slice %arg17[%dma_start3A_241] : memref<2x!tpu.dma_semaphore, #tpu.memory_space<semaphore_mem>> -> memref<1x!tpu.dma_semaphore, #tpu.memory_space<semaphore_mem>>
    %dma_start3A_254 = tpu.memref_squeeze %dma_start3A_253 : memref<1x!tpu.dma_semaphore, #tpu.memory_space<semaphore_mem>> -> memref<!tpu.dma_semaphore, #tpu.memory_space<semaphore_mem>>
    tpu.enqueue_indirect_dma source(%dma_start3A_252 : memref<10128x144xf32, #tpu.memory_space<hbm>>) target(%dma_start3A_245 : memref<128x144xf32, #tpu.memory_space<vmem>>) offsets(%arg8 : memref<128xi32, #tpu.memory_space<vmem>>) semaphore(%dma_start3A_254 : memref<!tpu.dma_semaphore, #tpu.memory_space<semaphore_mem>>)
    %scan3A_255 = arith.constant 0 : i32
    %scan3A_256 = arith.constant 0 : i32
    %scan3A_257 = arith.constant 20 : i32
    %scan3A_258 = arith.addi %scan3A_256, %scan3A_257 : i32
    %scan3A_259 = arith.constant 1 : i32
    scf.for %scan3A_271 = %scan3A_256 to %scan3A_258 step %scan3A_259  : i32 {
      %mul3A_272 = arith.constant 4 : i32
      %mul3A_273 = arith.muli %scan3A_271, %mul3A_272 : i32
      %add3A_274 = arith.constant 0 : i32
      %add3A_275 = arith.addi %mul3A_273, %add3A_274 : i32
      %dma_wait3A_276 = arith.constant 0 : i32
      %dma_wait3A_277 = arith.constant 0 : i32
      %dma_wait3A_278 = arith.constant 0 : i32
      %dma_wait3A_279 = arith.constant 0 : i32
      %dma_wait3A_280 = arith.constant 0 : i32
      %dma_wait3A_281 = tpu.memref_slice %arg15[%dma_wait3A_277, %dma_wait3A_279, %dma_wait3A_280] : memref<2x128x144xf32, #tpu.memory_space<vmem>> -> memref<1x128x144xf32, #tpu.memory_space<vmem>>
      %dma_wait3A_282 = tpu.memref_squeeze %dma_wait3A_281 : memref<1x128x144xf32, #tpu.memory_space<vmem>> -> memref<128x144xf32, #tpu.memory_space<vmem>>
      %dma_wait3A_283 = arith.constant 0 : i32
      %dma_wait3A_284 = arith.constant 0 : i32
      %dma_wait3A_285 = tpu.memref_slice %arg4[%dma_wait3A_276, %dma_wait3A_283, %dma_wait3A_284] : memref<4x10128x144xf32, #tpu.memory_space<hbm>> -> memref<1x10128x144xf32, #tpu.memory_space<hbm>>
      %dma_wait3A_286 = tpu.memref_squeeze %dma_wait3A_285 : memref<1x10128x144xf32, #tpu.memory_space<hbm>> -> memref<10128x144xf32, #tpu.memory_space<hbm>>
      %dma_wait3A_287 = arith.constant 0 : i32
      %dma_wait3A_288 = arith.constant 0 : i32
      %dma_wait3A_289 = tpu.memref_slice %dma_wait3A_286[%dma_wait3A_287, %dma_wait3A_288] : memref<10128x144xf32, #tpu.memory_space<hbm>> -> memref<128x144xf32, #tpu.memory_space<hbm>>
      %dma_wait3A_290 = tpu.memref_slice %arg17[%dma_wait3A_278] : memref<2x!tpu.dma_semaphore, #tpu.memory_space<semaphore_mem>> -> memref<1x!tpu.dma_semaphore, #tpu.memory_space<semaphore_mem>>
      %dma_wait3A_291 = tpu.memref_squeeze %dma_wait3A_290 : memref<1x!tpu.dma_semaphore, #tpu.memory_space<semaphore_mem>> -> memref<!tpu.dma_semaphore, #tpu.memory_space<semaphore_mem>>
      %dma_wait3A_292 = arith.constant 0 : i32
      %dma_wait3A_293 = arith.constant 0 : i32
      %dma_wait3A_294 = tpu.memref_slice %arg15[%dma_wait3A_277, %dma_wait3A_292, %dma_wait3A_293] : memref<2x128x144xf32, #tpu.memory_space<vmem>> -> memref<1x128x144xf32, #tpu.memory_space<vmem>>
      %dma_wait3A_295 = tpu.memref_squeeze %dma_wait3A_294 : memref<1x128x144xf32, #tpu.memory_space<vmem>> -> memref<128x144xf32, #tpu.memory_space<vmem>>
      %dma_wait3A_296 = arith.constant 0 : i32
      %dma_wait3A_297 = arith.constant 0 : i32
      %dma_wait3A_298 = tpu.memref_slice %arg4[%dma_wait3A_276, %dma_wait3A_296, %dma_wait3A_297] : memref<4x10128x144xf32, #tpu.memory_space<hbm>> -> memref<1x10128x144xf32, #tpu.memory_space<hbm>>
      %dma_wait3A_299 = tpu.memref_squeeze %dma_wait3A_298 : memref<1x10128x144xf32, #tpu.memory_space<hbm>> -> memref<10128x144xf32, #tpu.memory_space<hbm>>
      %dma_wait3A_300 = arith.constant 0 : i32
      %dma_wait3A_301 = arith.constant 0 : i32
      %dma_wait3A_302 = tpu.memref_slice %dma_wait3A_299[%dma_wait3A_300, %dma_wait3A_301] : memref<10128x144xf32, #tpu.memory_space<hbm>> -> memref<128x144xf32, #tpu.memory_space<hbm>>
      tpu.wait_dma2 semaphore(%dma_wait3A_291 : memref<!tpu.dma_semaphore, #tpu.memory_space<semaphore_mem>>) src(%dma_wait3A_302 : memref<128x144xf32, #tpu.memory_space<hbm>>) dst(%dma_wait3A_295 : memref<128x144xf32, #tpu.memory_space<vmem>>)
      %add3A_303 = arith.constant 2 : i32
      %add3A_304 = arith.addi %add3A_275, %add3A_303 : i32
      %lt3A = arith.constant 80 : i32
      %lt3A_305 = arith.cmpi slt, %add3A_304, %lt3A : i32
      %convert_element_type3A_306 = arith.extui %lt3A_305 : i1 to i32
      %cond3A_307 = arith.constant 0 : i32
      %cond3A_308 = arith.cmpi ne, %convert_element_type3A_306, %cond3A_307 : i32
      scf.if %cond3A_308 {
        %add3A_454 = arith.constant 2 : i32
        %add3A_455 = arith.addi %add3A_275, %add3A_454 : i32
        %add3A_456 = arith.addi %mul3A_2, %add3A_455 : i32
        %dma_start3A_457 = arith.constant 2 : i32
        %dma_start3A_458 = arith.constant 0 : i32
        %dma_start3A_459 = tpu.memref_slice %arg2[%add3A_456, %dma_start3A_458] : memref<1280x128xi32, #tpu.memory_space<hbm>> -> memref<1x128xi32, #tpu.memory_space<hbm>>
        %dma_start3A_460 = tpu.memref_squeeze %dma_start3A_459 : memref<1x128xi32, #tpu.memory_space<hbm>> -> memref<128xi32, #tpu.memory_space<hbm>>
        %dma_start3A_461 = tpu.memref_slice %arg18[%dma_start3A_457] : memref<4x!tpu.dma_semaphore, #tpu.memory_space<semaphore_mem>> -> memref<1x!tpu.dma_semaphore, #tpu.memory_space<semaphore_mem>>
        %dma_start3A_462 = tpu.memref_squeeze %dma_start3A_461 : memref<1x!tpu.dma_semaphore, #tpu.memory_space<semaphore_mem>> -> memref<!tpu.dma_semaphore, #tpu.memory_space<semaphore_mem>>
        %dma_start3A_463 = arith.constant 0 : i32
        %dma_start3A_464 = tpu.memref_slice %arg2[%add3A_456, %dma_start3A_463] : memref<1280x128xi32, #tpu.memory_space<hbm>> -> memref<1x128xi32, #tpu.memory_space<hbm>>
        %dma_start3A_465 = tpu.memref_squeeze %dma_start3A_464 : memref<1x128xi32, #tpu.memory_space<hbm>> -> memref<128xi32, #tpu.memory_space<hbm>>
        tpu.enqueue_dma source(%dma_start3A_465 : memref<128xi32, #tpu.memory_space<hbm>>) target(%arg9 : memref<128xi32, #tpu.memory_space<vmem>>) target_semaphore(%dma_start3A_462 : memref<!tpu.dma_semaphore, #tpu.memory_space<semaphore_mem>>)
        %add3A_466 = arith.addi %mul3A_2, %add3A_455 : i32
        %dma_start3A_467 = arith.constant 2 : i32
        %dma_start3A_468 = arith.constant 0 : i32
        %dma_start3A_469 = tpu.memref_slice %arg3[%add3A_466, %dma_start3A_468] : memref<1280x128xi32, #tpu.memory_space<hbm>> -> memref<1x128xi32, #tpu.memory_space<hbm>>
        %dma_start3A_470 = tpu.memref_squeeze %dma_start3A_469 : memref<1x128xi32, #tpu.memory_space<hbm>> -> memref<128xi32, #tpu.memory_space<hbm>>
        %dma_start3A_471 = tpu.memref_slice %arg18[%dma_start3A_467] : memref<4x!tpu.dma_semaphore, #tpu.memory_space<semaphore_mem>> -> memref<1x!tpu.dma_semaphore, #tpu.memory_space<semaphore_mem>>
        %dma_start3A_472 = tpu.memref_squeeze %dma_start3A_471 : memref<1x!tpu.dma_semaphore, #tpu.memory_space<semaphore_mem>> -> memref<!tpu.dma_semaphore, #tpu.memory_space<semaphore_mem>>
        %dma_start3A_473 = arith.constant 0 : i32
        %dma_start3A_474 = tpu.memref_slice %arg3[%add3A_466, %dma_start3A_473] : memref<1280x128xi32, #tpu.memory_space<hbm>> -> memref<1x128xi32, #tpu.memory_space<hbm>>
        %dma_start3A_475 = tpu.memref_squeeze %dma_start3A_474 : memref<1x128xi32, #tpu.memory_space<hbm>> -> memref<128xi32, #tpu.memory_space<hbm>>
        tpu.enqueue_dma source(%dma_start3A_475 : memref<128xi32, #tpu.memory_space<hbm>>) target(%arg13 : memref<128xi32, #tpu.memory_space<vmem>>) target_semaphore(%dma_start3A_472 : memref<!tpu.dma_semaphore, #tpu.memory_space<semaphore_mem>>)
      } else {
      }
      %run_scoped3A = arith.constant 0 : i32
      "tpu.region"() ({
        %run_scoped3A_454 = tpu.sem_alloc : memref<!tpu.dma_semaphore, #tpu.memory_space<semaphore_mem>>
        %dma_start3A_455 = arith.constant 0 : i32
        %dma_start3A_456 = arith.constant 0 : i32
        %dma_start3A_457 = tpu.memref_slice %arg15[%run_scoped3A, %dma_start3A_455, %dma_start3A_456] : memref<2x128x144xf32, #tpu.memory_space<vmem>> -> memref<1x128x144xf32, #tpu.memory_space<vmem>>
        %dma_start3A_458 = tpu.memref_squeeze %dma_start3A_457 : memref<1x128x144xf32, #tpu.memory_space<vmem>> -> memref<128x144xf32, #tpu.memory_space<vmem>>
        %dma_start3A_459 = arith.constant 0 : i32
        %dma_start3A_460 = arith.constant 0 : i32
        %dma_start3A_461 = tpu.memref_slice %arg16[%dma_start3A_459, %dma_start3A_460] : memref<10000x144xf32, #tpu.memory_space<vmem_shared>> -> memref<10000x144xf32, #tpu.memory_space<vmem_shared>>
        tpu.enqueue_indirect_dma source(%dma_start3A_458 : memref<128x144xf32, #tpu.memory_space<vmem>>) target(%dma_start3A_461 : memref<10000x144xf32, #tpu.memory_space<vmem_shared>>) offsets(%arg11 : memref<128xi32, #tpu.memory_space<vmem>>) semaphore(%run_scoped3A_454 : memref<!tpu.dma_semaphore, #tpu.memory_space<semaphore_mem>>) {add = true}
        %dma_wait3A_462 = arith.constant 0 : i32
        %dma_wait3A_463 = arith.constant 0 : i32
        %dma_wait3A_464 = tpu.memref_slice %arg15[%run_scoped3A, %dma_wait3A_462, %dma_wait3A_463] : memref<2x128x144xf32, #tpu.memory_space<vmem>> -> memref<1x128x144xf32, #tpu.memory_space<vmem>>
        %dma_wait3A_465 = tpu.memref_squeeze %dma_wait3A_464 : memref<1x128x144xf32, #tpu.memory_space<vmem>> -> memref<128x144xf32, #tpu.memory_space<vmem>>
        %dma_wait3A_466 = arith.constant 0 : i32
        %dma_wait3A_467 = arith.constant 0 : i32
        %dma_wait3A_468 = tpu.memref_slice %arg16[%dma_wait3A_466, %dma_wait3A_467] : memref<10000x144xf32, #tpu.memory_space<vmem_shared>> -> memref<10000x144xf32, #tpu.memory_space<vmem_shared>>
        tpu.wait_indirect_dma semaphore(%run_scoped3A_454 : memref<!tpu.dma_semaphore, #tpu.memory_space<semaphore_mem>>) src(%dma_wait3A_465 : memref<128x144xf32, #tpu.memory_space<vmem>>) dst(%dma_wait3A_468 : memref<10000x144xf32, #tpu.memory_space<vmem_shared>>)
        tpu.yield
      }) : () -> ()
      %add3A_309 = arith.constant 2 : i32
      %add3A_310 = arith.addi %add3A_275, %add3A_309 : i32
      %lt3A_311 = arith.constant 80 : i32
      %lt3A_312 = arith.cmpi slt, %add3A_310, %lt3A_311 : i32
      %convert_element_type3A_313 = arith.extui %lt3A_312 : i1 to i32
      %cond3A_314 = arith.constant 0 : i32
      %cond3A_315 = arith.cmpi ne, %convert_element_type3A_313, %cond3A_314 : i32
      scf.if %cond3A_315 {
        %dma_wait3A_454 = arith.constant 0 : i32
        %dma_wait3A_455 = arith.constant 2 : i32
        %dma_wait3A_456 = arith.constant 0 : i32
        %dma_wait3A_457 = tpu.memref_slice %arg2[%dma_wait3A_454, %dma_wait3A_456] : memref<1280x128xi32, #tpu.memory_space<hbm>> -> memref<1x128xi32, #tpu.memory_space<hbm>>
        %dma_wait3A_458 = tpu.memref_squeeze %dma_wait3A_457 : memref<1x128xi32, #tpu.memory_space<hbm>> -> memref<128xi32, #tpu.memory_space<hbm>>
        %dma_wait3A_459 = tpu.memref_slice %arg18[%dma_wait3A_455] : memref<4x!tpu.dma_semaphore, #tpu.memory_space<semaphore_mem>> -> memref<1x!tpu.dma_semaphore, #tpu.memory_space<semaphore_mem>>
        %dma_wait3A_460 = tpu.memref_squeeze %dma_wait3A_459 : memref<1x!tpu.dma_semaphore, #tpu.memory_space<semaphore_mem>> -> memref<!tpu.dma_semaphore, #tpu.memory_space<semaphore_mem>>
        %dma_wait3A_461 = arith.constant 0 : i32
        %dma_wait3A_462 = tpu.memref_slice %arg2[%dma_wait3A_454, %dma_wait3A_461] : memref<1280x128xi32, #tpu.memory_space<hbm>> -> memref<1x128xi32, #tpu.memory_space<hbm>>
        %dma_wait3A_463 = tpu.memref_squeeze %dma_wait3A_462 : memref<1x128xi32, #tpu.memory_space<hbm>> -> memref<128xi32, #tpu.memory_space<hbm>>
        tpu.wait_dma2 semaphore(%dma_wait3A_460 : memref<!tpu.dma_semaphore, #tpu.memory_space<semaphore_mem>>) src(%dma_wait3A_463 : memref<128xi32, #tpu.memory_space<hbm>>) dst(%arg9 : memref<128xi32, #tpu.memory_space<vmem>>)
        %dma_wait3A_464 = arith.constant 0 : i32
        %dma_wait3A_465 = arith.constant 2 : i32
        %dma_wait3A_466 = arith.constant 0 : i32
        %dma_wait3A_467 = tpu.memref_slice %arg3[%dma_wait3A_464, %dma_wait3A_466] : memref<1280x128xi32, #tpu.memory_space<hbm>> -> memref<1x128xi32, #tpu.memory_space<hbm>>
        %dma_wait3A_468 = tpu.memref_squeeze %dma_wait3A_467 : memref<1x128xi32, #tpu.memory_space<hbm>> -> memref<128xi32, #tpu.memory_space<hbm>>
        %dma_wait3A_469 = tpu.memref_slice %arg18[%dma_wait3A_465] : memref<4x!tpu.dma_semaphore, #tpu.memory_space<semaphore_mem>> -> memref<1x!tpu.dma_semaphore, #tpu.memory_space<semaphore_mem>>
        %dma_wait3A_470 = tpu.memref_squeeze %dma_wait3A_469 : memref<1x!tpu.dma_semaphore, #tpu.memory_space<semaphore_mem>> -> memref<!tpu.dma_semaphore, #tpu.memory_space<semaphore_mem>>
        %dma_wait3A_471 = arith.constant 0 : i32
        %dma_wait3A_472 = tpu.memref_slice %arg3[%dma_wait3A_464, %dma_wait3A_471] : memref<1280x128xi32, #tpu.memory_space<hbm>> -> memref<1x128xi32, #tpu.memory_space<hbm>>
        %dma_wait3A_473 = tpu.memref_squeeze %dma_wait3A_472 : memref<1x128xi32, #tpu.memory_space<hbm>> -> memref<128xi32, #tpu.memory_space<hbm>>
        tpu.wait_dma2 semaphore(%dma_wait3A_470 : memref<!tpu.dma_semaphore, #tpu.memory_space<semaphore_mem>>) src(%dma_wait3A_473 : memref<128xi32, #tpu.memory_space<hbm>>) dst(%arg13 : memref<128xi32, #tpu.memory_space<vmem>>)
        %dma_start3A_474 = arith.constant 0 : i32
        %dma_start3A_475 = arith.constant 0 : i32
        %dma_start3A_476 = arith.constant 0 : i32
        %dma_start3A_477 = arith.constant 0 : i32
        %dma_start3A_478 = tpu.memref_slice %arg15[%dma_start3A_474, %dma_start3A_476, %dma_start3A_477] : memref<2x128x144xf32, #tpu.memory_space<vmem>> -> memref<1x128x144xf32, #tpu.memory_space<vmem>>
        %dma_start3A_479 = tpu.memref_squeeze %dma_start3A_478 : memref<1x128x144xf32, #tpu.memory_space<vmem>> -> memref<128x144xf32, #tpu.memory_space<vmem>>
        %dma_start3A_480 = arith.constant 0 : i32
        %dma_start3A_481 = arith.constant 0 : i32
        %dma_start3A_482 = tpu.memref_slice %arg4[%add3A_134, %dma_start3A_480, %dma_start3A_481] : memref<4x10128x144xf32, #tpu.memory_space<hbm>> -> memref<1x10128x144xf32, #tpu.memory_space<hbm>>
        %dma_start3A_483 = tpu.memref_squeeze %dma_start3A_482 : memref<1x10128x144xf32, #tpu.memory_space<hbm>> -> memref<10128x144xf32, #tpu.memory_space<hbm>>
        %dma_start3A_484 = arith.constant 0 : i32
        %dma_start3A_485 = arith.constant 0 : i32
        %dma_start3A_486 = tpu.memref_slice %dma_start3A_483[%dma_start3A_484, %dma_start3A_485] : memref<10128x144xf32, #tpu.memory_space<hbm>> -> memref<10128x144xf32, #tpu.memory_space<hbm>>
        %dma_start3A_487 = tpu.memref_slice %arg17[%dma_start3A_475] : memref<2x!tpu.dma_semaphore, #tpu.memory_space<semaphore_mem>> -> memref<1x!tpu.dma_semaphore, #tpu.memory_space<semaphore_mem>>
        %dma_start3A_488 = tpu.memref_squeeze %dma_start3A_487 : memref<1x!tpu.dma_semaphore, #tpu.memory_space<semaphore_mem>> -> memref<!tpu.dma_semaphore, #tpu.memory_space<semaphore_mem>>
        tpu.enqueue_indirect_dma source(%dma_start3A_486 : memref<10128x144xf32, #tpu.memory_space<hbm>>) target(%dma_start3A_479 : memref<128x144xf32, #tpu.memory_space<vmem>>) offsets(%arg9 : memref<128xi32, #tpu.memory_space<vmem>>) semaphore(%dma_start3A_488 : memref<!tpu.dma_semaphore, #tpu.memory_space<semaphore_mem>>)
      } else {
      }
      %mul3A_316 = arith.constant 4 : i32
      %mul3A_317 = arith.muli %scan3A_271, %mul3A_316 : i32
      %add3A_318 = arith.constant 1 : i32
      %add3A_319 = arith.addi %mul3A_317, %add3A_318 : i32
      %dma_wait3A_320 = arith.constant 0 : i32
      %dma_wait3A_321 = arith.constant 1 : i32
      %dma_wait3A_322 = arith.constant 1 : i32
      %dma_wait3A_323 = arith.constant 0 : i32
      %dma_wait3A_324 = arith.constant 0 : i32
      %dma_wait3A_325 = tpu.memref_slice %arg15[%dma_wait3A_321, %dma_wait3A_323, %dma_wait3A_324] : memref<2x128x144xf32, #tpu.memory_space<vmem>> -> memref<1x128x144xf32, #tpu.memory_space<vmem>>
      %dma_wait3A_326 = tpu.memref_squeeze %dma_wait3A_325 : memref<1x128x144xf32, #tpu.memory_space<vmem>> -> memref<128x144xf32, #tpu.memory_space<vmem>>
      %dma_wait3A_327 = arith.constant 0 : i32
      %dma_wait3A_328 = arith.constant 0 : i32
      %dma_wait3A_329 = tpu.memref_slice %arg4[%dma_wait3A_320, %dma_wait3A_327, %dma_wait3A_328] : memref<4x10128x144xf32, #tpu.memory_space<hbm>> -> memref<1x10128x144xf32, #tpu.memory_space<hbm>>
      %dma_wait3A_330 = tpu.memref_squeeze %dma_wait3A_329 : memref<1x10128x144xf32, #tpu.memory_space<hbm>> -> memref<10128x144xf32, #tpu.memory_space<hbm>>
      %dma_wait3A_331 = arith.constant 0 : i32
      %dma_wait3A_332 = arith.constant 0 : i32
      %dma_wait3A_333 = tpu.memref_slice %dma_wait3A_330[%dma_wait3A_331, %dma_wait3A_332] : memref<10128x144xf32, #tpu.memory_space<hbm>> -> memref<128x144xf32, #tpu.memory_space<hbm>>
      %dma_wait3A_334 = tpu.memref_slice %arg17[%dma_wait3A_322] : memref<2x!tpu.dma_semaphore, #tpu.memory_space<semaphore_mem>> -> memref<1x!tpu.dma_semaphore, #tpu.memory_space<semaphore_mem>>
      %dma_wait3A_335 = tpu.memref_squeeze %dma_wait3A_334 : memref<1x!tpu.dma_semaphore, #tpu.memory_space<semaphore_mem>> -> memref<!tpu.dma_semaphore, #tpu.memory_space<semaphore_mem>>
      %dma_wait3A_336 = arith.constant 0 : i32
      %dma_wait3A_337 = arith.constant 0 : i32
      %dma_wait3A_338 = tpu.memref_slice %arg15[%dma_wait3A_321, %dma_wait3A_336, %dma_wait3A_337] : memref<2x128x144xf32, #tpu.memory_space<vmem>> -> memref<1x128x144xf32, #tpu.memory_space<vmem>>
      %dma_wait3A_339 = tpu.memref_squeeze %dma_wait3A_338 : memref<1x128x144xf32, #tpu.memory_space<vmem>> -> memref<128x144xf32, #tpu.memory_space<vmem>>
      %dma_wait3A_340 = arith.constant 0 : i32
      %dma_wait3A_341 = arith.constant 0 : i32
      %dma_wait3A_342 = tpu.memref_slice %arg4[%dma_wait3A_320, %dma_wait3A_340, %dma_wait3A_341] : memref<4x10128x144xf32, #tpu.memory_space<hbm>> -> memref<1x10128x144xf32, #tpu.memory_space<hbm>>
      %dma_wait3A_343 = tpu.memref_squeeze %dma_wait3A_342 : memref<1x10128x144xf32, #tpu.memory_space<hbm>> -> memref<10128x144xf32, #tpu.memory_space<hbm>>
      %dma_wait3A_344 = arith.constant 0 : i32
      %dma_wait3A_345 = arith.constant 0 : i32
      %dma_wait3A_346 = tpu.memref_slice %dma_wait3A_343[%dma_wait3A_344, %dma_wait3A_345] : memref<10128x144xf32, #tpu.memory_space<hbm>> -> memref<128x144xf32, #tpu.memory_space<hbm>>
      tpu.wait_dma2 semaphore(%dma_wait3A_335 : memref<!tpu.dma_semaphore, #tpu.memory_space<semaphore_mem>>) src(%dma_wait3A_346 : memref<128x144xf32, #tpu.memory_space<hbm>>) dst(%dma_wait3A_339 : memref<128x144xf32, #tpu.memory_space<vmem>>)
      %add3A_347 = arith.constant 2 : i32
      %add3A_348 = arith.addi %add3A_319, %add3A_347 : i32
      %lt3A_349 = arith.constant 80 : i32
      %lt3A_350 = arith.cmpi slt, %add3A_348, %lt3A_349 : i32
      %convert_element_type3A_351 = arith.extui %lt3A_350 : i1 to i32
      %cond3A_352 = arith.constant 0 : i32
      %cond3A_353 = arith.cmpi ne, %convert_element_type3A_351, %cond3A_352 : i32
      scf.if %cond3A_353 {
        %add3A_454 = arith.constant 2 : i32
        %add3A_455 = arith.addi %add3A_319, %add3A_454 : i32
        %add3A_456 = arith.addi %mul3A_2, %add3A_455 : i32
        %dma_start3A_457 = arith.constant 3 : i32
        %dma_start3A_458 = arith.constant 0 : i32
        %dma_start3A_459 = tpu.memref_slice %arg2[%add3A_456, %dma_start3A_458] : memref<1280x128xi32, #tpu.memory_space<hbm>> -> memref<1x128xi32, #tpu.memory_space<hbm>>
        %dma_start3A_460 = tpu.memref_squeeze %dma_start3A_459 : memref<1x128xi32, #tpu.memory_space<hbm>> -> memref<128xi32, #tpu.memory_space<hbm>>
        %dma_start3A_461 = tpu.memref_slice %arg18[%dma_start3A_457] : memref<4x!tpu.dma_semaphore, #tpu.memory_space<semaphore_mem>> -> memref<1x!tpu.dma_semaphore, #tpu.memory_space<semaphore_mem>>
        %dma_start3A_462 = tpu.memref_squeeze %dma_start3A_461 : memref<1x!tpu.dma_semaphore, #tpu.memory_space<semaphore_mem>> -> memref<!tpu.dma_semaphore, #tpu.memory_space<semaphore_mem>>
        %dma_start3A_463 = arith.constant 0 : i32
        %dma_start3A_464 = tpu.memref_slice %arg2[%add3A_456, %dma_start3A_463] : memref<1280x128xi32, #tpu.memory_space<hbm>> -> memref<1x128xi32, #tpu.memory_space<hbm>>
        %dma_start3A_465 = tpu.memref_squeeze %dma_start3A_464 : memref<1x128xi32, #tpu.memory_space<hbm>> -> memref<128xi32, #tpu.memory_space<hbm>>
        tpu.enqueue_dma source(%dma_start3A_465 : memref<128xi32, #tpu.memory_space<hbm>>) target(%arg10 : memref<128xi32, #tpu.memory_space<vmem>>) target_semaphore(%dma_start3A_462 : memref<!tpu.dma_semaphore, #tpu.memory_space<semaphore_mem>>)
        %add3A_466 = arith.addi %mul3A_2, %add3A_455 : i32
        %dma_start3A_467 = arith.constant 3 : i32
        %dma_start3A_468 = arith.constant 0 : i32
        %dma_start3A_469 = tpu.memref_slice %arg3[%add3A_466, %dma_start3A_468] : memref<1280x128xi32, #tpu.memory_space<hbm>> -> memref<1x128xi32, #tpu.memory_space<hbm>>
        %dma_start3A_470 = tpu.memref_squeeze %dma_start3A_469 : memref<1x128xi32, #tpu.memory_space<hbm>> -> memref<128xi32, #tpu.memory_space<hbm>>
        %dma_start3A_471 = tpu.memref_slice %arg18[%dma_start3A_467] : memref<4x!tpu.dma_semaphore, #tpu.memory_space<semaphore_mem>> -> memref<1x!tpu.dma_semaphore, #tpu.memory_space<semaphore_mem>>
        %dma_start3A_472 = tpu.memref_squeeze %dma_start3A_471 : memref<1x!tpu.dma_semaphore, #tpu.memory_space<semaphore_mem>> -> memref<!tpu.dma_semaphore, #tpu.memory_space<semaphore_mem>>
        %dma_start3A_473 = arith.constant 0 : i32
        %dma_start3A_474 = tpu.memref_slice %arg3[%add3A_466, %dma_start3A_473] : memref<1280x128xi32, #tpu.memory_space<hbm>> -> memref<1x128xi32, #tpu.memory_space<hbm>>
        %dma_start3A_475 = tpu.memref_squeeze %dma_start3A_474 : memref<1x128xi32, #tpu.memory_space<hbm>> -> memref<128xi32, #tpu.memory_space<hbm>>
        tpu.enqueue_dma source(%dma_start3A_475 : memref<128xi32, #tpu.memory_space<hbm>>) target(%arg14 : memref<128xi32, #tpu.memory_space<vmem>>) target_semaphore(%dma_start3A_472 : memref<!tpu.dma_semaphore, #tpu.memory_space<semaphore_mem>>)
      } else {
      }
      %run_scoped3A_354 = arith.constant 1 : i32
      "tpu.region"() ({
        %run_scoped3A_454 = tpu.sem_alloc : memref<!tpu.dma_semaphore, #tpu.memory_space<semaphore_mem>>
        %dma_start3A_455 = arith.constant 0 : i32
        %dma_start3A_456 = arith.constant 0 : i32
        %dma_start3A_457 = tpu.memref_slice %arg15[%run_scoped3A_354, %dma_start3A_455, %dma_start3A_456] : memref<2x128x144xf32, #tpu.memory_space<vmem>> -> memref<1x128x144xf32, #tpu.memory_space<vmem>>
        %dma_start3A_458 = tpu.memref_squeeze %dma_start3A_457 : memref<1x128x144xf32, #tpu.memory_space<vmem>> -> memref<128x144xf32, #tpu.memory_space<vmem>>
        %dma_start3A_459 = arith.constant 0 : i32
        %dma_start3A_460 = arith.constant 0 : i32
        %dma_start3A_461 = tpu.memref_slice %arg16[%dma_start3A_459, %dma_start3A_460] : memref<10000x144xf32, #tpu.memory_space<vmem_shared>> -> memref<10000x144xf32, #tpu.memory_space<vmem_shared>>
        tpu.enqueue_indirect_dma source(%dma_start3A_458 : memref<128x144xf32, #tpu.memory_space<vmem>>) target(%dma_start3A_461 : memref<10000x144xf32, #tpu.memory_space<vmem_shared>>) offsets(%arg12 : memref<128xi32, #tpu.memory_space<vmem>>) semaphore(%run_scoped3A_454 : memref<!tpu.dma_semaphore, #tpu.memory_space<semaphore_mem>>) {add = true}
        %dma_wait3A_462 = arith.constant 0 : i32
        %dma_wait3A_463 = arith.constant 0 : i32
        %dma_wait3A_464 = tpu.memref_slice %arg15[%run_scoped3A_354, %dma_wait3A_462, %dma_wait3A_463] : memref<2x128x144xf32, #tpu.memory_space<vmem>> -> memref<1x128x144xf32, #tpu.memory_space<vmem>>
        %dma_wait3A_465 = tpu.memref_squeeze %dma_wait3A_464 : memref<1x128x144xf32, #tpu.memory_space<vmem>> -> memref<128x144xf32, #tpu.memory_space<vmem>>
        %dma_wait3A_466 = arith.constant 0 : i32
        %dma_wait3A_467 = arith.constant 0 : i32
        %dma_wait3A_468 = tpu.memref_slice %arg16[%dma_wait3A_466, %dma_wait3A_467] : memref<10000x144xf32, #tpu.memory_space<vmem_shared>> -> memref<10000x144xf32, #tpu.memory_space<vmem_shared>>
        tpu.wait_indirect_dma semaphore(%run_scoped3A_454 : memref<!tpu.dma_semaphore, #tpu.memory_space<semaphore_mem>>) src(%dma_wait3A_465 : memref<128x144xf32, #tpu.memory_space<vmem>>) dst(%dma_wait3A_468 : memref<10000x144xf32, #tpu.memory_space<vmem_shared>>)
        tpu.yield
      }) : () -> ()
      %add3A_355 = arith.constant 2 : i32
      %add3A_356 = arith.addi %add3A_319, %add3A_355 : i32
      %lt3A_357 = arith.constant 80 : i32
      %lt3A_358 = arith.cmpi slt, %add3A_356, %lt3A_357 : i32
      %convert_element_type3A_359 = arith.extui %lt3A_358 : i1 to i32
      %cond3A_360 = arith.constant 0 : i32
      %cond3A_361 = arith.cmpi ne, %convert_element_type3A_359, %cond3A_360 : i32
      scf.if %cond3A_361 {
        %dma_wait3A_454 = arith.constant 0 : i32
        %dma_wait3A_455 = arith.constant 3 : i32
        %dma_wait3A_456 = arith.constant 0 : i32
        %dma_wait3A_457 = tpu.memref_slice %arg2[%dma_wait3A_454, %dma_wait3A_456] : memref<1280x128xi32, #tpu.memory_space<hbm>> -> memref<1x128xi32, #tpu.memory_space<hbm>>
        %dma_wait3A_458 = tpu.memref_squeeze %dma_wait3A_457 : memref<1x128xi32, #tpu.memory_space<hbm>> -> memref<128xi32, #tpu.memory_space<hbm>>
        %dma_wait3A_459 = tpu.memref_slice %arg18[%dma_wait3A_455] : memref<4x!tpu.dma_semaphore, #tpu.memory_space<semaphore_mem>> -> memref<1x!tpu.dma_semaphore, #tpu.memory_space<semaphore_mem>>
        %dma_wait3A_460 = tpu.memref_squeeze %dma_wait3A_459 : memref<1x!tpu.dma_semaphore, #tpu.memory_space<semaphore_mem>> -> memref<!tpu.dma_semaphore, #tpu.memory_space<semaphore_mem>>
        %dma_wait3A_461 = arith.constant 0 : i32
        %dma_wait3A_462 = tpu.memref_slice %arg2[%dma_wait3A_454, %dma_wait3A_461] : memref<1280x128xi32, #tpu.memory_space<hbm>> -> memref<1x128xi32, #tpu.memory_space<hbm>>
        %dma_wait3A_463 = tpu.memref_squeeze %dma_wait3A_462 : memref<1x128xi32, #tpu.memory_space<hbm>> -> memref<128xi32, #tpu.memory_space<hbm>>
        tpu.wait_dma2 semaphore(%dma_wait3A_460 : memref<!tpu.dma_semaphore, #tpu.memory_space<semaphore_mem>>) src(%dma_wait3A_463 : memref<128xi32, #tpu.memory_space<hbm>>) dst(%arg10 : memref<128xi32, #tpu.memory_space<vmem>>)
        %dma_wait3A_464 = arith.constant 0 : i32
        %dma_wait3A_465 = arith.constant 3 : i32
        %dma_wait3A_466 = arith.constant 0 : i32
        %dma_wait3A_467 = tpu.memref_slice %arg3[%dma_wait3A_464, %dma_wait3A_466] : memref<1280x128xi32, #tpu.memory_space<hbm>> -> memref<1x128xi32, #tpu.memory_space<hbm>>
        %dma_wait3A_468 = tpu.memref_squeeze %dma_wait3A_467 : memref<1x128xi32, #tpu.memory_space<hbm>> -> memref<128xi32, #tpu.memory_space<hbm>>
        %dma_wait3A_469 = tpu.memref_slice %arg18[%dma_wait3A_465] : memref<4x!tpu.dma_semaphore, #tpu.memory_space<semaphore_mem>> -> memref<1x!tpu.dma_semaphore, #tpu.memory_space<semaphore_mem>>
        %dma_wait3A_470 = tpu.memref_squeeze %dma_wait3A_469 : memref<1x!tpu.dma_semaphore, #tpu.memory_space<semaphore_mem>> -> memref<!tpu.dma_semaphore, #tpu.memory_space<semaphore_mem>>
        %dma_wait3A_471 = arith.constant 0 : i32
        %dma_wait3A_472 = tpu.memref_slice %arg3[%dma_wait3A_464, %dma_wait3A_471] : memref<1280x128xi32, #tpu.memory_space<hbm>> -> memref<1x128xi32, #tpu.memory_space<hbm>>
        %dma_wait3A_473 = tpu.memref_squeeze %dma_wait3A_472 : memref<1x128xi32, #tpu.memory_space<hbm>> -> memref<128xi32, #tpu.memory_space<hbm>>
        tpu.wait_dma2 semaphore(%dma_wait3A_470 : memref<!tpu.dma_semaphore, #tpu.memory_space<semaphore_mem>>) src(%dma_wait3A_473 : memref<128xi32, #tpu.memory_space<hbm>>) dst(%arg14 : memref<128xi32, #tpu.memory_space<vmem>>)
        %dma_start3A_474 = arith.constant 1 : i32
        %dma_start3A_475 = arith.constant 1 : i32
        %dma_start3A_476 = arith.constant 0 : i32
        %dma_start3A_477 = arith.constant 0 : i32
        %dma_start3A_478 = tpu.memref_slice %arg15[%dma_start3A_474, %dma_start3A_476, %dma_start3A_477] : memref<2x128x144xf32, #tpu.memory_space<vmem>> -> memref<1x128x144xf32, #tpu.memory_space<vmem>>
        %dma_start3A_479 = tpu.memref_squeeze %dma_start3A_478 : memref<1x128x144xf32, #tpu.memory_space<vmem>> -> memref<128x144xf32, #tpu.memory_space<vmem>>
        %dma_start3A_480 = arith.constant 0 : i32
        %dma_start3A_481 = arith.constant 0 : i32
        %dma_start3A_482 = tpu.memref_slice %arg4[%add3A_134, %dma_start3A_480, %dma_start3A_481] : memref<4x10128x144xf32, #tpu.memory_space<hbm>> -> memref<1x10128x144xf32, #tpu.memory_space<hbm>>
        %dma_start3A_483 = tpu.memref_squeeze %dma_start3A_482 : memref<1x10128x144xf32, #tpu.memory_space<hbm>> -> memref<10128x144xf32, #tpu.memory_space<hbm>>
        %dma_start3A_484 = arith.constant 0 : i32
        %dma_start3A_485 = arith.constant 0 : i32
        %dma_start3A_486 = tpu.memref_slice %dma_start3A_483[%dma_start3A_484, %dma_start3A_485] : memref<10128x144xf32, #tpu.memory_space<hbm>> -> memref<10128x144xf32, #tpu.memory_space<hbm>>
        %dma_start3A_487 = tpu.memref_slice %arg17[%dma_start3A_475] : memref<2x!tpu.dma_semaphore, #tpu.memory_space<semaphore_mem>> -> memref<1x!tpu.dma_semaphore, #tpu.memory_space<semaphore_mem>>
        %dma_start3A_488 = tpu.memref_squeeze %dma_start3A_487 : memref<1x!tpu.dma_semaphore, #tpu.memory_space<semaphore_mem>> -> memref<!tpu.dma_semaphore, #tpu.memory_space<semaphore_mem>>
        tpu.enqueue_indirect_dma source(%dma_start3A_486 : memref<10128x144xf32, #tpu.memory_space<hbm>>) target(%dma_start3A_479 : memref<128x144xf32, #tpu.memory_space<vmem>>) offsets(%arg10 : memref<128xi32, #tpu.memory_space<vmem>>) semaphore(%dma_start3A_488 : memref<!tpu.dma_semaphore, #tpu.memory_space<semaphore_mem>>)
      } else {
      }
      %mul3A_362 = arith.constant 4 : i32
      %mul3A_363 = arith.muli %scan3A_271, %mul3A_362 : i32
      %add3A_364 = arith.constant 2 : i32
      %add3A_365 = arith.addi %mul3A_363, %add3A_364 : i32
      %dma_wait3A_366 = arith.constant 0 : i32
      %dma_wait3A_367 = arith.constant 0 : i32
      %dma_wait3A_368 = arith.constant 0 : i32
      %dma_wait3A_369 = arith.constant 0 : i32
      %dma_wait3A_370 = arith.constant 0 : i32
      %dma_wait3A_371 = tpu.memref_slice %arg15[%dma_wait3A_367, %dma_wait3A_369, %dma_wait3A_370] : memref<2x128x144xf32, #tpu.memory_space<vmem>> -> memref<1x128x144xf32, #tpu.memory_space<vmem>>
      %dma_wait3A_372 = tpu.memref_squeeze %dma_wait3A_371 : memref<1x128x144xf32, #tpu.memory_space<vmem>> -> memref<128x144xf32, #tpu.memory_space<vmem>>
      %dma_wait3A_373 = arith.constant 0 : i32
      %dma_wait3A_374 = arith.constant 0 : i32
      %dma_wait3A_375 = tpu.memref_slice %arg4[%dma_wait3A_366, %dma_wait3A_373, %dma_wait3A_374] : memref<4x10128x144xf32, #tpu.memory_space<hbm>> -> memref<1x10128x144xf32, #tpu.memory_space<hbm>>
      %dma_wait3A_376 = tpu.memref_squeeze %dma_wait3A_375 : memref<1x10128x144xf32, #tpu.memory_space<hbm>> -> memref<10128x144xf32, #tpu.memory_space<hbm>>
      %dma_wait3A_377 = arith.constant 0 : i32
      %dma_wait3A_378 = arith.constant 0 : i32
      %dma_wait3A_379 = tpu.memref_slice %dma_wait3A_376[%dma_wait3A_377, %dma_wait3A_378] : memref<10128x144xf32, #tpu.memory_space<hbm>> -> memref<128x144xf32, #tpu.memory_space<hbm>>
      %dma_wait3A_380 = tpu.memref_slice %arg17[%dma_wait3A_368] : memref<2x!tpu.dma_semaphore, #tpu.memory_space<semaphore_mem>> -> memref<1x!tpu.dma_semaphore, #tpu.memory_space<semaphore_mem>>
      %dma_wait3A_381 = tpu.memref_squeeze %dma_wait3A_380 : memref<1x!tpu.dma_semaphore, #tpu.memory_space<semaphore_mem>> -> memref<!tpu.dma_semaphore, #tpu.memory_space<semaphore_mem>>
      %dma_wait3A_382 = arith.constant 0 : i32
      %dma_wait3A_383 = arith.constant 0 : i32
      %dma_wait3A_384 = tpu.memref_slice %arg15[%dma_wait3A_367, %dma_wait3A_382, %dma_wait3A_383] : memref<2x128x144xf32, #tpu.memory_space<vmem>> -> memref<1x128x144xf32, #tpu.memory_space<vmem>>
      %dma_wait3A_385 = tpu.memref_squeeze %dma_wait3A_384 : memref<1x128x144xf32, #tpu.memory_space<vmem>> -> memref<128x144xf32, #tpu.memory_space<vmem>>
      %dma_wait3A_386 = arith.constant 0 : i32
      %dma_wait3A_387 = arith.constant 0 : i32
      %dma_wait3A_388 = tpu.memref_slice %arg4[%dma_wait3A_366, %dma_wait3A_386, %dma_wait3A_387] : memref<4x10128x144xf32, #tpu.memory_space<hbm>> -> memref<1x10128x144xf32, #tpu.memory_space<hbm>>
      %dma_wait3A_389 = tpu.memref_squeeze %dma_wait3A_388 : memref<1x10128x144xf32, #tpu.memory_space<hbm>> -> memref<10128x144xf32, #tpu.memory_space<hbm>>
      %dma_wait3A_390 = arith.constant 0 : i32
      %dma_wait3A_391 = arith.constant 0 : i32
      %dma_wait3A_392 = tpu.memref_slice %dma_wait3A_389[%dma_wait3A_390, %dma_wait3A_391] : memref<10128x144xf32, #tpu.memory_space<hbm>> -> memref<128x144xf32, #tpu.memory_space<hbm>>
      tpu.wait_dma2 semaphore(%dma_wait3A_381 : memref<!tpu.dma_semaphore, #tpu.memory_space<semaphore_mem>>) src(%dma_wait3A_392 : memref<128x144xf32, #tpu.memory_space<hbm>>) dst(%dma_wait3A_385 : memref<128x144xf32, #tpu.memory_space<vmem>>)
      %add3A_393 = arith.constant 2 : i32
      %add3A_394 = arith.addi %add3A_365, %add3A_393 : i32
      %lt3A_395 = arith.constant 80 : i32
      %lt3A_396 = arith.cmpi slt, %add3A_394, %lt3A_395 : i32
      %convert_element_type3A_397 = arith.extui %lt3A_396 : i1 to i32
      %cond3A_398 = arith.constant 0 : i32
      %cond3A_399 = arith.cmpi ne, %convert_element_type3A_397, %cond3A_398 : i32
      scf.if %cond3A_399 {
        %add3A_454 = arith.constant 2 : i32
        %add3A_455 = arith.addi %add3A_365, %add3A_454 : i32
        %add3A_456 = arith.addi %mul3A_2, %add3A_455 : i32
        %dma_start3A_457 = arith.constant 0 : i32
        %dma_start3A_458 = arith.constant 0 : i32
        %dma_start3A_459 = tpu.memref_slice %arg2[%add3A_456, %dma_start3A_458] : memref<1280x128xi32, #tpu.memory_space<hbm>> -> memref<1x128xi32, #tpu.memory_space<hbm>>
        %dma_start3A_460 = tpu.memref_squeeze %dma_start3A_459 : memref<1x128xi32, #tpu.memory_space<hbm>> -> memref<128xi32, #tpu.memory_space<hbm>>
        %dma_start3A_461 = tpu.memref_slice %arg18[%dma_start3A_457] : memref<4x!tpu.dma_semaphore, #tpu.memory_space<semaphore_mem>> -> memref<1x!tpu.dma_semaphore, #tpu.memory_space<semaphore_mem>>
        %dma_start3A_462 = tpu.memref_squeeze %dma_start3A_461 : memref<1x!tpu.dma_semaphore, #tpu.memory_space<semaphore_mem>> -> memref<!tpu.dma_semaphore, #tpu.memory_space<semaphore_mem>>
        %dma_start3A_463 = arith.constant 0 : i32
        %dma_start3A_464 = tpu.memref_slice %arg2[%add3A_456, %dma_start3A_463] : memref<1280x128xi32, #tpu.memory_space<hbm>> -> memref<1x128xi32, #tpu.memory_space<hbm>>
        %dma_start3A_465 = tpu.memref_squeeze %dma_start3A_464 : memref<1x128xi32, #tpu.memory_space<hbm>> -> memref<128xi32, #tpu.memory_space<hbm>>
        tpu.enqueue_dma source(%dma_start3A_465 : memref<128xi32, #tpu.memory_space<hbm>>) target(%arg7 : memref<128xi32, #tpu.memory_space<vmem>>) target_semaphore(%dma_start3A_462 : memref<!tpu.dma_semaphore, #tpu.memory_space<semaphore_mem>>)
        %add3A_466 = arith.addi %mul3A_2, %add3A_455 : i32
        %dma_start3A_467 = arith.constant 0 : i32
        %dma_start3A_468 = arith.constant 0 : i32
        %dma_start3A_469 = tpu.memref_slice %arg3[%add3A_466, %dma_start3A_468] : memref<1280x128xi32, #tpu.memory_space<hbm>> -> memref<1x128xi32, #tpu.memory_space<hbm>>
        %dma_start3A_470 = tpu.memref_squeeze %dma_start3A_469 : memref<1x128xi32, #tpu.memory_space<hbm>> -> memref<128xi32, #tpu.memory_space<hbm>>
        %dma_start3A_471 = tpu.memref_slice %arg18[%dma_start3A_467] : memref<4x!tpu.dma_semaphore, #tpu.memory_space<semaphore_mem>> -> memref<1x!tpu.dma_semaphore, #tpu.memory_space<semaphore_mem>>
        %dma_start3A_472 = tpu.memref_squeeze %dma_start3A_471 : memref<1x!tpu.dma_semaphore, #tpu.memory_space<semaphore_mem>> -> memref<!tpu.dma_semaphore, #tpu.memory_space<semaphore_mem>>
        %dma_start3A_473 = arith.constant 0 : i32
        %dma_start3A_474 = tpu.memref_slice %arg3[%add3A_466, %dma_start3A_473] : memref<1280x128xi32, #tpu.memory_space<hbm>> -> memref<1x128xi32, #tpu.memory_space<hbm>>
        %dma_start3A_475 = tpu.memref_squeeze %dma_start3A_474 : memref<1x128xi32, #tpu.memory_space<hbm>> -> memref<128xi32, #tpu.memory_space<hbm>>
        tpu.enqueue_dma source(%dma_start3A_475 : memref<128xi32, #tpu.memory_space<hbm>>) target(%arg11 : memref<128xi32, #tpu.memory_space<vmem>>) target_semaphore(%dma_start3A_472 : memref<!tpu.dma_semaphore, #tpu.memory_space<semaphore_mem>>)
      } else {
      }
      %run_scoped3A_400 = arith.constant 0 : i32
      "tpu.region"() ({
        %run_scoped3A_454 = tpu.sem_alloc : memref<!tpu.dma_semaphore, #tpu.memory_space<semaphore_mem>>
        %dma_start3A_455 = arith.constant 0 : i32
        %dma_start3A_456 = arith.constant 0 : i32
        %dma_start3A_457 = tpu.memref_slice %arg15[%run_scoped3A_400, %dma_start3A_455, %dma_start3A_456] : memref<2x128x144xf32, #tpu.memory_space<vmem>> -> memref<1x128x144xf32, #tpu.memory_space<vmem>>
        %dma_start3A_458 = tpu.memref_squeeze %dma_start3A_457 : memref<1x128x144xf32, #tpu.memory_space<vmem>> -> memref<128x144xf32, #tpu.memory_space<vmem>>
        %dma_start3A_459 = arith.constant 0 : i32
        %dma_start3A_460 = arith.constant 0 : i32
        %dma_start3A_461 = tpu.memref_slice %arg16[%dma_start3A_459, %dma_start3A_460] : memref<10000x144xf32, #tpu.memory_space<vmem_shared>> -> memref<10000x144xf32, #tpu.memory_space<vmem_shared>>
        tpu.enqueue_indirect_dma source(%dma_start3A_458 : memref<128x144xf32, #tpu.memory_space<vmem>>) target(%dma_start3A_461 : memref<10000x144xf32, #tpu.memory_space<vmem_shared>>) offsets(%arg13 : memref<128xi32, #tpu.memory_space<vmem>>) semaphore(%run_scoped3A_454 : memref<!tpu.dma_semaphore, #tpu.memory_space<semaphore_mem>>) {add = true}
        %dma_wait3A_462 = arith.constant 0 : i32
        %dma_wait3A_463 = arith.constant 0 : i32
        %dma_wait3A_464 = tpu.memref_slice %arg15[%run_scoped3A_400, %dma_wait3A_462, %dma_wait3A_463] : memref<2x128x144xf32, #tpu.memory_space<vmem>> -> memref<1x128x144xf32, #tpu.memory_space<vmem>>
        %dma_wait3A_465 = tpu.memref_squeeze %dma_wait3A_464 : memref<1x128x144xf32, #tpu.memory_space<vmem>> -> memref<128x144xf32, #tpu.memory_space<vmem>>
        %dma_wait3A_466 = arith.constant 0 : i32
        %dma_wait3A_467 = arith.constant 0 : i32
        %dma_wait3A_468 = tpu.memref_slice %arg16[%dma_wait3A_466, %dma_wait3A_467] : memref<10000x144xf32, #tpu.memory_space<vmem_shared>> -> memref<10000x144xf32, #tpu.memory_space<vmem_shared>>
        tpu.wait_indirect_dma semaphore(%run_scoped3A_454 : memref<!tpu.dma_semaphore, #tpu.memory_space<semaphore_mem>>) src(%dma_wait3A_465 : memref<128x144xf32, #tpu.memory_space<vmem>>) dst(%dma_wait3A_468 : memref<10000x144xf32, #tpu.memory_space<vmem_shared>>)
        tpu.yield
      }) : () -> ()
      %add3A_401 = arith.constant 2 : i32
      %add3A_402 = arith.addi %add3A_365, %add3A_401 : i32
      %lt3A_403 = arith.constant 80 : i32
      %lt3A_404 = arith.cmpi slt, %add3A_402, %lt3A_403 : i32
      %convert_element_type3A_405 = arith.extui %lt3A_404 : i1 to i32
      %cond3A_406 = arith.constant 0 : i32
      %cond3A_407 = arith.cmpi ne, %convert_element_type3A_405, %cond3A_406 : i32
      scf.if %cond3A_407 {
        %dma_wait3A_454 = arith.constant 0 : i32
        %dma_wait3A_455 = arith.constant 0 : i32
        %dma_wait3A_456 = arith.constant 0 : i32
        %dma_wait3A_457 = tpu.memref_slice %arg2[%dma_wait3A_454, %dma_wait3A_456] : memref<1280x128xi32, #tpu.memory_space<hbm>> -> memref<1x128xi32, #tpu.memory_space<hbm>>
        %dma_wait3A_458 = tpu.memref_squeeze %dma_wait3A_457 : memref<1x128xi32, #tpu.memory_space<hbm>> -> memref<128xi32, #tpu.memory_space<hbm>>
        %dma_wait3A_459 = tpu.memref_slice %arg18[%dma_wait3A_455] : memref<4x!tpu.dma_semaphore, #tpu.memory_space<semaphore_mem>> -> memref<1x!tpu.dma_semaphore, #tpu.memory_space<semaphore_mem>>
        %dma_wait3A_460 = tpu.memref_squeeze %dma_wait3A_459 : memref<1x!tpu.dma_semaphore, #tpu.memory_space<semaphore_mem>> -> memref<!tpu.dma_semaphore, #tpu.memory_space<semaphore_mem>>
        %dma_wait3A_461 = arith.constant 0 : i32
        %dma_wait3A_462 = tpu.memref_slice %arg2[%dma_wait3A_454, %dma_wait3A_461] : memref<1280x128xi32, #tpu.memory_space<hbm>> -> memref<1x128xi32, #tpu.memory_space<hbm>>
        %dma_wait3A_463 = tpu.memref_squeeze %dma_wait3A_462 : memref<1x128xi32, #tpu.memory_space<hbm>> -> memref<128xi32, #tpu.memory_space<hbm>>
        tpu.wait_dma2 semaphore(%dma_wait3A_460 : memref<!tpu.dma_semaphore, #tpu.memory_space<semaphore_mem>>) src(%dma_wait3A_463 : memref<128xi32, #tpu.memory_space<hbm>>) dst(%arg7 : memref<128xi32, #tpu.memory_space<vmem>>)
        %dma_wait3A_464 = arith.constant 0 : i32
        %dma_wait3A_465 = arith.constant 0 : i32
        %dma_wait3A_466 = arith.constant 0 : i32
        %dma_wait3A_467 = tpu.memref_slice %arg3[%dma_wait3A_464, %dma_wait3A_466] : memref<1280x128xi32, #tpu.memory_space<hbm>> -> memref<1x128xi32, #tpu.memory_space<hbm>>
        %dma_wait3A_468 = tpu.memref_squeeze %dma_wait3A_467 : memref<1x128xi32, #tpu.memory_space<hbm>> -> memref<128xi32, #tpu.memory_space<hbm>>
        %dma_wait3A_469 = tpu.memref_slice %arg18[%dma_wait3A_465] : memref<4x!tpu.dma_semaphore, #tpu.memory_space<semaphore_mem>> -> memref<1x!tpu.dma_semaphore, #tpu.memory_space<semaphore_mem>>
        %dma_wait3A_470 = tpu.memref_squeeze %dma_wait3A_469 : memref<1x!tpu.dma_semaphore, #tpu.memory_space<semaphore_mem>> -> memref<!tpu.dma_semaphore, #tpu.memory_space<semaphore_mem>>
        %dma_wait3A_471 = arith.constant 0 : i32
        %dma_wait3A_472 = tpu.memref_slice %arg3[%dma_wait3A_464, %dma_wait3A_471] : memref<1280x128xi32, #tpu.memory_space<hbm>> -> memref<1x128xi32, #tpu.memory_space<hbm>>
        %dma_wait3A_473 = tpu.memref_squeeze %dma_wait3A_472 : memref<1x128xi32, #tpu.memory_space<hbm>> -> memref<128xi32, #tpu.memory_space<hbm>>
        tpu.wait_dma2 semaphore(%dma_wait3A_470 : memref<!tpu.dma_semaphore, #tpu.memory_space<semaphore_mem>>) src(%dma_wait3A_473 : memref<128xi32, #tpu.memory_space<hbm>>) dst(%arg11 : memref<128xi32, #tpu.memory_space<vmem>>)
        %dma_start3A_474 = arith.constant 0 : i32
        %dma_start3A_475 = arith.constant 0 : i32
        %dma_start3A_476 = arith.constant 0 : i32
        %dma_start3A_477 = arith.constant 0 : i32
        %dma_start3A_478 = tpu.memref_slice %arg15[%dma_start3A_474, %dma_start3A_476, %dma_start3A_477] : memref<2x128x144xf32, #tpu.memory_space<vmem>> -> memref<1x128x144xf32, #tpu.memory_space<vmem>>
        %dma_start3A_479 = tpu.memref_squeeze %dma_start3A_478 : memref<1x128x144xf32, #tpu.memory_space<vmem>> -> memref<128x144xf32, #tpu.memory_space<vmem>>
        %dma_start3A_480 = arith.constant 0 : i32
        %dma_start3A_481 = arith.constant 0 : i32
        %dma_start3A_482 = tpu.memref_slice %arg4[%add3A_134, %dma_start3A_480, %dma_start3A_481] : memref<4x10128x144xf32, #tpu.memory_space<hbm>> -> memref<1x10128x144xf32, #tpu.memory_space<hbm>>
        %dma_start3A_483 = tpu.memref_squeeze %dma_start3A_482 : memref<1x10128x144xf32, #tpu.memory_space<hbm>> -> memref<10128x144xf32, #tpu.memory_space<hbm>>
        %dma_start3A_484 = arith.constant 0 : i32
        %dma_start3A_485 = arith.constant 0 : i32
        %dma_start3A_486 = tpu.memref_slice %dma_start3A_483[%dma_start3A_484, %dma_start3A_485] : memref<10128x144xf32, #tpu.memory_space<hbm>> -> memref<10128x144xf32, #tpu.memory_space<hbm>>
        %dma_start3A_487 = tpu.memref_slice %arg17[%dma_start3A_475] : memref<2x!tpu.dma_semaphore, #tpu.memory_space<semaphore_mem>> -> memref<1x!tpu.dma_semaphore, #tpu.memory_space<semaphore_mem>>
        %dma_start3A_488 = tpu.memref_squeeze %dma_start3A_487 : memref<1x!tpu.dma_semaphore, #tpu.memory_space<semaphore_mem>> -> memref<!tpu.dma_semaphore, #tpu.memory_space<semaphore_mem>>
        tpu.enqueue_indirect_dma source(%dma_start3A_486 : memref<10128x144xf32, #tpu.memory_space<hbm>>) target(%dma_start3A_479 : memref<128x144xf32, #tpu.memory_space<vmem>>) offsets(%arg7 : memref<128xi32, #tpu.memory_space<vmem>>) semaphore(%dma_start3A_488 : memref<!tpu.dma_semaphore, #tpu.memory_space<semaphore_mem>>)
      } else {
      }
      %mul3A_408 = arith.constant 4 : i32
      %mul3A_409 = arith.muli %scan3A_271, %mul3A_408 : i32
      %add3A_410 = arith.constant 3 : i32
      %add3A_411 = arith.addi %mul3A_409, %add3A_410 : i32
      %dma_wait3A_412 = arith.constant 0 : i32
      %dma_wait3A_413 = arith.constant 1 : i32
      %dma_wait3A_414 = arith.constant 1 : i32
      %dma_wait3A_415 = arith.constant 0 : i32
      %dma_wait3A_416 = arith.constant 0 : i32
      %dma_wait3A_417 = tpu.memref_slice %arg15[%dma_wait3A_413, %dma_wait3A_415, %dma_wait3A_416] : memref<2x128x144xf32, #tpu.memory_space<vmem>> -> memref<1x128x144xf32, #tpu.memory_space<vmem>>
      %dma_wait3A_418 = tpu.memref_squeeze %dma_wait3A_417 : memref<1x128x144xf32, #tpu.memory_space<vmem>> -> memref<128x144xf32, #tpu.memory_space<vmem>>
      %dma_wait3A_419 = arith.constant 0 : i32
      %dma_wait3A_420 = arith.constant 0 : i32
      %dma_wait3A_421 = tpu.memref_slice %arg4[%dma_wait3A_412, %dma_wait3A_419, %dma_wait3A_420] : memref<4x10128x144xf32, #tpu.memory_space<hbm>> -> memref<1x10128x144xf32, #tpu.memory_space<hbm>>
      %dma_wait3A_422 = tpu.memref_squeeze %dma_wait3A_421 : memref<1x10128x144xf32, #tpu.memory_space<hbm>> -> memref<10128x144xf32, #tpu.memory_space<hbm>>
      %dma_wait3A_423 = arith.constant 0 : i32
      %dma_wait3A_424 = arith.constant 0 : i32
      %dma_wait3A_425 = tpu.memref_slice %dma_wait3A_422[%dma_wait3A_423, %dma_wait3A_424] : memref<10128x144xf32, #tpu.memory_space<hbm>> -> memref<128x144xf32, #tpu.memory_space<hbm>>
      %dma_wait3A_426 = tpu.memref_slice %arg17[%dma_wait3A_414] : memref<2x!tpu.dma_semaphore, #tpu.memory_space<semaphore_mem>> -> memref<1x!tpu.dma_semaphore, #tpu.memory_space<semaphore_mem>>
      %dma_wait3A_427 = tpu.memref_squeeze %dma_wait3A_426 : memref<1x!tpu.dma_semaphore, #tpu.memory_space<semaphore_mem>> -> memref<!tpu.dma_semaphore, #tpu.memory_space<semaphore_mem>>
      %dma_wait3A_428 = arith.constant 0 : i32
      %dma_wait3A_429 = arith.constant 0 : i32
      %dma_wait3A_430 = tpu.memref_slice %arg15[%dma_wait3A_413, %dma_wait3A_428, %dma_wait3A_429] : memref<2x128x144xf32, #tpu.memory_space<vmem>> -> memref<1x128x144xf32, #tpu.memory_space<vmem>>
      %dma_wait3A_431 = tpu.memref_squeeze %dma_wait3A_430 : memref<1x128x144xf32, #tpu.memory_space<vmem>> -> memref<128x144xf32, #tpu.memory_space<vmem>>
      %dma_wait3A_432 = arith.constant 0 : i32
      %dma_wait3A_433 = arith.constant 0 : i32
      %dma_wait3A_434 = tpu.memref_slice %arg4[%dma_wait3A_412, %dma_wait3A_432, %dma_wait3A_433] : memref<4x10128x144xf32, #tpu.memory_space<hbm>> -> memref<1x10128x144xf32, #tpu.memory_space<hbm>>
      %dma_wait3A_435 = tpu.memref_squeeze %dma_wait3A_434 : memref<1x10128x144xf32, #tpu.memory_space<hbm>> -> memref<10128x144xf32, #tpu.memory_space<hbm>>
      %dma_wait3A_436 = arith.constant 0 : i32
      %dma_wait3A_437 = arith.constant 0 : i32
      %dma_wait3A_438 = tpu.memref_slice %dma_wait3A_435[%dma_wait3A_436, %dma_wait3A_437] : memref<10128x144xf32, #tpu.memory_space<hbm>> -> memref<128x144xf32, #tpu.memory_space<hbm>>
      tpu.wait_dma2 semaphore(%dma_wait3A_427 : memref<!tpu.dma_semaphore, #tpu.memory_space<semaphore_mem>>) src(%dma_wait3A_438 : memref<128x144xf32, #tpu.memory_space<hbm>>) dst(%dma_wait3A_431 : memref<128x144xf32, #tpu.memory_space<vmem>>)
      %add3A_439 = arith.constant 2 : i32
      %add3A_440 = arith.addi %add3A_411, %add3A_439 : i32
      %lt3A_441 = arith.constant 80 : i32
      %lt3A_442 = arith.cmpi slt, %add3A_440, %lt3A_441 : i32
      %convert_element_type3A_443 = arith.extui %lt3A_442 : i1 to i32
      %cond3A_444 = arith.constant 0 : i32
      %cond3A_445 = arith.cmpi ne, %convert_element_type3A_443, %cond3A_444 : i32
      scf.if %cond3A_445 {
        %add3A_454 = arith.constant 2 : i32
        %add3A_455 = arith.addi %add3A_411, %add3A_454 : i32
        %add3A_456 = arith.addi %mul3A_2, %add3A_455 : i32
        %dma_start3A_457 = arith.constant 1 : i32
        %dma_start3A_458 = arith.constant 0 : i32
        %dma_start3A_459 = tpu.memref_slice %arg2[%add3A_456, %dma_start3A_458] : memref<1280x128xi32, #tpu.memory_space<hbm>> -> memref<1x128xi32, #tpu.memory_space<hbm>>
        %dma_start3A_460 = tpu.memref_squeeze %dma_start3A_459 : memref<1x128xi32, #tpu.memory_space<hbm>> -> memref<128xi32, #tpu.memory_space<hbm>>
        %dma_start3A_461 = tpu.memref_slice %arg18[%dma_start3A_457] : memref<4x!tpu.dma_semaphore, #tpu.memory_space<semaphore_mem>> -> memref<1x!tpu.dma_semaphore, #tpu.memory_space<semaphore_mem>>
        %dma_start3A_462 = tpu.memref_squeeze %dma_start3A_461 : memref<1x!tpu.dma_semaphore, #tpu.memory_space<semaphore_mem>> -> memref<!tpu.dma_semaphore, #tpu.memory_space<semaphore_mem>>
        %dma_start3A_463 = arith.constant 0 : i32
        %dma_start3A_464 = tpu.memref_slice %arg2[%add3A_456, %dma_start3A_463] : memref<1280x128xi32, #tpu.memory_space<hbm>> -> memref<1x128xi32, #tpu.memory_space<hbm>>
        %dma_start3A_465 = tpu.memref_squeeze %dma_start3A_464 : memref<1x128xi32, #tpu.memory_space<hbm>> -> memref<128xi32, #tpu.memory_space<hbm>>
        tpu.enqueue_dma source(%dma_start3A_465 : memref<128xi32, #tpu.memory_space<hbm>>) target(%arg8 : memref<128xi32, #tpu.memory_space<vmem>>) target_semaphore(%dma_start3A_462 : memref<!tpu.dma_semaphore, #tpu.memory_space<semaphore_mem>>)
        %add3A_466 = arith.addi %mul3A_2, %add3A_455 : i32
        %dma_start3A_467 = arith.constant 1 : i32
        %dma_start3A_468 = arith.constant 0 : i32
        %dma_start3A_469 = tpu.memref_slice %arg3[%add3A_466, %dma_start3A_468] : memref<1280x128xi32, #tpu.memory_space<hbm>> -> memref<1x128xi32, #tpu.memory_space<hbm>>
        %dma_start3A_470 = tpu.memref_squeeze %dma_start3A_469 : memref<1x128xi32, #tpu.memory_space<hbm>> -> memref<128xi32, #tpu.memory_space<hbm>>
        %dma_start3A_471 = tpu.memref_slice %arg18[%dma_start3A_467] : memref<4x!tpu.dma_semaphore, #tpu.memory_space<semaphore_mem>> -> memref<1x!tpu.dma_semaphore, #tpu.memory_space<semaphore_mem>>
        %dma_start3A_472 = tpu.memref_squeeze %dma_start3A_471 : memref<1x!tpu.dma_semaphore, #tpu.memory_space<semaphore_mem>> -> memref<!tpu.dma_semaphore, #tpu.memory_space<semaphore_mem>>
        %dma_start3A_473 = arith.constant 0 : i32
        %dma_start3A_474 = tpu.memref_slice %arg3[%add3A_466, %dma_start3A_473] : memref<1280x128xi32, #tpu.memory_space<hbm>> -> memref<1x128xi32, #tpu.memory_space<hbm>>
        %dma_start3A_475 = tpu.memref_squeeze %dma_start3A_474 : memref<1x128xi32, #tpu.memory_space<hbm>> -> memref<128xi32, #tpu.memory_space<hbm>>
        tpu.enqueue_dma source(%dma_start3A_475 : memref<128xi32, #tpu.memory_space<hbm>>) target(%arg12 : memref<128xi32, #tpu.memory_space<vmem>>) target_semaphore(%dma_start3A_472 : memref<!tpu.dma_semaphore, #tpu.memory_space<semaphore_mem>>)
      } else {
      }
      %run_scoped3A_446 = arith.constant 1 : i32
      "tpu.region"() ({
        %run_scoped3A_454 = tpu.sem_alloc : memref<!tpu.dma_semaphore, #tpu.memory_space<semaphore_mem>>
        %dma_start3A_455 = arith.constant 0 : i32
        %dma_start3A_456 = arith.constant 0 : i32
        %dma_start3A_457 = tpu.memref_slice %arg15[%run_scoped3A_446, %dma_start3A_455, %dma_start3A_456] : memref<2x128x144xf32, #tpu.memory_space<vmem>> -> memref<1x128x144xf32, #tpu.memory_space<vmem>>
        %dma_start3A_458 = tpu.memref_squeeze %dma_start3A_457 : memref<1x128x144xf32, #tpu.memory_space<vmem>> -> memref<128x144xf32, #tpu.memory_space<vmem>>
        %dma_start3A_459 = arith.constant 0 : i32
        %dma_start3A_460 = arith.constant 0 : i32
        %dma_start3A_461 = tpu.memref_slice %arg16[%dma_start3A_459, %dma_start3A_460] : memref<10000x144xf32, #tpu.memory_space<vmem_shared>> -> memref<10000x144xf32, #tpu.memory_space<vmem_shared>>
        tpu.enqueue_indirect_dma source(%dma_start3A_458 : memref<128x144xf32, #tpu.memory_space<vmem>>) target(%dma_start3A_461 : memref<10000x144xf32, #tpu.memory_space<vmem_shared>>) offsets(%arg14 : memref<128xi32, #tpu.memory_space<vmem>>) semaphore(%run_scoped3A_454 : memref<!tpu.dma_semaphore, #tpu.memory_space<semaphore_mem>>) {add = true}
        %dma_wait3A_462 = arith.constant 0 : i32
        %dma_wait3A_463 = arith.constant 0 : i32
        %dma_wait3A_464 = tpu.memref_slice %arg15[%run_scoped3A_446, %dma_wait3A_462, %dma_wait3A_463] : memref<2x128x144xf32, #tpu.memory_space<vmem>> -> memref<1x128x144xf32, #tpu.memory_space<vmem>>
        %dma_wait3A_465 = tpu.memref_squeeze %dma_wait3A_464 : memref<1x128x144xf32, #tpu.memory_space<vmem>> -> memref<128x144xf32, #tpu.memory_space<vmem>>
        %dma_wait3A_466 = arith.constant 0 : i32
        %dma_wait3A_467 = arith.constant 0 : i32
        %dma_wait3A_468 = tpu.memref_slice %arg16[%dma_wait3A_466, %dma_wait3A_467] : memref<10000x144xf32, #tpu.memory_space<vmem_shared>> -> memref<10000x144xf32, #tpu.memory_space<vmem_shared>>
        tpu.wait_indirect_dma semaphore(%run_scoped3A_454 : memref<!tpu.dma_semaphore, #tpu.memory_space<semaphore_mem>>) src(%dma_wait3A_465 : memref<128x144xf32, #tpu.memory_space<vmem>>) dst(%dma_wait3A_468 : memref<10000x144xf32, #tpu.memory_space<vmem_shared>>)
        tpu.yield
      }) : () -> ()
      %add3A_447 = arith.constant 2 : i32
      %add3A_448 = arith.addi %add3A_411, %add3A_447 : i32
      %lt3A_449 = arith.constant 80 : i32
      %lt3A_450 = arith.cmpi slt, %add3A_448, %lt3A_449 : i32
      %convert_element_type3A_451 = arith.extui %lt3A_450 : i1 to i32
      %cond3A_452 = arith.constant 0 : i32
      %cond3A_453 = arith.cmpi ne, %convert_element_type3A_451, %cond3A_452 : i32
      scf.if %cond3A_453 {
        %dma_wait3A_454 = arith.constant 0 : i32
        %dma_wait3A_455 = arith.constant 1 : i32
        %dma_wait3A_456 = arith.constant 0 : i32
        %dma_wait3A_457 = tpu.memref_slice %arg2[%dma_wait3A_454, %dma_wait3A_456] : memref<1280x128xi32, #tpu.memory_space<hbm>> -> memref<1x128xi32, #tpu.memory_space<hbm>>
        %dma_wait3A_458 = tpu.memref_squeeze %dma_wait3A_457 : memref<1x128xi32, #tpu.memory_space<hbm>> -> memref<128xi32, #tpu.memory_space<hbm>>
        %dma_wait3A_459 = tpu.memref_slice %arg18[%dma_wait3A_455] : memref<4x!tpu.dma_semaphore, #tpu.memory_space<semaphore_mem>> -> memref<1x!tpu.dma_semaphore, #tpu.memory_space<semaphore_mem>>
        %dma_wait3A_460 = tpu.memref_squeeze %dma_wait3A_459 : memref<1x!tpu.dma_semaphore, #tpu.memory_space<semaphore_mem>> -> memref<!tpu.dma_semaphore, #tpu.memory_space<semaphore_mem>>
        %dma_wait3A_461 = arith.constant 0 : i32
        %dma_wait3A_462 = tpu.memref_slice %arg2[%dma_wait3A_454, %dma_wait3A_461] : memref<1280x128xi32, #tpu.memory_space<hbm>> -> memref<1x128xi32, #tpu.memory_space<hbm>>
        %dma_wait3A_463 = tpu.memref_squeeze %dma_wait3A_462 : memref<1x128xi32, #tpu.memory_space<hbm>> -> memref<128xi32, #tpu.memory_space<hbm>>
        tpu.wait_dma2 semaphore(%dma_wait3A_460 : memref<!tpu.dma_semaphore, #tpu.memory_space<semaphore_mem>>) src(%dma_wait3A_463 : memref<128xi32, #tpu.memory_space<hbm>>) dst(%arg8 : memref<128xi32, #tpu.memory_space<vmem>>)
        %dma_wait3A_464 = arith.constant 0 : i32
        %dma_wait3A_465 = arith.constant 1 : i32
        %dma_wait3A_466 = arith.constant 0 : i32
        %dma_wait3A_467 = tpu.memref_slice %arg3[%dma_wait3A_464, %dma_wait3A_466] : memref<1280x128xi32, #tpu.memory_space<hbm>> -> memref<1x128xi32, #tpu.memory_space<hbm>>
        %dma_wait3A_468 = tpu.memref_squeeze %dma_wait3A_467 : memref<1x128xi32, #tpu.memory_space<hbm>> -> memref<128xi32, #tpu.memory_space<hbm>>
        %dma_wait3A_469 = tpu.memref_slice %arg18[%dma_wait3A_465] : memref<4x!tpu.dma_semaphore, #tpu.memory_space<semaphore_mem>> -> memref<1x!tpu.dma_semaphore, #tpu.memory_space<semaphore_mem>>
        %dma_wait3A_470 = tpu.memref_squeeze %dma_wait3A_469 : memref<1x!tpu.dma_semaphore, #tpu.memory_space<semaphore_mem>> -> memref<!tpu.dma_semaphore, #tpu.memory_space<semaphore_mem>>
        %dma_wait3A_471 = arith.constant 0 : i32
        %dma_wait3A_472 = tpu.memref_slice %arg3[%dma_wait3A_464, %dma_wait3A_471] : memref<1280x128xi32, #tpu.memory_space<hbm>> -> memref<1x128xi32, #tpu.memory_space<hbm>>
        %dma_wait3A_473 = tpu.memref_squeeze %dma_wait3A_472 : memref<1x128xi32, #tpu.memory_space<hbm>> -> memref<128xi32, #tpu.memory_space<hbm>>
        tpu.wait_dma2 semaphore(%dma_wait3A_470 : memref<!tpu.dma_semaphore, #tpu.memory_space<semaphore_mem>>) src(%dma_wait3A_473 : memref<128xi32, #tpu.memory_space<hbm>>) dst(%arg12 : memref<128xi32, #tpu.memory_space<vmem>>)
        %dma_start3A_474 = arith.constant 1 : i32
        %dma_start3A_475 = arith.constant 1 : i32
        %dma_start3A_476 = arith.constant 0 : i32
        %dma_start3A_477 = arith.constant 0 : i32
        %dma_start3A_478 = tpu.memref_slice %arg15[%dma_start3A_474, %dma_start3A_476, %dma_start3A_477] : memref<2x128x144xf32, #tpu.memory_space<vmem>> -> memref<1x128x144xf32, #tpu.memory_space<vmem>>
        %dma_start3A_479 = tpu.memref_squeeze %dma_start3A_478 : memref<1x128x144xf32, #tpu.memory_space<vmem>> -> memref<128x144xf32, #tpu.memory_space<vmem>>
        %dma_start3A_480 = arith.constant 0 : i32
        %dma_start3A_481 = arith.constant 0 : i32
        %dma_start3A_482 = tpu.memref_slice %arg4[%add3A_134, %dma_start3A_480, %dma_start3A_481] : memref<4x10128x144xf32, #tpu.memory_space<hbm>> -> memref<1x10128x144xf32, #tpu.memory_space<hbm>>
        %dma_start3A_483 = tpu.memref_squeeze %dma_start3A_482 : memref<1x10128x144xf32, #tpu.memory_space<hbm>> -> memref<10128x144xf32, #tpu.memory_space<hbm>>
        %dma_start3A_484 = arith.constant 0 : i32
        %dma_start3A_485 = arith.constant 0 : i32
        %dma_start3A_486 = tpu.memref_slice %dma_start3A_483[%dma_start3A_484, %dma_start3A_485] : memref<10128x144xf32, #tpu.memory_space<hbm>> -> memref<10128x144xf32, #tpu.memory_space<hbm>>
        %dma_start3A_487 = tpu.memref_slice %arg17[%dma_start3A_475] : memref<2x!tpu.dma_semaphore, #tpu.memory_space<semaphore_mem>> -> memref<1x!tpu.dma_semaphore, #tpu.memory_space<semaphore_mem>>
        %dma_start3A_488 = tpu.memref_squeeze %dma_start3A_487 : memref<1x!tpu.dma_semaphore, #tpu.memory_space<semaphore_mem>> -> memref<!tpu.dma_semaphore, #tpu.memory_space<semaphore_mem>>
        tpu.enqueue_indirect_dma source(%dma_start3A_486 : memref<10128x144xf32, #tpu.memory_space<hbm>>) target(%dma_start3A_479 : memref<128x144xf32, #tpu.memory_space<vmem>>) offsets(%arg8 : memref<128xi32, #tpu.memory_space<vmem>>) semaphore(%dma_start3A_488 : memref<!tpu.dma_semaphore, #tpu.memory_space<semaphore_mem>>)
      } else {
      }
    }
    %scan3A_260 = arith.constant 20 : i32
    %barrier3A_261 = arith.constant 0 : index
    tpu.barrier barrier_id(%barrier3A_261)
    %mul3A_262 = arith.constant 10000 : i32
    %mul3A_263 = arith.muli %add3A_134, %mul3A_262 : i32
    %add3A_264 = arith.addi %mul3A_263, %mul3A_0 : i32
    "tpu.region"() ({
      %run_scoped3A = tpu.sem_alloc : memref<!tpu.dma_semaphore, #tpu.memory_space<semaphore_mem>>
      %dma_start3A_271 = arith.constant 0 : i32
      %dma_start3A_272 = tpu.memref_slice %arg6[%add3A_264, %dma_start3A_271] : memref<40000x144xf32, #tpu.memory_space<hbm>> -> memref<624x144xf32, #tpu.memory_space<hbm>>
      %dma_start3A_273 = arith.constant 0 : i32
      %dma_start3A_274 = tpu.memref_slice %arg16[%mul3A_0, %dma_start3A_273] : memref<10000x144xf32, #tpu.memory_space<vmem_shared>> -> memref<624x144xf32, #tpu.memory_space<vmem_shared>>
      tpu.enqueue_dma source(%dma_start3A_274 : memref<624x144xf32, #tpu.memory_space<vmem_shared>>) target(%dma_start3A_272 : memref<624x144xf32, #tpu.memory_space<hbm>>) target_semaphore(%run_scoped3A : memref<!tpu.dma_semaphore, #tpu.memory_space<semaphore_mem>>)
      %dma_wait3A_275 = arith.constant 0 : i32
      %dma_wait3A_276 = tpu.memref_slice %arg6[%add3A_264, %dma_wait3A_275] : memref<40000x144xf32, #tpu.memory_space<hbm>> -> memref<624x144xf32, #tpu.memory_space<hbm>>
      %dma_wait3A_277 = arith.constant 0 : i32
      %dma_wait3A_278 = tpu.memref_slice %arg16[%mul3A_0, %dma_wait3A_277] : memref<10000x144xf32, #tpu.memory_space<vmem_shared>> -> memref<624x144xf32, #tpu.memory_space<vmem_shared>>
      tpu.wait_dma2 semaphore(%run_scoped3A : memref<!tpu.dma_semaphore, #tpu.memory_space<semaphore_mem>>) src(%dma_wait3A_278 : memref<624x144xf32, #tpu.memory_space<vmem_shared>>) dst(%dma_wait3A_276 : memref<624x144xf32, #tpu.memory_space<hbm>>)
      tpu.yield
    }) : () -> ()
    %eq3A_265 = arith.constant 15 : i32
    %eq3A_266 = arith.cmpi eq, %arg1, %eq3A_265 : i32
    %convert_element_type3A_267 = arith.extui %eq3A_266 : i1 to i32
    %cond3A_268 = arith.constant 0 : i32
    %cond3A_269 = arith.cmpi ne, %convert_element_type3A_267, %cond3A_268 : i32
    scf.if %cond3A_269 {
      %mul3A_271 = arith.constant 10000 : i32
      %mul3A_272 = arith.muli %add3A_134, %mul3A_271 : i32
      %add3A_273 = arith.constant 9984 : i32
      %add3A_274 = arith.addi %mul3A_272, %add3A_273 : i32
      "tpu.region"() ({
        %run_scoped3A = tpu.sem_alloc : memref<!tpu.dma_semaphore, #tpu.memory_space<semaphore_mem>>
        %dma_start3A_275 = arith.constant 0 : i32
        %dma_start3A_276 = tpu.memref_slice %arg6[%add3A_274, %dma_start3A_275] : memref<40000x144xf32, #tpu.memory_space<hbm>> -> memref<16x144xf32, #tpu.memory_space<hbm>>
        %dma_start3A_277 = arith.constant 9984 : i32
        %dma_start3A_278 = arith.constant 0 : i32
        %dma_start3A_279 = tpu.memref_slice %arg16[%dma_start3A_277, %dma_start3A_278] : memref<10000x144xf32, #tpu.memory_space<vmem_shared>> -> memref<16x144xf32, #tpu.memory_space<vmem_shared>>
        tpu.enqueue_dma source(%dma_start3A_279 : memref<16x144xf32, #tpu.memory_space<vmem_shared>>) target(%dma_start3A_276 : memref<16x144xf32, #tpu.memory_space<hbm>>) target_semaphore(%run_scoped3A : memref<!tpu.dma_semaphore, #tpu.memory_space<semaphore_mem>>)
        %dma_wait3A_280 = arith.constant 0 : i32
        %dma_wait3A_281 = tpu.memref_slice %arg6[%add3A_274, %dma_wait3A_280] : memref<40000x144xf32, #tpu.memory_space<hbm>> -> memref<16x144xf32, #tpu.memory_space<hbm>>
        %dma_wait3A_282 = arith.constant 9984 : i32
        %dma_wait3A_283 = arith.constant 0 : i32
        %dma_wait3A_284 = tpu.memref_slice %arg16[%dma_wait3A_282, %dma_wait3A_283] : memref<10000x144xf32, #tpu.memory_space<vmem_shared>> -> memref<16x144xf32, #tpu.memory_space<vmem_shared>>
        tpu.wait_dma2 semaphore(%run_scoped3A : memref<!tpu.dma_semaphore, #tpu.memory_space<semaphore_mem>>) src(%dma_wait3A_284 : memref<16x144xf32, #tpu.memory_space<vmem_shared>>) dst(%dma_wait3A_281 : memref<16x144xf32, #tpu.memory_space<hbm>>)
        tpu.yield
      }) : () -> ()
    } else {
    }
    %barrier3A_270 = arith.constant 0 : index
    tpu.barrier barrier_id(%barrier3A_270)
    return
  }
}

module attributes {stable_mosaic.version = 14 : i64} {
  func.func @_tc_self(%arg0: i32, %arg1: i32, %arg2: memref<1x2000x2x128xf32, #tpu.memory_space<vmem>>, %arg3: memref<128x128xf32, #tpu.memory_space<vmem>>, %arg4: memref<1x128xf32, #tpu.memory_space<vmem>>, %arg5: memref<1x2000x2x128xf32, #tpu.memory_space<vmem>>) attributes {dimension_semantics = [#tpu.dimension_semantics<arbitrary>, #tpu.dimension_semantics<arbitrary>], iteration_bounds = array<i64: 2, 5>, scalar_prefetch = 0 : i64, scratch_operands = 0 : i64, tpu.core_type = #tpu.core_type<tc>, window_params = [{transform_indices = @transform_0, window_bounds = array<i64: 1, 2000, 2, 128>}, {pipeline_mode = #tpu.pipeline_mode<synchronous>, transform_indices = @transform_1, window_bounds = array<i64: 128, 128>}, {pipeline_mode = #tpu.pipeline_mode<synchronous>, transform_indices = @transform_2, window_bounds = array<i64: 1, 128>}, {transform_indices = @transform_3, window_bounds = array<i64: 1, 2000, 2, 128>}]} {
    %get3A = arith.constant 0 : index
    %get3A_0 = arith.constant 0 : index
    %get3A_1 = vector.load %arg3[%get3A, %get3A_0] : memref<128x128xf32, #tpu.memory_space<vmem>>, vector<128x128xf32>
    %get3A_2 = arith.constant 0 : index
    %get3A_3 = arith.constant 0 : index
    %get3A_4 = vector.load %arg4[%get3A_2, %get3A_3] : memref<1x128xf32, #tpu.memory_space<vmem>>, vector<1x128xf32>
    %get3A_5 = vector.shape_cast %get3A_4 : vector<1x128xf32> to vector<128xf32>
    %get3A_6 = arith.constant 0 : index
    %get3A_7 = arith.constant 0 : index
    %get3A_8 = arith.constant 0 : index
    %get3A_9 = arith.constant 0 : index
    %get3A_10 = vector.load %arg2[%get3A_6, %get3A_7, %get3A_8, %get3A_9] : memref<1x2000x2x128xf32, #tpu.memory_space<vmem>>, vector<1x2000x1x128xf32>
    %get3A_11 = vector.shape_cast %get3A_10 : vector<1x2000x1x128xf32> to vector<2000x128xf32>
    %dot_general3A = arith.constant dense<0.000000e+00> : vector<2000x128xf32>
    %dot_general3A_12 = tpu.matmul %get3A_11, %get3A_1, %dot_general3A {dimension_numbers = #tpu.dot_dimension_numbers<[1], [0], [0], [1], [0, 0, 1, 1], [], []>, precision = #tpu.contract_precision<fp32>, transpose_lhs_hint = false} : vector<2000x128xf32>, vector<128x128xf32>, vector<2000x128xf32> -> vector<2000x128xf32>
    %broadcast_in_dim3A = vector.shape_cast %get3A_5 : vector<128xf32> to vector<1x128xf32>
    %add3A = vector.broadcast %broadcast_in_dim3A : vector<1x128xf32> to vector<2000x128xf32>
    %add3A_13 = arith.addf %add3A, %dot_general3A_12 : vector<2000x128xf32>
    %swap3A = arith.constant 0 : index
    %swap3A_14 = arith.constant 0 : index
    %swap3A_15 = arith.constant 0 : index
    %swap3A_16 = arith.constant 0 : index
    %swap3A_17 = vector.load %arg5[%swap3A, %swap3A_14, %swap3A_15, %swap3A_16] : memref<1x2000x2x128xf32, #tpu.memory_space<vmem>>, vector<1x2000x1x128xf32>
    %swap3A_18 = vector.shape_cast %swap3A_17 : vector<1x2000x1x128xf32> to vector<2000x128xf32>
    %swap3A_19 = vector.shape_cast %add3A_13 : vector<2000x128xf32> to vector<1x2000x1x128xf32>
    tpu.vector_store %arg5[%swap3A, %swap3A_14, %swap3A_15, %swap3A_16], %swap3A_19 {strides = array<i32>} : memref<1x2000x2x128xf32, #tpu.memory_space<vmem>>, vector<1x2000x1x128xf32>,
    %get3A_20 = arith.constant 0 : index
    %get3A_21 = arith.constant 0 : index
    %get3A_22 = arith.constant 1 : index
    %get3A_23 = arith.constant 0 : index
    %get3A_24 = vector.load %arg2[%get3A_20, %get3A_21, %get3A_22, %get3A_23] : memref<1x2000x2x128xf32, #tpu.memory_space<vmem>>, vector<1x2000x1x128xf32>
    %get3A_25 = vector.shape_cast %get3A_24 : vector<1x2000x1x128xf32> to vector<2000x128xf32>
    %dot_general3A_26 = arith.constant dense<0.000000e+00> : vector<2000x128xf32>
    %dot_general3A_27 = tpu.matmul %get3A_25, %get3A_1, %dot_general3A_26 {dimension_numbers = #tpu.dot_dimension_numbers<[1], [0], [0], [1], [0, 0, 1, 1], [], []>, precision = #tpu.contract_precision<fp32>, transpose_lhs_hint = false} : vector<2000x128xf32>, vector<128x128xf32>, vector<2000x128xf32> -> vector<2000x128xf32>
    %broadcast_in_dim3A_28 = vector.shape_cast %get3A_5 : vector<128xf32> to vector<1x128xf32>
    %add3A_29 = vector.broadcast %broadcast_in_dim3A_28 : vector<1x128xf32> to vector<2000x128xf32>
    %add3A_30 = arith.addf %add3A_29, %dot_general3A_27 : vector<2000x128xf32>
    %swap3A_31 = arith.constant 0 : index
    %swap3A_32 = arith.constant 0 : index
    %swap3A_33 = arith.constant 1 : index
    %swap3A_34 = arith.constant 0 : index
    %swap3A_35 = vector.load %arg5[%swap3A_31, %swap3A_32, %swap3A_33, %swap3A_34] : memref<1x2000x2x128xf32, #tpu.memory_space<vmem>>, vector<1x2000x1x128xf32>
    %swap3A_36 = vector.shape_cast %swap3A_35 : vector<1x2000x1x128xf32> to vector<2000x128xf32>
    %swap3A_37 = vector.shape_cast %add3A_30 : vector<2000x128xf32> to vector<1x2000x1x128xf32>
    tpu.vector_store %arg5[%swap3A_31, %swap3A_32, %swap3A_33, %swap3A_34], %swap3A_37 {strides = array<i32>} : memref<1x2000x2x128xf32, #tpu.memory_space<vmem>>, vector<1x2000x1x128xf32>,
    return
  }
  func.func @transform_0(%arg0: i32, %arg1: i32) -> (i32, i32, i32, i32) {
    %c0_i32 = arith.constant 0 : i32
    %c0_i32_0 = arith.constant 0 : i32
    %c0_i32_1 = arith.constant 0 : i32
    return %arg0, %arg1, %c0_i32, %c0_i32_0 : i32, i32, i32, i32
  }
  func.func @transform_1(%arg0: i32, %arg1: i32) -> (i32, i32) {
    %c0_i32 = arith.constant 0 : i32
    %c0_i32_0 = arith.constant 0 : i32
    %c0_i32_1 = arith.constant 0 : i32
    return %c0_i32, %c0_i32_0 : i32, i32
  }
  func.func @transform_2(%arg0: i32, %arg1: i32) -> (i32, i32) {
    %c0_i32 = arith.constant 0 : i32
    %c0_i32_0 = arith.constant 0 : i32
    %c0_i32_1 = arith.constant 0 : i32
    return %c0_i32, %c0_i32_0 : i32, i32
  }
  func.func @transform_3(%arg0: i32, %arg1: i32) -> (i32, i32, i32, i32) {
    %c0_i32 = arith.constant 0 : i32
    %c0_i32_0 = arith.constant 0 : i32
    %c0_i32_1 = arith.constant 0 : i32
    return %arg0, %arg1, %c0_i32, %c0_i32_0 : i32, i32, i32, i32
  }
}

module attributes {stable_mosaic.version = 14 : i64} {
  func.func @_tc_fin(%arg0: i32, %arg1: i32, %arg2: memref<1x2000x2x128xf32, #tpu.memory_space<vmem>>, %arg3: memref<2x2000x144xf32, #tpu.memory_space<vmem>>, %arg4: memref<128x128xf32, #tpu.memory_space<vmem>>, %arg5: memref<1x2000x2x128xf32, #tpu.memory_space<vmem>>) attributes {dimension_semantics = [#tpu.dimension_semantics<arbitrary>, #tpu.dimension_semantics<arbitrary>], iteration_bounds = array<i64: 2, 5>, scalar_prefetch = 0 : i64, scratch_operands = 0 : i64, tpu.core_type = #tpu.core_type<tc>, window_params = [{transform_indices = @transform_0, window_bounds = array<i64: 1, 2000, 2, 128>}, {transform_indices = @transform_1, window_bounds = array<i64: 2, 2000, 144>}, {pipeline_mode = #tpu.pipeline_mode<synchronous>, transform_indices = @transform_2, window_bounds = array<i64: 128, 128>}, {transform_indices = @transform_3, window_bounds = array<i64: 1, 2000, 2, 128>}]} {
    %get3A = arith.constant 0 : index
    %get3A_0 = arith.constant 0 : index
    %get3A_1 = vector.load %arg4[%get3A, %get3A_0] : memref<128x128xf32, #tpu.memory_space<vmem>>, vector<128x128xf32>
    %get3A_2 = arith.constant 0 : index
    %get3A_3 = arith.constant 0 : index
    %get3A_4 = arith.constant 0 : index
    %get3A_5 = vector.load %arg3[%get3A_2, %get3A_3, %get3A_4] : memref<2x2000x144xf32, #tpu.memory_space<vmem>>, vector<1x2000x128xf32>
    %get3A_6 = vector.shape_cast %get3A_5 : vector<1x2000x128xf32> to vector<2000x128xf32>
    %get3A_7 = arith.constant 0 : index
    %get3A_8 = arith.constant 0 : index
    %get3A_9 = arith.constant 128 : index
    %get3A_10 = vector.load %arg3[%get3A_7, %get3A_8, %get3A_9] : memref<2x2000x144xf32, #tpu.memory_space<vmem>>, vector<1x2000x1xf32>
    %get3A_11 = vector.shape_cast %get3A_10 : vector<1x2000x1xf32> to vector<2000x1xf32>
    %max3A = arith.constant 1.000000e+00 : f32
    %max3A_12 = vector.broadcast %max3A : f32 to vector<2000x1xf32>
    %max3A_13 = arith.maximumf %get3A_11, %max3A_12 : vector<2000x1xf32>
    %div3A = vector.broadcast %max3A_13 : vector<2000x1xf32> to vector<2000x128xf32>
    %div3A_14 = arith.divf %get3A_6, %div3A : vector<2000x128xf32>
    %dot_general3A = arith.constant dense<0.000000e+00> : vector<2000x128xf32>
    %dot_general3A_15 = tpu.matmul %div3A_14, %get3A_1, %dot_general3A {dimension_numbers = #tpu.dot_dimension_numbers<[1], [0], [0], [1], [0, 0, 1, 1], [], []>, precision = #tpu.contract_precision<fp32>, transpose_lhs_hint = false} : vector<2000x128xf32>, vector<128x128xf32>, vector<2000x128xf32> -> vector<2000x128xf32>
    %get3A_16 = arith.constant 0 : index
    %get3A_17 = arith.constant 0 : index
    %get3A_18 = arith.constant 0 : index
    %get3A_19 = arith.constant 0 : index
    %get3A_20 = vector.load %arg2[%get3A_16, %get3A_17, %get3A_18, %get3A_19] : memref<1x2000x2x128xf32, #tpu.memory_space<vmem>>, vector<1x2000x1x128xf32>
    %get3A_21 = vector.shape_cast %get3A_20 : vector<1x2000x1x128xf32> to vector<2000x128xf32>
    %add3A = arith.addf %dot_general3A_15, %get3A_21 : vector<2000x128xf32>
    %max3A_22 = arith.constant 0.000000e+00 : f32
    %max3A_23 = vector.broadcast %max3A_22 : f32 to vector<2000x128xf32>
    %max3A_24 = arith.maximumf %add3A, %max3A_23 : vector<2000x128xf32>
    %swap3A = arith.constant 0 : index
    %swap3A_25 = arith.constant 0 : index
    %swap3A_26 = arith.constant 0 : index
    %swap3A_27 = arith.constant 0 : index
    %swap3A_28 = vector.load %arg5[%swap3A, %swap3A_25, %swap3A_26, %swap3A_27] : memref<1x2000x2x128xf32, #tpu.memory_space<vmem>>, vector<1x2000x1x128xf32>
    %swap3A_29 = vector.shape_cast %swap3A_28 : vector<1x2000x1x128xf32> to vector<2000x128xf32>
    %swap3A_30 = vector.shape_cast %max3A_24 : vector<2000x128xf32> to vector<1x2000x1x128xf32>
    tpu.vector_store %arg5[%swap3A, %swap3A_25, %swap3A_26, %swap3A_27], %swap3A_30 {strides = array<i32>} : memref<1x2000x2x128xf32, #tpu.memory_space<vmem>>, vector<1x2000x1x128xf32>,
    %get3A_31 = arith.constant 1 : index
    %get3A_32 = arith.constant 0 : index
    %get3A_33 = arith.constant 0 : index
    %get3A_34 = vector.load %arg3[%get3A_31, %get3A_32, %get3A_33] : memref<2x2000x144xf32, #tpu.memory_space<vmem>>, vector<1x2000x128xf32>
    %get3A_35 = vector.shape_cast %get3A_34 : vector<1x2000x128xf32> to vector<2000x128xf32>
    %get3A_36 = arith.constant 1 : index
    %get3A_37 = arith.constant 0 : index
    %get3A_38 = arith.constant 128 : index
    %get3A_39 = vector.load %arg3[%get3A_36, %get3A_37, %get3A_38] : memref<2x2000x144xf32, #tpu.memory_space<vmem>>, vector<1x2000x1xf32>
    %get3A_40 = vector.shape_cast %get3A_39 : vector<1x2000x1xf32> to vector<2000x1xf32>
    %max3A_41 = arith.constant 1.000000e+00 : f32
    %max3A_42 = vector.broadcast %max3A_41 : f32 to vector<2000x1xf32>
    %max3A_43 = arith.maximumf %get3A_40, %max3A_42 : vector<2000x1xf32>
    %div3A_44 = vector.broadcast %max3A_43 : vector<2000x1xf32> to vector<2000x128xf32>
    %div3A_45 = arith.divf %get3A_35, %div3A_44 : vector<2000x128xf32>
    %dot_general3A_46 = arith.constant dense<0.000000e+00> : vector<2000x128xf32>
    %dot_general3A_47 = tpu.matmul %div3A_45, %get3A_1, %dot_general3A_46 {dimension_numbers = #tpu.dot_dimension_numbers<[1], [0], [0], [1], [0, 0, 1, 1], [], []>, precision = #tpu.contract_precision<fp32>, transpose_lhs_hint = false} : vector<2000x128xf32>, vector<128x128xf32>, vector<2000x128xf32> -> vector<2000x128xf32>
    %get3A_48 = arith.constant 0 : index
    %get3A_49 = arith.constant 0 : index
    %get3A_50 = arith.constant 1 : index
    %get3A_51 = arith.constant 0 : index
    %get3A_52 = vector.load %arg2[%get3A_48, %get3A_49, %get3A_50, %get3A_51] : memref<1x2000x2x128xf32, #tpu.memory_space<vmem>>, vector<1x2000x1x128xf32>
    %get3A_53 = vector.shape_cast %get3A_52 : vector<1x2000x1x128xf32> to vector<2000x128xf32>
    %add3A_54 = arith.addf %dot_general3A_47, %get3A_53 : vector<2000x128xf32>
    %max3A_55 = arith.constant 0.000000e+00 : f32
    %max3A_56 = vector.broadcast %max3A_55 : f32 to vector<2000x128xf32>
    %max3A_57 = arith.maximumf %add3A_54, %max3A_56 : vector<2000x128xf32>
    %swap3A_58 = arith.constant 0 : index
    %swap3A_59 = arith.constant 0 : index
    %swap3A_60 = arith.constant 1 : index
    %swap3A_61 = arith.constant 0 : index
    %swap3A_62 = vector.load %arg5[%swap3A_58, %swap3A_59, %swap3A_60, %swap3A_61] : memref<1x2000x2x128xf32, #tpu.memory_space<vmem>>, vector<1x2000x1x128xf32>
    %swap3A_63 = vector.shape_cast %swap3A_62 : vector<1x2000x1x128xf32> to vector<2000x128xf32>
    %swap3A_64 = vector.shape_cast %max3A_57 : vector<2000x128xf32> to vector<1x2000x1x128xf32>
    tpu.vector_store %arg5[%swap3A_58, %swap3A_59, %swap3A_60, %swap3A_61], %swap3A_64 {strides = array<i32>} : memref<1x2000x2x128xf32, #tpu.memory_space<vmem>>, vector<1x2000x1x128xf32>,
    return
  }
  func.func @transform_0(%arg0: i32, %arg1: i32) -> (i32, i32, i32, i32) {
    %c0_i32 = arith.constant 0 : i32
    %c0_i32_0 = arith.constant 0 : i32
    %c0_i32_1 = arith.constant 0 : i32
    return %arg0, %arg1, %c0_i32, %c0_i32_0 : i32, i32, i32, i32
  }
  func.func @transform_1(%arg0: i32, %arg1: i32) -> (i32, i32, i32) {
    %c0_i32 = arith.constant 0 : i32
    %c0_i32_0 = arith.constant 0 : i32
    return %arg0, %arg1, %c0_i32 : i32, i32, i32
  }
  func.func @transform_2(%arg0: i32, %arg1: i32) -> (i32, i32) {
    %c0_i32 = arith.constant 0 : i32
    %c0_i32_0 = arith.constant 0 : i32
    %c0_i32_1 = arith.constant 0 : i32
    return %c0_i32, %c0_i32_0 : i32, i32
  }
  func.func @transform_3(%arg0: i32, %arg1: i32) -> (i32, i32, i32, i32) {
    %c0_i32 = arith.constant 0 : i32
    %c0_i32_0 = arith.constant 0 : i32
    %c0_i32_1 = arith.constant 0 : i32
    return %arg0, %arg1, %c0_i32, %c0_i32_0 : i32, i32, i32, i32
  }
}

</mosaic_0001>

<sc_bundles>
// kernel: kernel.5.cloned.1.call-start
scs
__scs_entry_jumppad:
0x0: {  	(pc) =	sbr.rel $0x88, $3  }
0x1: {  	(tag) =	ssettag $0x0;
	lr =	simm.s32 $0x1  }
0x2: {  	[smem:$0x3F9C] =	sst lr;
	_ =	strace $0xD0000000  }
0x3: {  	_ = 	snop  }
0x4: {  	_ = 	snop  }
0x5: {  	_ = 	snop  }
0x6: {  	_ = 	snop  }
0x7: {  	_ = 	snop  }
__scs_overlays_trampoline_lowered:
0x8: {  	[smem:$0x3FAB] =	sst s0  }
0x9: {  	[smem:$0x3FAC] =	sst s1  }
0xa: {  	[smem:$0x3FAD] =	sst s2  }
0xb: {  	[smem:$0x3FAE] =	sst s3  }
0xc: {  	[smem:$0x3FAF] =	sst s4  }
0xd: {  	[smem:$0x3FB0] =	sst s5  }
0xe: {  	[smem:$0x3FB1] =	sst s6  }
0xf: {  	[smem:$0x3FB2] =	sst s7  }
0x10: {  	[smem:$0x3FB3] =	sst s8  }
0x11: {  	[smem:$0x3FB4] =	sst s9;
	s0 =	simm.s32 @!p0 $0x0  }
0x12: {  	s1 =	sld [smem:$0x3F9A];
	s0 =	simm.s32 @p0 $0x1  }
0x13: {  	[smem:$0x3FB5] =	sst s0;
	s0 =	simm.s32 @!p1 $0x0  }
0x14: {  	s2 =	sld [smem:$0x3F99];
	s0 =	simm.s32 @p1 $0x1  }
0x15: {  	[smem:$0x3FB6] =	sst s0;
	s0 =	simm.s32 @!p2 $0x0  }
0x16: {  	s3 =	sld [smem:$0x3FDB];
	s0 =	simm.s32 @p2 $0x1  }
0x17: {  	s4 =	simm.s32 $0x1BF5;
	[smem:$0x3FB8] =	sst s0  }
0x18: {  	s0 =	sld [smem:$0x3F9B];
	_ =	swait.ge [sflag:s4], $0x0  }
0x19: {  	s7 =	sld [smem:$0x3F9C]  }
0x1a: {  	s8 =	sadd.s32 $0xFFFFE003, lr  }
0x1b: {  	s9 =	sadd.s32 $0xFFFFFEF7, lr;
	s5 =	simm.s32 $0xFFFFFFFF;
	p2 =	slt.u32 s8, $0xFFFFF086  }
0x1c: {  	p1 =	slt.u32 s9, $0xF7A;
	s5 =	simm.s32 @!p2 $0x0  }
0x1d: {  	s5 =	simm.s32 @p1 $0x1;
	p0 =	seq.s32 s7, s2  }
0x1e: {  	s7 =	smul.u32 @!p0 $0xF7A, s2;
	p2 =	seq.s32 @!p0 s5, $0x0  }
0x1f: {  	s9 =	smul.u32 $0xF7A, s1;
	s8 =	simm.s32 @!p0 $0x1BF5;
	p2 =	por !p2, p0  }
0x20: {  	[sflag:s8] =	ssyncset.s32 @!p0 $0xFFFFF086;
	s6 =	sadd.s32 @!p0 s3, s7;
	s7 =	simm.s32 @!p0 $0x108  }
0x21: {  	s3 =	sadd.s32 s3, s9;
	s6 =	sadd.s32 @!p0 $0x88, s6;
	s7 =	simm.s32 @p2 $0x1082  }
0x22: {  	[simem:s7], [sflag:s8] =	dma.local @!p0 [hbm:s6], $0xF7A  }
0x23: {  	s9 =	sor.u32 $0xD0000000, s2;
	s6 =	simm.s32 $0x108;
	_ =	swait.ge @!p0 [sflag:s8], $0x0  }
0x24: {  	s3 =	sadd.s32 $0x88, s3;
	s6 =	simm.s32 @!p1 $0x1082;
	[sflag:s4] =	ssyncset.s32 $0xFFFFF086  }
0x25: {  	[simem:s6], [sflag:s4] =	dma.local [hbm:s3], $0xF7A  }
0x26: {  	[smem:$0x3F9C] =	sst s1;
	(tag) =	ssettag s2;
	_ =	strace s9  }
0x27: {  	s1 =	sld [smem:$0x3FAC]  }
0x28: {  	s2 =	sld [smem:$0x3FAD]  }
0x29: {  	s4 =	sld [smem:$0x3FAF]  }
0x2a: {  	p0 =	seq.s32 s5, $0x0;
	s5 =	sld [smem:$0x3FB0]  }
0x2b: {  	s6 =	sld [smem:$0x3FB1]  }
0x2c: {  	s7 =	sld [smem:$0x3FB2]  }
0x2d: {  	s3 =	simm.s32 $0x108;
	s8 =	sld [smem:$0x3FB3]  }
0x2e: {  	s3 =	simm.s32 @!p0 $0x1082;
	s9 =	sld [smem:$0x3FB4]  }
0x2f: {  	lr =	sadd.s32 s0, s3;
	s0 =	sld [smem:$0x3FAB]  }
0x30: {  	s3 =	sld [smem:$0x3FAE]  }
0x31: {  	[smem:$0x3FB7] =	sst s10  }
0x32: {  	s10 =	sld [smem:$0x3FB5];
	_ =	sdelay $0x3  }
0x33: {  	p0 =	seq.s32 s10, $0x1;
	s10 =	sld [smem:$0x3FB7];
	_ =	sdelay $0x3  }
0x34: {  	[smem:$0x3FB7] =	sst s10  }
0x35: {  	s10 =	sld [smem:$0x3FB6];
	_ =	sdelay $0x3  }
0x36: {  	p1 =	seq.s32 s10, $0x1;
	s10 =	sld [smem:$0x3FB7];
	_ =	sdelay $0x3  }
0x37: {  	[smem:$0x3FB7] =	sst s10  }
0x38: {  	s10 =	sld [smem:$0x3FB8]  }
0x39: {  	_ = 	snop;
	(pc) =	sbr.ind lr, $3  }
0x3a: {  	_ = 	snop  }
0x3b: {  	_ = 	snop  }
0x3c: {  	p2 =	seq.s32 s10, $0x1;
	s10 =	sld [smem:$0x3FB7]  }
0x3d: {  	_ =	shalt  }
0x3e: {  	_ =	shalt  }
0x3f: {  	_ =	shalt  }
0x40: {  	_ =	shalt  }
0x41: {  	_ =	shalt  }
0x42: {  	_ =	shalt  }
0x43: {  	_ =	shalt  }
0x44: {  	_ =	shalt  }
0x45: {  	_ =	shalt  }
0x46: {  	_ =	shalt  }
0x47: {  	_ =	shalt  }
0x48: {  	_ =	shalt  }
0x49: {  	_ =	shalt  }
0x4a: {  	_ =	shalt  }
0x4b: {  	_ =	shalt  }
0x4c: {  	_ =	shalt  }
0x4d: {  	_ =	shalt  }
0x4e: {  	_ =	shalt  }
0x4f: {  	_ =	shalt  }
0x50: {  	_ =	shalt  }
0x51: {  	_ =	shalt  }
0x52: {  	_ =	shalt  }
0x53: {  	_ =	shalt  }
0x54: {  	_ =	shalt  }
0x55: {  	_ =	shalt  }
0x56: {  	_ =	shalt  }
0x57: {  	_ =	shalt  }
0x58: {  	_ =	shalt  }
0x59: {  	_ =	shalt  }
0x5a: {  	_ =	shalt  }
0x5b: {  	_ =	shalt  }
0x5c: {  	_ =	shalt  }
0x5d: {  	_ =	shalt  }
0x5e: {  	_ =	shalt  }
0x5f: {  	_ =	shalt  }
0x60: {  	_ =	shalt  }
0x61: {  	_ =	shalt  }
0x62: {  	_ =	shalt  }
0x63: {  	_ =	shalt  }
0x64: {  	_ =	shalt  }
0x65: {  	_ =	shalt  }
0x66: {  	_ =	shalt  }
0x67: {  	_ =	shalt  }
0x68: {  	_ =	shalt  }
0x69: {  	_ =	shalt  }
0x6a: {  	_ =	shalt  }
0x6b: {  	_ =	shalt  }
0x6c: {  	_ =	shalt  }
0x6d: {  	_ =	shalt  }
0x6e: {  	_ =	shalt  }
0x6f: {  	_ =	shalt  }
0x70: {  	_ =	shalt  }
0x71: {  	_ =	shalt  }
0x72: {  	_ =	shalt  }
0x73: {  	_ =	shalt  }
0x74: {  	_ =	shalt  }
0x75: {  	_ =	shalt  }
0x76: {  	_ =	shalt  }
0x77: {  	_ =	shalt  }
0x78: {  	_ =	shalt  }
0x79: {  	_ =	shalt  }
0x7a: {  	_ =	shalt  }
0x7b: {  	_ =	shalt  }
0x7c: {  	_ =	shalt  }
0x7d: {  	_ =	shalt  }
0x7e: {  	_ =	shalt  }
0x7f: {  	_ =	shalt  }
0x80: {  	_ =	shalt  }
0x81: {  	_ =	shalt  }
0x82: {  	_ =	shalt  }
0x83: {  	_ =	shalt  }
0x84: {  	_ =	shalt  }
0x85: {  	_ =	shalt  }
0x86: {  	_ =	shalt  }
0x87: {  	_ =	shalt  }
.Lfunc_end0:
.L_simem_size_0:
called_computation_lowered:
.L_overlay_start_0:
0x88: {  	s2 =	sld [smem:$0x3FD9]  }
0x89: {  	s3 =	sld [smem:$0x3FFE];
	_ =	sdelay $0x1  }
0x8a: {  	s1 =	srdreg.scid  }
0x8b: {  	s0 =	sand.u32 $0x1, s1  }
0x8c: {  	s16 =	sshll.u32 s0, $0xA;
	s2 =	sadd.s32 s3, s2  }
0x8d: {  	s2 =	sadd.s32 s2, s16  }
0x8e: {  	[smem:$0x3FC3] =	sst s2  }
0x8f: {  	_ = 	snop  }
0x90: {  	(tm) =	ssettm $0x1  }
0x91: {  	s17 =	sld [smem:$0x3FFB];
	_ =	sdelay $0x3  }
0x92: {  	_ =	strace s17  }
0x93: {  	s2 =	sld [smem:$0x3FFC];
	_ =	sdelay $0x3  }
0x94: {  	_ =	strace s2  }
0x95: {  	s2 =	sld [smem:$0x3FFD];
	_ =	sdelay $0x3  }
0x96: {  	_ =	strace s2  }
0x97: {  	_ =	strace $0x8FFFFFFF  }
0x98: {  	s18 =	sld [smem:$0x3FDB];
	_ =	sdelay $0x1  }
0x99: {  	s19 =	simm.s32 $_scs_section_size  }
0x9a: {  	s4 =	simm.s32 $_size__tile_overlayer_lowered;
	s5 =	simm.s32 $_tile_overlayer_lowered  }
0x9b: {  	s22 =	simm.s32 $0x1BFF;
	s21 =	sshll.u32 s5, $0x1;
	s2 =	sadd.s32 s19, s18  }
0x9c: {  	s6 =	simm.s32 $0x0;
	s20 =	sshll.u32 s4, $0x1;
	s4 =	sadd.s32 s21, s2  }
0x9d: {  	[timem:s6], [sflag:s22] =	dma.local [hbm:s4], s20  }
0x9e: {  	_ =	swait.ge [sflag:s22], s20  }
0x9f: {  	s3 =	ssub.s32 $0x0, s20;
	[sflag:s22] =	ssyncset.done $0x0  }
0xa0: {  	[sflag:s22] =	ssyncadd.s32 s3;
	_ =	sdelay $0x1  }
0xa1: {  	s23 =	simm.s32 $0x1B8B  }
0xa2: {  	_ =	swait.ge [sflag:s23], $0x1  }
0xa3: {  	[sflag:s23] =	ssyncset.done $0x0  }
0xa4: {  	s25 =	simm.s32 $0x1B8E;
	s24 =	sld [smem:$0x3FFE];
	[sflag:s23] =	ssyncadd.s32 $0xFFFFFFFF  }
0xa5: {  	s26 =	simm.s32 $execute0_lowered;
	[smem:$0x3FD2] =	sst s25  }
0xa6: {  	s4 =	sshll.u32 s26, $0x1;
	_ =	strace $0x80000046;
	[dreg:$0x1] =	wrdreg $0xFFFFFFFF  }
0xa7: {  	s28 =	simm.s32 $_size_execute0_lowered;
	s2 =	sadd.s32 s2, s4;
	[dreg:$0x0] =	wrdreg $0x0  }
0xa8: {  	s4 =	sshll.u32 s28, $0x1;
	[dreg:$0x2] =	wrdreg s2  }
0xa9: {  	[dreg:$0x3] =	wrdreg s4  }
0xaa: {  	[dreg:$0x4] =	wrdreg $0xC0  }
0xab: {  	_ =	task [dreg:s6], $0x5FFFF  }
0xac: {  	[dreg:$0x1] =	wrdreg $0xFFFFFFFF  }
0xad: {  	[dreg:$0x0] =	wrdreg $0x60  }
0xae: {  	[dreg:$0x2] =	wrdreg s24  }
0xaf: {  	[dreg:$0x3] =	wrdreg $0x94000  }
0xb0: {  	[dreg:$0x4] =	wrdreg $0x9  }
0xb1: {  	_ =	task.clear_ibuf [dreg:s6], $0x5FFFF;
	_ =	strace $0x90000046  }
0xb2: {  	s29 =	simm.s32 $0x9;
	_ =	strace $0x80000048  }
0xb3: {  	_ =	swait.ge [sflag:s29], $0x1  }
0xb4: {  	[sflag:s29] =	ssyncadd.s32 $0xFFFFFFFF  }
0xb5: {  	_ =	strace $0x90000048  }
0xb6: {  	_ =	sfence  }
0xb7: {  	s30 =	sld [smem:$0x0];
	_ =	sdelay $0x2  }
0xb8: {  	s31 =	sshll.u32 s1, $0xD;
	s1 =	sshrl.u32 s1, $0x2  }
0xb9: {  	s3 =	sand.u32 $0x4000, s31;
	s1 =	sadd.s32 s1, s30  }
0xba: {  	s0 =	sor.u32 s3, s0;
	s1 =	sshll.u32 s1, $0x11  }
0xbb: {  	s0 =	sor.u32 s1, s0  }
0xbc: {  	s0 =	sadd.s32 $0x8F2B, s0  }
0xbd: {  	[sflag:s0] =	ssyncadd.remote.s32 $0x1  }
0xbe: {  	_ =	sfence.sel $0xFFFF  }
0xbf: {  	[dreg:$0x0] =	wrdreg $0xFFFFFFFF;
	(pc) =	sbr.abs _section_cstart, $3  }
0xc0: {  	[dreg:$0x1] =	wrdreg $0xFFFFFFFF  }
0xc1: {  	_ =	task.clear_ibuf [dreg:s6], $0x2FFFF;
	_ =	strace $0x9FFFFFFF  }
0xc2: {  	(tm) =	ssettm $0x7FFFFFFF  }
0xc3: {  	_ =	shalt  }
tec
execute0_lowered:
.L_overlay_start_1:
0x0: {  	(tag) =	ssettag $0x1  }
0x1: {  	s0 =	rddreg [dreg:$0x0]  }
0x2: {  	s1 =	rddreg [dreg:$0x1]  }
0x3: {  	s2 =	simm.s32 $0x0;
	s6 =	srdreg.scid;
	s18 =	stileid.u32  }
0x4: {  	s28 =	simm.s32 $0x4C00;
	s29 =	simm.s32 $0x1;
	s30 =	simm.s32 $0x100  }
0x5: {  	s31 =	simm.s32 $0x300;
	[smem:$0x7FF] =	sst s2;
	s21 =	smul.u32 $0x57C00, s18  }
0x6: {  	s3 =	sadd.s32 $0xB2A00, s0;
	s5 =	sadd.s32 $0xB7A00, s0;
	s10 =	smul.u32 $0x270, s18  }
0x7: {  	s7 =	sadd.s32 $0x800, s0;
	s9 =	sand.u32 $0x1, s6;
	s22 =	smul.u32 $0x500, s18  }
0x8: {  	s4 =	sadd.s32 $0xBCA00, s0;
	s0 =	sadd.s32 $0xBF600, s0;
	s12 =	smul.u32 $0x2710, s9  }
0x9: {  	s23 =	sshll.u32 s18, $0x6;
	s25 =	sadd.s32 $0x15F000, s1;
	s14 =	smul.u32 $0x2C820, s9  }
0xa: {  	p0 =	sne.s32 s18, $0xF;
	s26 =	smul.u32 $0x15F900, s9;
	s16 =	sor.u32 $0x2, s9  }
0xb: {  	_ =	strace $0x80000047;
	s8 =	ssub.s32 $0x2, s9;
	s17 =	smul.u32 $0x2710, s16  }
0xc: {  	[dreg:$0x4] =	wrdreg s25;
	s6 =	sshrl.u32 s21, $0x2;
	s21 =	smul.u32 $0x2C820, s16  }
0xd: {  	s11 =	sshrl.u32 s8, $0x1;
	s9 =	sadd.s32 s5, s22;
	s16 =	smul.u32 $0x15F900, s16  }
0xe: {  	s13 =	ssub.s32 s8, s11;
	s19 =	sadd.s32 s6, s1;
	s24 =	sadd.s32 s10, s12  }
0xf: {  	s6 =	sor.u32 $0x1C07, s23;
	s8 =	sadd.s32 s3, s22;
	s11 =	sor.u32 $0x10, s22  }
0x10: {  	s22 =	sshrl.u32 s26, $0x3;
	s12 =	sadd.s32 s7, s14;
	s14 =	simm.s32 $0x6  }
0x11: {  	s15 =	smul.u32 $0x12, s24;
	s3 =	sadd.s32 s3, s11;
	s20 =	sadd.s32 s5, s11  }
0x12: {  	s10 =	sadd.s32 s10, s17;
	s5 =	sadd.s32 s0, s22;
	s24 =	sshrl.u32 s16, $0x3  }
0x13: {  	s26 =	smax.u32 s13, $0x1;
	[dreg:$0x3] =	wrdreg s19;
	s19 =	sshrl.u32 s19, $0x3  }
0x14: {  	s22 =	simm.s32 $0x80;
	s13 =	simm.s32 $0x380;
	[dreg:$0x5] =	wrdreg s3  }
0x15: {  	s16 =	simm.s32 $0x0;
	[dreg:$0x6] =	wrdreg s20;
	s10 =	smul.u32 $0x12, s10  }
0x16: {  	s5 =	sadd.s32 $0x2BE00, s5;
	[dreg:$0xb] =	wrdreg s26;
	s20 =	simm.s32 $0x7  }
0x17: {  	s26 =	simm.s32 $0x4;
	s3 =	simm.s32 $0x2;
	s23 =	sadd.s32 s0, s15  }
.Ltmp0:
0x18: {  	[dreg:$0x8] =	wrdreg s5;
	s15 =	sadd.s32 s7, s21;
	(pc) =	sbr.rel .LBB2_1-.Ltmp0, $4  }
0x19: {  	s21 =	simm.s32 $0x200;
	s7 =	simm.s32 $0x180;
	[dreg:$0x7] =	wrdreg s23  }
0x1a: {  	s25 =	sadd.s32 s0, s10;
	s0 =	sadd.s32 s0, s24;
	s23 =	simm.s32 $0x280  }
0x1b: {  	s24 =	simm.s32 $0x3;
	[dreg:$0x9] =	wrdreg s25;
	s0 =	sadd.s32 $0x2BE00, s0  }
0x1c: {  	s25 =	simm.s32 $0x400;
	[dreg:$0xa] =	wrdreg s0;
	s0 =	simm.s32 $0x5  }
.LBB2_7:
0x1d: {  	[spmem:s1] =	stream.indirect.scatter.add.f32 [tilespmem:s25], [sflag:$0x7], $0x90, s31, s22, $0xb8;
	[tilespmem:$0x1F390] =	vst v63  }
0x1e: {  	_ =	swait.ge [sflag:s20], $0x4800  }
0x1f: {  	[sflag:s20] =	ssyncset.done $0x0  }
0x20: {  	[sflag:s20] =	ssyncadd.s32 $0xFFFFB800  }
0x21: {  	_ =	swait.ge [sflag:s3], $0x4800  }
0x22: {  	[sflag:s3] =	ssyncset.done $0x0  }
0x23: {  	[sflag:s3] =	ssyncadd.s32 $0xFFFFB800  }
0x24: {  	[spmem:s1] =	stream.indirect.scatter.add.f32 [tilespmem:s28], [sflag:$0x7], $0x90, s13, s22, $0xb8;
	[tilespmem:$0x1F390] =	vst v63  }
0x25: {  	_ =	swait.ge [sflag:s20], $0x4800  }
0x26: {  	[sflag:s20] =	ssyncset.done $0x0  }
0x27: {  	[sflag:s20] =	ssyncadd.s32 $0xFFFFB800  }
0x28: {  	[bflag:$0x0] =	sbarrier.arrive $0xFFFF  }
0x29: {  	s5 =	rddreg [dreg:$0x9]  }
0x2a: {  	[hbm:s5], [sflag:s6] =	dma.local [spmem:s19], $0x2BE0  }
0x2b: {  	_ =	swait.ge [sflag:s20], $0x2BE0  }
0x2c: {  	[sflag:s20] =	ssyncset.done $0x0  }
0x2d: {  	s5 =	rddreg [dreg:$0xa];
	[sflag:s20] =	ssyncadd.s32 $0xFFFFD420  }
0x2e: {  	[hbm:s5], [sflag:s6] =	dma.local @!p0 [spmem:s17], $0x120  }
0x2f: {  	s5 =	simm.s32 @!p0 $0x7  }
0x30: {  	_ =	swait.ge @!p0 [sflag:s5], $0x120  }
0x31: {  	s16 =	sadd.s32 $0x1, s16;
	s18 =	rddreg [dreg:$0xb]  }
0x32: {  	p1 =	sne.s32 s16, s18  }
.Ltmp1:
0x33: {  	_ = 	snop;
	(pc) =	sbr.rel @!p1 .LBB2_8-.Ltmp1, $3  }
0x34: {  	[sflag:s5] =	ssyncset.done @!p0 $0x0  }
0x35: {  	[sflag:s5] =	ssyncadd.s32 @!p0 $0xFFFFFEE0  }
0x36: {  	[bflag:$0x0] =	sbarrier.arrive $0xFFFF;
	_ =	sdelay $0x1  }
.LBB2_1:
0x37: {  	[spmem:s19], [sflag:s6] =	dma.local [hbm:s4], $0x2BE0  }
0x38: {  	_ =	swait.ge [sflag:s20], $0x2BE0  }
0x39: {  	[sflag:s20] =	ssyncset.done $0x0;
	s5 =	rddreg [dreg:$0x4]  }
0x3a: {  	[sflag:s20] =	ssyncadd.s32 $0xFFFFD420;
	s17 =	sshrl.u32 @!p0 s5, $0x3;
	s5 =	simm.s32 @!p0 $0x7  }
0x3b: {  	[spmem:s17], [sflag:s6] =	dma.local @!p0 [hbm:s4], $0x120  }
0x3c: {  	_ =	swait.ge @!p0 [sflag:s5], $0x120  }
0x3d: {  	[sflag:s5] =	ssyncset.done @!p0 $0x0  }
0x3e: {  	[sflag:s5] =	ssyncadd.s32 @!p0 $0xFFFFFEE0  }
0x3f: {  	[bflag:$0x0] =	sbarrier.arrive $0xFFFF  }
0x40: {  	[tilespmem:s2], [sflag:$0x3] =	stream.linear.gather [hbm4b:s8+s2], $0x80, $0x38;
	[tilespmem:$0x1F390] =	vst v63  }
0x41: {  	_ = 	snop  }
0x42: {  	[tilespmem:s21], [sflag:$0x3] =	stream.linear.gather [hbm4b:s9+s2], $0x80, $0x38;
	[tilespmem:$0x1F390] =	vst v63  }
0x43: {  	s11 =	rddreg [dreg:$0x5]  }
0x44: {  	[tilespmem:s22], [sflag:$0x4] =	stream.linear.gather [hbm4b:s11+s2], $0x80, $0x38;
	[tilespmem:$0x1F390] =	vst v63  }
0x45: {  	s18 =	rddreg [dreg:$0x6]  }
0x46: {  	[tilespmem:s23], [sflag:$0x4] =	stream.linear.gather [hbm4b:s18+s2], $0x80, $0x38;
	[tilespmem:$0x1F390] =	vst v63  }
0x47: {  	_ =	swait.ge [sflag:s24], $0x80  }
0x48: {  	[sflag:s24] =	ssyncset.done $0x0  }
0x49: {  	[sflag:s24] =	ssyncadd.s32 $0xFFFFFF80  }
0x4a: {  	_ =	swait.ge [sflag:s24], $0x80  }
0x4b: {  	[sflag:s24] =	ssyncset.done $0x0  }
0x4c: {  	[sflag:s24] =	ssyncadd.s32 $0xFFFFFF80  }
0x4d: {  	[tilespmem:s25], [sflag:$0x1] =	stream.indirect.gather [hbm4b:s12+s22], $0x90, s2, s22, $0xb8;
	[tilespmem:$0x1F390] =	vst v63  }
0x4e: {  	_ =	swait.ge [sflag:s26], $0x80  }
0x4f: {  	[sflag:s26] =	ssyncset.done $0x0  }
0x50: {  	[sflag:s26] =	ssyncadd.s32 $0xFFFFFF80  }
0x51: {  	_ =	swait.ge [sflag:s26], $0x80  }
0x52: {  	[sflag:s26] =	ssyncset.done $0x0  }
0x53: {  	s18 =	simm.s32 $0x0;
	[sflag:s26] =	ssyncadd.s32 $0xFFFFFF80  }
0x54: {  	[tilespmem:s28], [sflag:$0x2] =	stream.indirect.gather [hbm4b:s12+s22], $0x90, s22, s22, $0xb8;
	[tilespmem:$0x1F390] =	vst v63  }
.LBB2_2:
0x55: {  	_ =	swait.ge [sflag:s29], $0x4800  }
0x56: {  	s5 =	sadd.s32 s18, s8;
	[sflag:s29] =	ssyncset.done $0x0  }
0x57: {  	s10 =	sadd.s32 $0x20, s5;
	[sflag:s29] =	ssyncadd.s32 $0xFFFFB800  }
0x58: {  	[tilespmem:s30], [sflag:$0x5] =	stream.linear.gather [hbm4b:s10+s2], $0x80, $0x38;
	[tilespmem:$0x1F390] =	vst v63  }
0x59: {  	s10 =	sadd.s32 s18, s9  }
0x5a: {  	s11 =	sadd.s32 $0x20, s10  }
0x5b: {  	[tilespmem:s31], [sflag:$0x5] =	stream.linear.gather [hbm4b:s11+s2], $0x80, $0x38;
	[tilespmem:$0x1F390] =	vst v63  }
0x5c: {  	_ = 	snop  }
0x5d: {  	[spmem:s1] =	stream.indirect.scatter.add.f32 [tilespmem:s25], [sflag:$0x7], $0x90, s21, s22, $0xb8;
	[tilespmem:$0x1F390] =	vst v63  }
0x5e: {  	_ =	swait.ge [sflag:s20], $0x4800  }
0x5f: {  	[sflag:s20] =	ssyncset.done $0x0  }
0x60: {  	[sflag:s20] =	ssyncadd.s32 $0xFFFFB800  }
0x61: {  	_ =	swait.ge [sflag:s0], $0x80  }
0x62: {  	[sflag:s0] =	ssyncset.done $0x0  }
0x63: {  	[sflag:s0] =	ssyncadd.s32 $0xFFFFFF80  }
0x64: {  	_ =	swait.ge [sflag:s0], $0x80  }
0x65: {  	[sflag:s0] =	ssyncset.done $0x0  }
0x66: {  	[sflag:s0] =	ssyncadd.s32 $0xFFFFFF80  }
0x67: {  	[tilespmem:s25], [sflag:$0x1] =	stream.indirect.gather [hbm4b:s12+s22], $0x90, s30, s22, $0xb8;
	[tilespmem:$0x1F390] =	vst v63  }
0x68: {  	_ =	swait.ge [sflag:s3], $0x4800  }
0x69: {  	[sflag:s3] =	ssyncset.done $0x0  }
0x6a: {  	s11 =	sadd.s32 $0x30, s5;
	[sflag:s3] =	ssyncadd.s32 $0xFFFFB800  }
0x6b: {  	[tilespmem:s7], [sflag:$0x6] =	stream.linear.gather [hbm4b:s11+s2], $0x80, $0x38;
	[tilespmem:$0x1F390] =	vst v63  }
0x6c: {  	s11 =	sadd.s32 $0x30, s10  }
0x6d: {  	[tilespmem:s13], [sflag:$0x6] =	stream.linear.gather [hbm4b:s11+s2], $0x80, $0x38;
	[tilespmem:$0x1F390] =	vst v63  }
0x6e: {  	_ = 	snop  }
0x6f: {  	[spmem:s1] =	stream.indirect.scatter.add.f32 [tilespmem:s28], [sflag:$0x7], $0x90, s23, s22, $0xb8;
	[tilespmem:$0x1F390] =	vst v63  }
0x70: {  	_ =	swait.ge [sflag:s20], $0x4800  }
0x71: {  	[sflag:s20] =	ssyncset.done $0x0  }
0x72: {  	[sflag:s20] =	ssyncadd.s32 $0xFFFFB800  }
0x73: {  	_ =	swait.ge [sflag:s14], $0x80  }
0x74: {  	[sflag:s14] =	ssyncset.done $0x0  }
0x75: {  	[sflag:s14] =	ssyncadd.s32 $0xFFFFFF80  }
0x76: {  	_ =	swait.ge [sflag:s14], $0x80  }
0x77: {  	p1 =	seq.s32 s18, $0x4C0;
	[sflag:s14] =	ssyncset.done $0x0  }
.Ltmp2:
0x78: {  	[sflag:s14] =	ssyncadd.s32 $0xFFFFFF80;
	(pc) =	sbr.rel @p1 .LBB2_4-.Ltmp2, $4  }
0x79: {  	[tilespmem:s28], [sflag:$0x2] =	stream.indirect.gather [hbm4b:s12+s22], $0x90, s7, s22, $0xb8;
	[tilespmem:$0x1F390] =	vst v63  }
0x7a: {  	_ =	swait.ge [sflag:s29], $0x4800  }
0x7b: {  	[sflag:s29] =	ssyncset.done $0x0  }
0x7c: {  	[sflag:s29] =	ssyncadd.s32 $0xFFFFB800  }
0x7d: {  	s11 =	sadd.s32 $0x40, s5  }
0x7e: {  	[tilespmem:s2], [sflag:$0x3] =	stream.linear.gather [hbm4b:s11+s2], $0x80, $0x38;
	[tilespmem:$0x1F390] =	vst v63  }
0x7f: {  	s11 =	sadd.s32 $0x40, s10  }
0x80: {  	[tilespmem:s21], [sflag:$0x3] =	stream.linear.gather [hbm4b:s11+s2], $0x80, $0x38;
	[tilespmem:$0x1F390] =	vst v63  }
0x81: {  	_ = 	snop  }
0x82: {  	[spmem:s1] =	stream.indirect.scatter.add.f32 [tilespmem:s25], [sflag:$0x7], $0x90, s31, s22, $0xb8;
	[tilespmem:$0x1F390] =	vst v63  }
0x83: {  	_ =	swait.ge [sflag:s20], $0x4800  }
0x84: {  	[sflag:s20] =	ssyncset.done $0x0  }
0x85: {  	[sflag:s20] =	ssyncadd.s32 $0xFFFFB800  }
0x86: {  	_ =	swait.ge [sflag:s24], $0x80  }
0x87: {  	[sflag:s24] =	ssyncset.done $0x0  }
0x88: {  	[sflag:s24] =	ssyncadd.s32 $0xFFFFFF80  }
0x89: {  	_ =	swait.ge [sflag:s24], $0x80  }
0x8a: {  	[sflag:s24] =	ssyncset.done $0x0  }
0x8b: {  	[sflag:s24] =	ssyncadd.s32 $0xFFFFFF80  }
0x8c: {  	[tilespmem:s25], [sflag:$0x1] =	stream.indirect.gather [hbm4b:s12+s22], $0x90, s2, s22, $0xb8;
	[tilespmem:$0x1F390] =	vst v63  }
0x8d: {  	_ =	swait.ge [sflag:s3], $0x4800  }
0x8e: {  	[sflag:s3] =	ssyncset.done $0x0  }
0x8f: {  	s11 =	sadd.s32 $0x50, s5;
	[sflag:s3] =	ssyncadd.s32 $0xFFFFB800  }
0x90: {  	[tilespmem:s22], [sflag:$0x4] =	stream.linear.gather [hbm4b:s11+s2], $0x80, $0x38;
	[tilespmem:$0x1F390] =	vst v63  }
0x91: {  	s11 =	sadd.s32 $0x50, s10  }
0x92: {  	[tilespmem:s23], [sflag:$0x4] =	stream.linear.gather [hbm4b:s11+s2], $0x80, $0x38;
	[tilespmem:$0x1F390] =	vst v63  }
0x93: {  	_ = 	snop  }
0x94: {  	[spmem:s1] =	stream.indirect.scatter.add.f32 [tilespmem:s28], [sflag:$0x7], $0x90, s13, s22, $0xb8;
	[tilespmem:$0x1F390] =	vst v63  }
0x95: {  	_ =	swait.ge [sflag:s20], $0x4800  }
0x96: {  	[sflag:s20] =	ssyncset.done $0x0  }
0x97: {  	[sflag:s20] =	ssyncadd.s32 $0xFFFFB800  }
0x98: {  	_ =	swait.ge [sflag:s26], $0x80  }
0x99: {  	[sflag:s26] =	ssyncset.done $0x0  }
.Ltmp3:
0x9a: {  	[sflag:s26] =	ssyncadd.s32 $0xFFFFFF80;
	(pc) =	sbr.rel .LBB2_2-.Ltmp3, $4  }
0x9b: {  	_ =	swait.ge [sflag:s26], $0x80  }
0x9c: {  	[sflag:s26] =	ssyncset.done $0x0  }
0x9d: {  	s18 =	sadd.s32 $0x40, s18;
	[sflag:s26] =	ssyncadd.s32 $0xFFFFFF80  }
0x9e: {  	[tilespmem:s28], [sflag:$0x2] =	stream.indirect.gather [hbm4b:s12+s22], $0x90, s22, s22, $0xb8;
	[tilespmem:$0x1F390] =	vst v63  }
.LBB2_4:
0x9f: {  	[spmem:s1] =	stream.indirect.scatter.add.f32 [tilespmem:s25], [sflag:$0x7], $0x90, s31, s22, $0xb8;
	[tilespmem:$0x1F390] =	vst v63  }
0xa0: {  	_ =	swait.ge [sflag:s20], $0x4800  }
0xa1: {  	[sflag:s20] =	ssyncset.done $0x0  }
0xa2: {  	[sflag:s20] =	ssyncadd.s32 $0xFFFFB800  }
0xa3: {  	_ =	swait.ge [sflag:s3], $0x4800  }
0xa4: {  	[sflag:s3] =	ssyncset.done $0x0  }
0xa5: {  	[sflag:s3] =	ssyncadd.s32 $0xFFFFB800  }
0xa6: {  	[spmem:s1] =	stream.indirect.scatter.add.f32 [tilespmem:s28], [sflag:$0x7], $0x90, s13, s22, $0xb8;
	[tilespmem:$0x1F390] =	vst v63  }
0xa7: {  	_ =	swait.ge [sflag:s20], $0x4800  }
0xa8: {  	[sflag:s20] =	ssyncset.done $0x0  }
0xa9: {  	[sflag:s20] =	ssyncadd.s32 $0xFFFFB800  }
0xaa: {  	[bflag:$0x0] =	sbarrier.arrive $0xFFFF  }
0xab: {  	s5 =	rddreg [dreg:$0x7]  }
0xac: {  	[hbm:s5], [sflag:s6] =	dma.local [spmem:s19], $0x2BE0  }
0xad: {  	_ =	swait.ge [sflag:s20], $0x2BE0  }
0xae: {  	[sflag:s20] =	ssyncset.done $0x0  }
0xaf: {  	[sflag:s20] =	ssyncadd.s32 $0xFFFFD420  }
0xb0: {  	[bflag:$0x0] =	sbarrier.arrive @p0 $0xFFFF  }
0xb1: {  	s10 =	rddreg [dreg:$0x3]  }
0xb2: {  	s5 =	sshrl.u32 @p0 s10, $0x3  }
0xb3: {  	[spmem:s5], [sflag:s6] =	dma.local @p0 [hbm:s4], $0x2BE0  }
0xb4: {  	s5 =	simm.s32 @p0 $0x7  }
0xb5: {  	_ =	swait.ge @p0 [sflag:s5], $0x2BE0  }
0xb6: {  	[sflag:s5] =	ssyncset.done @p0 $0x0  }
0xb7: {  	[sflag:s5] =	ssyncadd.s32 @p0 $0xFFFFD420;
	s5 =	rddreg [dreg:$0x8]  }
0xb8: {  	[hbm:s5], [sflag:s6] =	dma.local @!p0 [spmem:s17], $0x120  }
0xb9: {  	s5 =	simm.s32 @!p0 $0x7  }
0xba: {  	_ =	swait.ge @!p0 [sflag:s5], $0x120  }
0xbb: {  	[sflag:s5] =	ssyncset.done @!p0 $0x0  }
0xbc: {  	[sflag:s5] =	ssyncadd.s32 @!p0 $0xFFFFFEE0  }
0xbd: {  	s10 =	sshrl.u32 @!p0 s10, $0x3;
	[bflag:$0x0] =	sbarrier.arrive @!p0 $0xFFFF  }
0xbe: {  	[spmem:s10], [sflag:s6] =	dma.local @!p0 [hbm:s4], $0x2BE0  }
0xbf: {  	_ =	swait.ge @!p0 [sflag:s5], $0x2BE0  }
0xc0: {  	[sflag:s5] =	ssyncset.done @!p0 $0x0  }
0xc1: {  	[sflag:s5] =	ssyncadd.s32 @!p0 $0xFFFFD420  }
0xc2: {  	[spmem:s17], [sflag:s6] =	dma.local @!p0 [hbm:s4], $0x120  }
0xc3: {  	_ =	swait.ge @!p0 [sflag:s5], $0x120  }
0xc4: {  	[sflag:s5] =	ssyncset.done @!p0 $0x0  }
0xc5: {  	[sflag:s5] =	ssyncadd.s32 @!p0 $0xFFFFFEE0  }
0xc6: {  	s18 =	simm.s32 $0x0;
	[bflag:$0x0] =	sbarrier.arrive $0xFFFF  }
0xc7: {  	[tilespmem:s18], [sflag:$0x3] =	stream.linear.gather [hbm4b:s8+s18], $0x80, $0x38;
	[tilespmem:$0x1F390] =	vst v63  }
0xc8: {  	_ = 	snop  }
0xc9: {  	[tilespmem:s21], [sflag:$0x3] =	stream.linear.gather [hbm4b:s9+s18], $0x80, $0x38;
	[tilespmem:$0x1F390] =	vst v63  }
0xca: {  	s10 =	rddreg [dreg:$0x5]  }
0xcb: {  	[tilespmem:s22], [sflag:$0x4] =	stream.linear.gather [hbm4b:s10+s18], $0x80, $0x38;
	[tilespmem:$0x1F390] =	vst v63  }
0xcc: {  	s11 =	rddreg [dreg:$0x6]  }
0xcd: {  	[tilespmem:s23], [sflag:$0x4] =	stream.linear.gather [hbm4b:s11+s18], $0x80, $0x38;
	[tilespmem:$0x1F390] =	vst v63  }
0xce: {  	_ =	swait.ge [sflag:s24], $0x80  }
0xcf: {  	[sflag:s24] =	ssyncset.done $0x0  }
0xd0: {  	[sflag:s24] =	ssyncadd.s32 $0xFFFFFF80  }
0xd1: {  	_ =	swait.ge [sflag:s24], $0x80  }
0xd2: {  	[sflag:s24] =	ssyncset.done $0x0  }
0xd3: {  	[sflag:s24] =	ssyncadd.s32 $0xFFFFFF80  }
0xd4: {  	[tilespmem:s25], [sflag:$0x1] =	stream.indirect.gather [hbm4b:s15+s22], $0x90, s18, s22, $0xb8;
	[tilespmem:$0x1F390] =	vst v63  }
0xd5: {  	_ =	swait.ge [sflag:s26], $0x80  }
0xd6: {  	[sflag:s26] =	ssyncset.done $0x0  }
0xd7: {  	[sflag:s26] =	ssyncadd.s32 $0xFFFFFF80  }
0xd8: {  	_ =	swait.ge [sflag:s26], $0x80  }
0xd9: {  	[sflag:s26] =	ssyncset.done $0x0  }
0xda: {  	[sflag:s26] =	ssyncadd.s32 $0xFFFFFF80  }
0xdb: {  	[tilespmem:s28], [sflag:$0x2] =	stream.indirect.gather [hbm4b:s15+s22], $0x90, s22, s22, $0xb8;
	[tilespmem:$0x1F390] =	vst v63  }
.LBB2_5:
0xdc: {  	_ =	swait.ge [sflag:s29], $0x4800  }
0xdd: {  	s5 =	sadd.s32 s18, s8;
	[sflag:s29] =	ssyncset.done $0x0  }
0xde: {  	s10 =	sadd.s32 $0x20, s5;
	[sflag:s29] =	ssyncadd.s32 $0xFFFFB800  }
0xdf: {  	[tilespmem:s30], [sflag:$0x5] =	stream.linear.gather [hbm4b:s10+s2], $0x80, $0x38;
	[tilespmem:$0x1F390] =	vst v63  }
0xe0: {  	s10 =	sadd.s32 s18, s9  }
0xe1: {  	s11 =	sadd.s32 $0x20, s10  }
0xe2: {  	[tilespmem:s31], [sflag:$0x5] =	stream.linear.gather [hbm4b:s11+s2], $0x80, $0x38;
	[tilespmem:$0x1F390] =	vst v63  }
0xe3: {  	_ = 	snop  }
0xe4: {  	[spmem:s1] =	stream.indirect.scatter.add.f32 [tilespmem:s25], [sflag:$0x7], $0x90, s21, s22, $0xb8;
	[tilespmem:$0x1F390] =	vst v63  }
0xe5: {  	_ =	swait.ge [sflag:s20], $0x4800  }
0xe6: {  	[sflag:s20] =	ssyncset.done $0x0  }
0xe7: {  	[sflag:s20] =	ssyncadd.s32 $0xFFFFB800  }
0xe8: {  	_ =	swait.ge [sflag:s0], $0x80  }
0xe9: {  	[sflag:s0] =	ssyncset.done $0x0  }
0xea: {  	[sflag:s0] =	ssyncadd.s32 $0xFFFFFF80  }
0xeb: {  	_ =	swait.ge [sflag:s0], $0x80  }
0xec: {  	[sflag:s0] =	ssyncset.done $0x0  }
0xed: {  	[sflag:s0] =	ssyncadd.s32 $0xFFFFFF80  }
0xee: {  	[tilespmem:s25], [sflag:$0x1] =	stream.indirect.gather [hbm4b:s15+s22], $0x90, s30, s22, $0xb8;
	[tilespmem:$0x1F390] =	vst v63  }
0xef: {  	_ =	swait.ge [sflag:s3], $0x4800  }
0xf0: {  	[sflag:s3] =	ssyncset.done $0x0  }
0xf1: {  	s11 =	sadd.s32 $0x30, s5;
	[sflag:s3] =	ssyncadd.s32 $0xFFFFB800  }
0xf2: {  	[tilespmem:s7], [sflag:$0x6] =	stream.linear.gather [hbm4b:s11+s2], $0x80, $0x38;
	[tilespmem:$0x1F390] =	vst v63  }
0xf3: {  	s11 =	sadd.s32 $0x30, s10  }
0xf4: {  	[tilespmem:s13], [sflag:$0x6] =	stream.linear.gather [hbm4b:s11+s2], $0x80, $0x38;
	[tilespmem:$0x1F390] =	vst v63  }
0xf5: {  	_ = 	snop  }
0xf6: {  	[spmem:s1] =	stream.indirect.scatter.add.f32 [tilespmem:s28], [sflag:$0x7], $0x90, s23, s22, $0xb8;
	[tilespmem:$0x1F390] =	vst v63  }
0xf7: {  	_ =	swait.ge [sflag:s20], $0x4800  }
0xf8: {  	[sflag:s20] =	ssyncset.done $0x0  }
0xf9: {  	[sflag:s20] =	ssyncadd.s32 $0xFFFFB800  }
0xfa: {  	_ =	swait.ge [sflag:s14], $0x80  }
0xfb: {  	[sflag:s14] =	ssyncset.done $0x0  }
0xfc: {  	[sflag:s14] =	ssyncadd.s32 $0xFFFFFF80  }
0xfd: {  	_ =	swait.ge [sflag:s14], $0x80  }
0xfe: {  	p1 =	seq.s32 s18, $0x4C0;
	[sflag:s14] =	ssyncset.done $0x0  }
.Ltmp4:
0xff: {  	[sflag:s14] =	ssyncadd.s32 $0xFFFFFF80;
	(pc) =	sbr.rel @p1 .LBB2_7-.Ltmp4, $4  }
0x100: {  	[tilespmem:s28], [sflag:$0x2] =	stream.indirect.gather [hbm4b:s15+s22], $0x90, s7, s22, $0xb8;
	[tilespmem:$0x1F390] =	vst v63  }
0x101: {  	_ =	swait.ge [sflag:s29], $0x4800  }
0x102: {  	[sflag:s29] =	ssyncset.done $0x0  }
0x103: {  	[sflag:s29] =	ssyncadd.s32 $0xFFFFB800  }
0x104: {  	s11 =	sadd.s32 $0x40, s5  }
0x105: {  	[tilespmem:s2], [sflag:$0x3] =	stream.linear.gather [hbm4b:s11+s2], $0x80, $0x38;
	[tilespmem:$0x1F390] =	vst v63  }
0x106: {  	s11 =	sadd.s32 $0x40, s10  }
0x107: {  	[tilespmem:s21], [sflag:$0x3] =	stream.linear.gather [hbm4b:s11+s2], $0x80, $0x38;
	[tilespmem:$0x1F390] =	vst v63  }
0x108: {  	_ = 	snop  }
0x109: {  	[spmem:s1] =	stream.indirect.scatter.add.f32 [tilespmem:s25], [sflag:$0x7], $0x90, s31, s22, $0xb8;
	[tilespmem:$0x1F390] =	vst v63  }
0x10a: {  	_ =	swait.ge [sflag:s20], $0x4800  }
0x10b: {  	[sflag:s20] =	ssyncset.done $0x0  }
0x10c: {  	[sflag:s20] =	ssyncadd.s32 $0xFFFFB800  }
0x10d: {  	_ =	swait.ge [sflag:s24], $0x80  }
0x10e: {  	[sflag:s24] =	ssyncset.done $0x0  }
0x10f: {  	[sflag:s24] =	ssyncadd.s32 $0xFFFFFF80  }
0x110: {  	_ =	swait.ge [sflag:s24], $0x80  }
0x111: {  	[sflag:s24] =	ssyncset.done $0x0  }
0x112: {  	[sflag:s24] =	ssyncadd.s32 $0xFFFFFF80  }
0x113: {  	[tilespmem:s25], [sflag:$0x1] =	stream.indirect.gather [hbm4b:s15+s22], $0x90, s2, s22, $0xb8;
	[tilespmem:$0x1F390] =	vst v63  }
0x114: {  	_ =	swait.ge [sflag:s3], $0x4800  }
0x115: {  	[sflag:s3] =	ssyncset.done $0x0  }
0x116: {  	s11 =	sadd.s32 $0x50, s5;
	[sflag:s3] =	ssyncadd.s32 $0xFFFFB800  }
0x117: {  	[tilespmem:s22], [sflag:$0x4] =	stream.linear.gather [hbm4b:s11+s2], $0x80, $0x38;
	[tilespmem:$0x1F390] =	vst v63  }
0x118: {  	s11 =	sadd.s32 $0x50, s10  }
0x119: {  	[tilespmem:s23], [sflag:$0x4] =	stream.linear.gather [hbm4b:s11+s2], $0x80, $0x38;
	[tilespmem:$0x1F390] =	vst v63  }
0x11a: {  	_ = 	snop  }
0x11b: {  	[spmem:s1] =	stream.indirect.scatter.add.f32 [tilespmem:s28], [sflag:$0x7], $0x90, s13, s22, $0xb8;
	[tilespmem:$0x1F390] =	vst v63  }
0x11c: {  	_ =	swait.ge [sflag:s20], $0x4800  }
0x11d: {  	[sflag:s20] =	ssyncset.done $0x0  }
0x11e: {  	[sflag:s20] =	ssyncadd.s32 $0xFFFFB800  }
0x11f: {  	_ =	swait.ge [sflag:s26], $0x80  }
0x120: {  	[sflag:s26] =	ssyncset.done $0x0  }
.Ltmp5:
0x121: {  	[sflag:s26] =	ssyncadd.s32 $0xFFFFFF80;
	(pc) =	sbr.rel .LBB2_5-.Ltmp5, $4  }
0x122: {  	_ =	swait.ge [sflag:s26], $0x80  }
0x123: {  	[sflag:s26] =	ssyncset.done $0x0  }
0x124: {  	s18 =	sadd.s32 $0x40, s18;
	[sflag:s26] =	ssyncadd.s32 $0xFFFFFF80  }
0x125: {  	[tilespmem:s28], [sflag:$0x2] =	stream.indirect.gather [hbm4b:s15+s22], $0x90, s22, s22, $0xb8;
	[tilespmem:$0x1F390] =	vst v63  }
.LBB2_8:
0x126: {  	_ =	sfence.sel $0x180000  }
0x127: {  	[bflag:$0x0] =	sbarrier.arrive $0xFFFF  }
0x128: {  	_ =	strace $0x90000047  }
0x129: {  	s0 =	stileid.u32;
	[bflag:$0x2] =	sbarrier.arrive $0xFFFF  }
0x12a: {  	p0 =	sne.s32 s0, $0x0;
	s0 =	rddreg [dreg:$0x2]  }
0x12b: {  	s0 =	sadd.s32 @!p0 $0x100000, s0  }
0x12c: {  	[sflag:s0] =	ssyncadd.tile.s32 @!p0 $0x1;
	_ =	shalt  }
.Lfunc_end2:
_tile_overlayer_lowered:
.L_overlay_start_2:
0x12d: {  	(tag) =	ssettag $0x2  }
0x12e: {  	s0 =	rddreg [dreg:$0x0];
	s2 =	stileid.u32  }
0x12f: {  	s1 =	rddreg [dreg:$0x1];
	p0 =	sne.s32 s2, $0x0  }
0x130: {  	s3 =	rddreg [dreg:$0x2];
	[bflag:$0x3] =	sbarrier.arrive $0xFFFF;
	s2 =	simm.s32 @!p0 $0x1C07  }
0x131: {  	[timem:s3], [sflag:s2] =	dma.local @!p0 [hbm:s0], s1  }
0x132: {  	s0 =	simm.s32 @!p0 $0x7  }
0x133: {  	_ =	swait.ge @!p0 [sflag:s0], s1  }
0x134: {  	s1 =	ssub.s32 @!p0 $0x0, s1;
	[sflag:s0] =	ssyncset.done @!p0 $0x0  }
0x135: {  	[sflag:s0] =	ssyncadd.s32 @!p0 s1  }
0x136: {  	[bflag:$0x3] =	sbarrier.arrive $0xFFFF  }
0x137: {  	_ =	shalt  }

</sc_bundles>
